<compile_context>
chip_gen: v7x
topology: tpu7x:2x2x1
jax: 0.10.2.dev20260603
libtpu: 0.0.44.dev20260713+nightly
codegen_flags: <defaults>
</compile_context>

<pallas_src>
import functools

import jax
import jax.numpy as jnp
from jax import lax
from jax.experimental import pallas as pl
from jax.experimental.pallas import tpu as pltpu
from jax.experimental.pallas import tpu_sc as plsc

B = 16384
D = 128
L = 16
NC = 2
NS = 16
NW = NC * NS
PER_W = B // NW
C = 128
CHUNK_SIZES = (128, 128, 128, 96, 32)
CHUNK_OFFS = (0, 128, 256, 384, 480)
NCHUNK = len(CHUNK_SIZES)
NBUF = 3


def _mf_loss_partials(users, items, scores, sample_weight,
                      user_table, item_table, user_bias, item_bias):
  mesh = plsc.VectorSubcoreMesh(core_axis_name="c", subcore_axis_name="s")

  @functools.partial(
      pl.kernel,
      mesh=mesh,
      compiler_params=pltpu.CompilerParams(needs_layout_passes=False),
      out_type=jax.ShapeDtypeStruct((NW, L), jnp.float32),
      scratch_types=[
          pltpu.VMEM((PER_W,), jnp.int32),
          pltpu.VMEM((PER_W,), jnp.int32),
          pltpu.VMEM((PER_W,), jnp.float32),
          pltpu.VMEM((PER_W,), jnp.float32),
          pltpu.VMEM((NBUF, C, D), jnp.float32),
          pltpu.VMEM((NBUF, C, D), jnp.float32),
          pltpu.VMEM((PER_W,), jnp.float32),
          pltpu.VMEM((PER_W,), jnp.float32),
          pltpu.VMEM((L,), jnp.float32),
          pltpu.SemaphoreType.DMA,
          pltpu.SemaphoreType.DMA,
          pltpu.SemaphoreType.DMA,
          pltpu.SemaphoreType.DMA,
      ],
  )
  def k(users_h, items_h, scores_h, sw_h, ut_h, it_h, ub_h, ib_h, out_h,
        idx_u, idx_i, sc_v, sw_v, u_rows, i_rows, ub_v, ib_v, part_v,
        sem0, sem1, sem2, semb):
    wid = lax.axis_index("s") * NC + lax.axis_index("c")
    base = wid * PER_W
    sems = [sem0, sem1, sem2]
    iota = lax.iota(jnp.int32, L)

    st0 = pltpu.async_copy(users_h.at[pl.ds(base, PER_W)], idx_u, semb)
    st1 = pltpu.async_copy(items_h.at[pl.ds(base, PER_W)], idx_i, semb)
    st2 = pltpu.async_copy(scores_h.at[pl.ds(base, PER_W)], sc_v, semb)
    st3 = pltpu.async_copy(sw_h.at[pl.ds(base, PER_W)], sw_v, semb)
    st0.wait()
    st1.wait()
    st2.wait()
    st3.wait()

    bias_cps = []
    for c in range(NCHUNK):
      off, sz = CHUNK_OFFS[c], CHUNK_SIZES[c]
      iu = idx_u.at[pl.ds(off, sz)]
      ii = idx_i.at[pl.ds(off, sz)]
      bias_cps.append(
          pltpu.async_copy(ub_h.at[iu], ub_v.at[pl.ds(off, sz)], semb))
      bias_cps.append(
          pltpu.async_copy(ib_h.at[ii], ib_v.at[pl.ds(off, sz)], semb))

    def issue(c):
      slot = c % NBUF
      sem = sems[slot]
      off, sz = CHUNK_OFFS[c], CHUNK_SIZES[c]
      iu = idx_u.at[pl.ds(off, sz)]
      ii = idx_i.at[pl.ds(off, sz)]
      return (
          pltpu.async_copy(ut_h.at[iu], u_rows.at[slot, pl.ds(0, sz)], sem),
          pltpu.async_copy(it_h.at[ii], i_rows.at[slot, pl.ds(0, sz)], sem),
      )

    cps = {c: issue(c) for c in range(min(NBUF, NCHUNK))}
    for cp in bias_cps:
      cp.wait()

    loss = jnp.zeros((L,), jnp.float32)
    for c in range(NCHUNK):
      for cp in cps.pop(c):
        cp.wait()
      slot = c % NBUF
      off = CHUNK_OFFS[c]
      ur = u_rows.at[slot]
      ir = i_rows.at[slot]

      def group_body(g, acc_in, ur=ur, ir=ir, off=off):
        row = g * L + iota

        zero4 = tuple(jnp.zeros((L,), jnp.float32) for _ in range(4))

        @plsc.parallel_loop(0, D, step=8, carry=zero4)
        def accs(bd, accs_in):
          out = list(accs_in)
          for dd in range(8):
            col = (iota + bd + dd) & (D - 1)
            pu = plsc.load_gather(ur, [row, col])
            pi = plsc.load_gather(ir, [row, col])
            out[dd % 4] = out[dd % 4] + pu * pi
          return tuple(out)
        dot = (accs[0] + accs[1]) + (accs[2] + accs[3])
        ubg = plsc.load_gather(ub_v, [off + row])
        ibg = plsc.load_gather(ib_v, [off + row])
        s = plsc.load_gather(sc_v, [off + row])
        w = plsc.load_gather(sw_v, [off + row])
        e = (dot + ubg + ibg) - s
        return acc_in + e * e * w

      loss = lax.fori_loop(0, CHUNK_SIZES[c] // L, group_body, loss)
      if c + NBUF < NCHUNK:
        cps[c + NBUF] = issue(c + NBUF)

    part_v[...] = loss
    pltpu.sync_copy(part_v, out_h.at[wid])

  return k(users, items, scores, sample_weight,
           user_table, item_table,
           user_bias.reshape(-1), item_bias.reshape(-1))


def kernel(users, items, scores, sample_weight,
           user_table, item_table, user_bias, item_bias):
  partials = _mf_loss_partials(users, items, scores, sample_weight,
                               user_table, item_table, user_bias, item_bias)
  return jnp.sum(partials) / jnp.float32(B)

# --- scband reference (transcript-rebuilt; emitter-appended) ---
"""Pipeline reference for scband-mf-weights-47991964565507 (READ-ONLY COPY).

The authoritative reference and input builder live on the scoring server;
editing this copy changes nothing except your own understanding.
"""

import jax, jax.numpy as jnp
import numpy as np


def setup_inputs(seed: int = 0) -> dict:
    key = jax.random.key(seed)
    ks = jax.random.split(key, 8)
    B = 16384
    U = 100000
    I = 100000
    D = 128
    users = jax.random.randint(ks[0], (B,), 0, U, dtype=jnp.int64) if jax.config.jax_enable_x64 else jax.random.randint(ks[0], (B,), 0, U, dtype=jnp.int32)
    items = jax.random.randint(ks[1], (B,), 0, I, dtype=jnp.int32)
    users = users.astype(jnp.int32)
    scores = jax.random.uniform(ks[2], (B,), dtype=jnp.float32)
    sample_weight = jax.random.uniform(ks[3], (B,), dtype=jnp.float32)
    # Learned parameters (kaiming-normal-ish init approximated with scaled normals)
    user_table = jax.random.normal(ks[4], (U, D), dtype=jnp.float32) * (2.0 / D) ** 0.5
    item_table = jax.random.normal(ks[5], (I, D), dtype=jnp.float32) * (2.0 / D) ** 0.5
    user_bias = jax.random.normal(ks[6], (U, 1), dtype=jnp.float32) * 0.1
    item_bias = jax.random.normal(ks[7], (I, 1), dtype=jnp.float32) * 0.1
    return {
        "users": users,
        "items": items,
        "scores": scores,
        "sample_weight": sample_weight,
        "user_table": user_table,
        "item_table": item_table,
        "user_bias": user_bias,
        "item_bias": item_bias,
    }


def reference(users, items, scores, sample_weight, user_table, item_table, user_bias, item_bias):
    # Embedding lookups (gathers)
    users_emb = jnp.take(user_table, users, axis=0)          # [B, D]
    items_emb = jnp.take(item_table, items, axis=0)          # [B, D]
    users_b = jnp.take(user_bias, users, axis=0).reshape(-1)  # [B]
    items_b = jnp.take(item_bias, items, axis=0).reshape(-1)  # [B]
    # Matrix-factorization prediction
    preds = (users_emb * items_emb).sum(axis=-1) + users_b + items_b  # [B]
    # Weighted MSE loss (training path of MF_Weights.forward)
    loss = jnp.mean((preds - scores) ** 2 * sample_weight)
    return loss

if __name__ == "__main__":
    import jax
    _d = setup_inputs()
    print(jax.jit(kernel)(*tuple(_d.values())))

</pallas_src>

<mosaic_0001>
#map = affine_map<(d0, d1) -> (0)>
#map1 = affine_map<(d0, d1) -> (0, 0)>
module attributes {stable_mosaic.version = 14 : i64} {
  func.func @k(%arg0: i32, %arg1: i32, %arg2: memref<16384xi32, #tpu.memory_space<hbm>>, %arg3: memref<16384xi32, #tpu.memory_space<hbm>>, %arg4: memref<16384xf32, #tpu.memory_space<hbm>>, %arg5: memref<16384xf32, #tpu.memory_space<hbm>>, %arg6: memref<100000x128xf32, #tpu.memory_space<hbm>>, %arg7: memref<100000x128xf32, #tpu.memory_space<hbm>>, %arg8: memref<100000xf32, #tpu.memory_space<hbm>>, %arg9: memref<100000xf32, #tpu.memory_space<hbm>>, %arg10: memref<32x16xf32, #tpu.memory_space<hbm>>, %arg11: memref<512xi32, #tpu.memory_space<vmem>>, %arg12: memref<512xi32, #tpu.memory_space<vmem>>, %arg13: memref<512xf32, #tpu.memory_space<vmem>>, %arg14: memref<512xf32, #tpu.memory_space<vmem>>, %arg15: memref<3x128x128xf32, #tpu.memory_space<vmem>>, %arg16: memref<3x128x128xf32, #tpu.memory_space<vmem>>, %arg17: memref<512xf32, #tpu.memory_space<vmem>>, %arg18: memref<512xf32, #tpu.memory_space<vmem>>, %arg19: memref<16xf32, #tpu.memory_space<vmem>>, %arg20: memref<!tpu.dma_semaphore, #tpu.memory_space<semaphore_mem>>, %arg21: memref<!tpu.dma_semaphore, #tpu.memory_space<semaphore_mem>>, %arg22: memref<!tpu.dma_semaphore, #tpu.memory_space<semaphore_mem>>, %arg23: memref<!tpu.dma_semaphore, #tpu.memory_space<semaphore_mem>>) attributes {dimension_semantics = [#tpu.dimension_semantics<core_parallel>, #tpu.dimension_semantics<subcore_parallel>], iteration_bounds = array<i64: 2, 16>, scalar_prefetch = 0 : i64, scratch_operands = 13 : i64, tpu.core_type = #tpu.core_type<sc_vector_subcore>, window_params = [{transform_indices = #map}, {transform_indices = #map}, {transform_indices = #map}, {transform_indices = #map}, {transform_indices = #map1}, {transform_indices = #map1}, {transform_indices = #map}, {transform_indices = #map}, {transform_indices = #map1}]} {
    %mul3A = arith.constant 2 : i32
    %mul3A_0 = arith.muli %arg1, %mul3A : i32
    %add3A = arith.addi %mul3A_0, %arg0 : i32
    %mul3A_1 = arith.constant 512 : i32
    %mul3A_2 = arith.muli %add3A, %mul3A_1 : i32
    %iota3A = tpu.iota {dimensions = array<i32: 0>} : vector<16xi32>
    %dma_start3A = tpu.memref_slice %arg2[%mul3A_2] : memref<16384xi32, #tpu.memory_space<hbm>> -> memref<512xi32, #tpu.memory_space<hbm>>
    %dma_start3A_3 = tpu.memref_slice %arg2[%mul3A_2] : memref<16384xi32, #tpu.memory_space<hbm>> -> memref<512xi32, #tpu.memory_space<hbm>>
    tpu.enqueue_dma source(%dma_start3A_3 : memref<512xi32, #tpu.memory_space<hbm>>) target(%arg11 : memref<512xi32, #tpu.memory_space<vmem>>) target_semaphore(%arg23 : memref<!tpu.dma_semaphore, #tpu.memory_space<semaphore_mem>>)
    %dma_start3A_4 = tpu.memref_slice %arg3[%mul3A_2] : memref<16384xi32, #tpu.memory_space<hbm>> -> memref<512xi32, #tpu.memory_space<hbm>>
    %dma_start3A_5 = tpu.memref_slice %arg3[%mul3A_2] : memref<16384xi32, #tpu.memory_space<hbm>> -> memref<512xi32, #tpu.memory_space<hbm>>
    tpu.enqueue_dma source(%dma_start3A_5 : memref<512xi32, #tpu.memory_space<hbm>>) target(%arg12 : memref<512xi32, #tpu.memory_space<vmem>>) target_semaphore(%arg23 : memref<!tpu.dma_semaphore, #tpu.memory_space<semaphore_mem>>)
    %dma_start3A_6 = tpu.memref_slice %arg4[%mul3A_2] : memref<16384xf32, #tpu.memory_space<hbm>> -> memref<512xf32, #tpu.memory_space<hbm>>
    %dma_start3A_7 = tpu.memref_slice %arg4[%mul3A_2] : memref<16384xf32, #tpu.memory_space<hbm>> -> memref<512xf32, #tpu.memory_space<hbm>>
    tpu.enqueue_dma source(%dma_start3A_7 : memref<512xf32, #tpu.memory_space<hbm>>) target(%arg13 : memref<512xf32, #tpu.memory_space<vmem>>) target_semaphore(%arg23 : memref<!tpu.dma_semaphore, #tpu.memory_space<semaphore_mem>>)
    %dma_start3A_8 = tpu.memref_slice %arg5[%mul3A_2] : memref<16384xf32, #tpu.memory_space<hbm>> -> memref<512xf32, #tpu.memory_space<hbm>>
    %dma_start3A_9 = tpu.memref_slice %arg5[%mul3A_2] : memref<16384xf32, #tpu.memory_space<hbm>> -> memref<512xf32, #tpu.memory_space<hbm>>
    tpu.enqueue_dma source(%dma_start3A_9 : memref<512xf32, #tpu.memory_space<hbm>>) target(%arg14 : memref<512xf32, #tpu.memory_space<vmem>>) target_semaphore(%arg23 : memref<!tpu.dma_semaphore, #tpu.memory_space<semaphore_mem>>)
    %dma_wait3A = tpu.memref_slice %arg2[%mul3A_2] : memref<16384xi32, #tpu.memory_space<hbm>> -> memref<512xi32, #tpu.memory_space<hbm>>
    %dma_wait3A_10 = tpu.memref_slice %arg2[%mul3A_2] : memref<16384xi32, #tpu.memory_space<hbm>> -> memref<512xi32, #tpu.memory_space<hbm>>
    tpu.wait_dma2 semaphore(%arg23 : memref<!tpu.dma_semaphore, #tpu.memory_space<semaphore_mem>>) src(%dma_wait3A_10 : memref<512xi32, #tpu.memory_space<hbm>>) dst(%arg11 : memref<512xi32, #tpu.memory_space<vmem>>)
    %dma_wait3A_11 = tpu.memref_slice %arg3[%mul3A_2] : memref<16384xi32, #tpu.memory_space<hbm>> -> memref<512xi32, #tpu.memory_space<hbm>>
    %dma_wait3A_12 = tpu.memref_slice %arg3[%mul3A_2] : memref<16384xi32, #tpu.memory_space<hbm>> -> memref<512xi32, #tpu.memory_space<hbm>>
    tpu.wait_dma2 semaphore(%arg23 : memref<!tpu.dma_semaphore, #tpu.memory_space<semaphore_mem>>) src(%dma_wait3A_12 : memref<512xi32, #tpu.memory_space<hbm>>) dst(%arg12 : memref<512xi32, #tpu.memory_space<vmem>>)
    %dma_wait3A_13 = tpu.memref_slice %arg4[%mul3A_2] : memref<16384xf32, #tpu.memory_space<hbm>> -> memref<512xf32, #tpu.memory_space<hbm>>
    %dma_wait3A_14 = tpu.memref_slice %arg4[%mul3A_2] : memref<16384xf32, #tpu.memory_space<hbm>> -> memref<512xf32, #tpu.memory_space<hbm>>
    tpu.wait_dma2 semaphore(%arg23 : memref<!tpu.dma_semaphore, #tpu.memory_space<semaphore_mem>>) src(%dma_wait3A_14 : memref<512xf32, #tpu.memory_space<hbm>>) dst(%arg13 : memref<512xf32, #tpu.memory_space<vmem>>)
    %dma_wait3A_15 = tpu.memref_slice %arg5[%mul3A_2] : memref<16384xf32, #tpu.memory_space<hbm>> -> memref<512xf32, #tpu.memory_space<hbm>>
    %dma_wait3A_16 = tpu.memref_slice %arg5[%mul3A_2] : memref<16384xf32, #tpu.memory_space<hbm>> -> memref<512xf32, #tpu.memory_space<hbm>>
    tpu.wait_dma2 semaphore(%arg23 : memref<!tpu.dma_semaphore, #tpu.memory_space<semaphore_mem>>) src(%dma_wait3A_16 : memref<512xf32, #tpu.memory_space<hbm>>) dst(%arg14 : memref<512xf32, #tpu.memory_space<vmem>>)
    %dma_start3A_17 = arith.constant 0 : i32
    %dma_start3A_18 = tpu.memref_slice %arg17[%dma_start3A_17] : memref<512xf32, #tpu.memory_space<vmem>> -> memref<128xf32, #tpu.memory_space<vmem>>
    %dma_start3A_19 = arith.constant 0 : i32
    %dma_start3A_20 = tpu.memref_slice %arg11[%dma_start3A_19] : memref<512xi32, #tpu.memory_space<vmem>> -> memref<128xi32, #tpu.memory_space<vmem>>
    %dma_start3A_21 = arith.constant 0 : i32
    %dma_start3A_22 = tpu.memref_slice %arg8[%dma_start3A_21] : memref<100000xf32, #tpu.memory_space<hbm>> -> memref<100000xf32, #tpu.memory_space<hbm>>
    tpu.enqueue_indirect_dma source(%dma_start3A_22 : memref<100000xf32, #tpu.memory_space<hbm>>) target(%dma_start3A_18 : memref<128xf32, #tpu.memory_space<vmem>>) offsets(%dma_start3A_20 : memref<128xi32, #tpu.memory_space<vmem>>) semaphore(%arg23 : memref<!tpu.dma_semaphore, #tpu.memory_space<semaphore_mem>>)
    %dma_start3A_23 = arith.constant 0 : i32
    %dma_start3A_24 = tpu.memref_slice %arg18[%dma_start3A_23] : memref<512xf32, #tpu.memory_space<vmem>> -> memref<128xf32, #tpu.memory_space<vmem>>
    %dma_start3A_25 = arith.constant 0 : i32
    %dma_start3A_26 = tpu.memref_slice %arg12[%dma_start3A_25] : memref<512xi32, #tpu.memory_space<vmem>> -> memref<128xi32, #tpu.memory_space<vmem>>
    %dma_start3A_27 = arith.constant 0 : i32
    %dma_start3A_28 = tpu.memref_slice %arg9[%dma_start3A_27] : memref<100000xf32, #tpu.memory_space<hbm>> -> memref<100000xf32, #tpu.memory_space<hbm>>
    tpu.enqueue_indirect_dma source(%dma_start3A_28 : memref<100000xf32, #tpu.memory_space<hbm>>) target(%dma_start3A_24 : memref<128xf32, #tpu.memory_space<vmem>>) offsets(%dma_start3A_26 : memref<128xi32, #tpu.memory_space<vmem>>) semaphore(%arg23 : memref<!tpu.dma_semaphore, #tpu.memory_space<semaphore_mem>>)
    %dma_start3A_29 = arith.constant 128 : i32
    %dma_start3A_30 = tpu.memref_slice %arg17[%dma_start3A_29] : memref<512xf32, #tpu.memory_space<vmem>> -> memref<128xf32, #tpu.memory_space<vmem>>
    %dma_start3A_31 = arith.constant 128 : i32
    %dma_start3A_32 = tpu.memref_slice %arg11[%dma_start3A_31] : memref<512xi32, #tpu.memory_space<vmem>> -> memref<128xi32, #tpu.memory_space<vmem>>
    %dma_start3A_33 = arith.constant 0 : i32
    %dma_start3A_34 = tpu.memref_slice %arg8[%dma_start3A_33] : memref<100000xf32, #tpu.memory_space<hbm>> -> memref<100000xf32, #tpu.memory_space<hbm>>
    tpu.enqueue_indirect_dma source(%dma_start3A_34 : memref<100000xf32, #tpu.memory_space<hbm>>) target(%dma_start3A_30 : memref<128xf32, #tpu.memory_space<vmem>>) offsets(%dma_start3A_32 : memref<128xi32, #tpu.memory_space<vmem>>) semaphore(%arg23 : memref<!tpu.dma_semaphore, #tpu.memory_space<semaphore_mem>>)
    %dma_start3A_35 = arith.constant 128 : i32
    %dma_start3A_36 = tpu.memref_slice %arg18[%dma_start3A_35] : memref<512xf32, #tpu.memory_space<vmem>> -> memref<128xf32, #tpu.memory_space<vmem>>
    %dma_start3A_37 = arith.constant 128 : i32
    %dma_start3A_38 = tpu.memref_slice %arg12[%dma_start3A_37] : memref<512xi32, #tpu.memory_space<vmem>> -> memref<128xi32, #tpu.memory_space<vmem>>
    %dma_start3A_39 = arith.constant 0 : i32
    %dma_start3A_40 = tpu.memref_slice %arg9[%dma_start3A_39] : memref<100000xf32, #tpu.memory_space<hbm>> -> memref<100000xf32, #tpu.memory_space<hbm>>
    tpu.enqueue_indirect_dma source(%dma_start3A_40 : memref<100000xf32, #tpu.memory_space<hbm>>) target(%dma_start3A_36 : memref<128xf32, #tpu.memory_space<vmem>>) offsets(%dma_start3A_38 : memref<128xi32, #tpu.memory_space<vmem>>) semaphore(%arg23 : memref<!tpu.dma_semaphore, #tpu.memory_space<semaphore_mem>>)
    %dma_start3A_41 = arith.constant 256 : i32
    %dma_start3A_42 = tpu.memref_slice %arg17[%dma_start3A_41] : memref<512xf32, #tpu.memory_space<vmem>> -> memref<128xf32, #tpu.memory_space<vmem>>
    %dma_start3A_43 = arith.constant 256 : i32
    %dma_start3A_44 = tpu.memref_slice %arg11[%dma_start3A_43] : memref<512xi32, #tpu.memory_space<vmem>> -> memref<128xi32, #tpu.memory_space<vmem>>
    %dma_start3A_45 = arith.constant 0 : i32
    %dma_start3A_46 = tpu.memref_slice %arg8[%dma_start3A_45] : memref<100000xf32, #tpu.memory_space<hbm>> -> memref<100000xf32, #tpu.memory_space<hbm>>
    tpu.enqueue_indirect_dma source(%dma_start3A_46 : memref<100000xf32, #tpu.memory_space<hbm>>) target(%dma_start3A_42 : memref<128xf32, #tpu.memory_space<vmem>>) offsets(%dma_start3A_44 : memref<128xi32, #tpu.memory_space<vmem>>) semaphore(%arg23 : memref<!tpu.dma_semaphore, #tpu.memory_space<semaphore_mem>>)
    %dma_start3A_47 = arith.constant 256 : i32
    %dma_start3A_48 = tpu.memref_slice %arg18[%dma_start3A_47] : memref<512xf32, #tpu.memory_space<vmem>> -> memref<128xf32, #tpu.memory_space<vmem>>
    %dma_start3A_49 = arith.constant 256 : i32
    %dma_start3A_50 = tpu.memref_slice %arg12[%dma_start3A_49] : memref<512xi32, #tpu.memory_space<vmem>> -> memref<128xi32, #tpu.memory_space<vmem>>
    %dma_start3A_51 = arith.constant 0 : i32
    %dma_start3A_52 = tpu.memref_slice %arg9[%dma_start3A_51] : memref<100000xf32, #tpu.memory_space<hbm>> -> memref<100000xf32, #tpu.memory_space<hbm>>
    tpu.enqueue_indirect_dma source(%dma_start3A_52 : memref<100000xf32, #tpu.memory_space<hbm>>) target(%dma_start3A_48 : memref<128xf32, #tpu.memory_space<vmem>>) offsets(%dma_start3A_50 : memref<128xi32, #tpu.memory_space<vmem>>) semaphore(%arg23 : memref<!tpu.dma_semaphore, #tpu.memory_space<semaphore_mem>>)
    %dma_start3A_53 = arith.constant 384 : i32
    %dma_start3A_54 = tpu.memref_slice %arg17[%dma_start3A_53] : memref<512xf32, #tpu.memory_space<vmem>> -> memref<96xf32, #tpu.memory_space<vmem>>
    %dma_start3A_55 = arith.constant 384 : i32
    %dma_start3A_56 = tpu.memref_slice %arg11[%dma_start3A_55] : memref<512xi32, #tpu.memory_space<vmem>> -> memref<96xi32, #tpu.memory_space<vmem>>
    %dma_start3A_57 = arith.constant 0 : i32
    %dma_start3A_58 = tpu.memref_slice %arg8[%dma_start3A_57] : memref<100000xf32, #tpu.memory_space<hbm>> -> memref<100000xf32, #tpu.memory_space<hbm>>
    tpu.enqueue_indirect_dma source(%dma_start3A_58 : memref<100000xf32, #tpu.memory_space<hbm>>) target(%dma_start3A_54 : memref<96xf32, #tpu.memory_space<vmem>>) offsets(%dma_start3A_56 : memref<96xi32, #tpu.memory_space<vmem>>) semaphore(%arg23 : memref<!tpu.dma_semaphore, #tpu.memory_space<semaphore_mem>>)
    %dma_start3A_59 = arith.constant 384 : i32
    %dma_start3A_60 = tpu.memref_slice %arg18[%dma_start3A_59] : memref<512xf32, #tpu.memory_space<vmem>> -> memref<96xf32, #tpu.memory_space<vmem>>
    %dma_start3A_61 = arith.constant 384 : i32
    %dma_start3A_62 = tpu.memref_slice %arg12[%dma_start3A_61] : memref<512xi32, #tpu.memory_space<vmem>> -> memref<96xi32, #tpu.memory_space<vmem>>
    %dma_start3A_63 = arith.constant 0 : i32
    %dma_start3A_64 = tpu.memref_slice %arg9[%dma_start3A_63] : memref<100000xf32, #tpu.memory_space<hbm>> -> memref<100000xf32, #tpu.memory_space<hbm>>
    tpu.enqueue_indirect_dma source(%dma_start3A_64 : memref<100000xf32, #tpu.memory_space<hbm>>) target(%dma_start3A_60 : memref<96xf32, #tpu.memory_space<vmem>>) offsets(%dma_start3A_62 : memref<96xi32, #tpu.memory_space<vmem>>) semaphore(%arg23 : memref<!tpu.dma_semaphore, #tpu.memory_space<semaphore_mem>>)
    %dma_start3A_65 = arith.constant 480 : i32
    %dma_start3A_66 = tpu.memref_slice %arg17[%dma_start3A_65] : memref<512xf32, #tpu.memory_space<vmem>> -> memref<32xf32, #tpu.memory_space<vmem>>
    %dma_start3A_67 = arith.constant 480 : i32
    %dma_start3A_68 = tpu.memref_slice %arg11[%dma_start3A_67] : memref<512xi32, #tpu.memory_space<vmem>> -> memref<32xi32, #tpu.memory_space<vmem>>
    %dma_start3A_69 = arith.constant 0 : i32
    %dma_start3A_70 = tpu.memref_slice %arg8[%dma_start3A_69] : memref<100000xf32, #tpu.memory_space<hbm>> -> memref<100000xf32, #tpu.memory_space<hbm>>
    tpu.enqueue_indirect_dma source(%dma_start3A_70 : memref<100000xf32, #tpu.memory_space<hbm>>) target(%dma_start3A_66 : memref<32xf32, #tpu.memory_space<vmem>>) offsets(%dma_start3A_68 : memref<32xi32, #tpu.memory_space<vmem>>) semaphore(%arg23 : memref<!tpu.dma_semaphore, #tpu.memory_space<semaphore_mem>>)
    %dma_start3A_71 = arith.constant 480 : i32
    %dma_start3A_72 = tpu.memref_slice %arg18[%dma_start3A_71] : memref<512xf32, #tpu.memory_space<vmem>> -> memref<32xf32, #tpu.memory_space<vmem>>
    %dma_start3A_73 = arith.constant 480 : i32
    %dma_start3A_74 = tpu.memref_slice %arg12[%dma_start3A_73] : memref<512xi32, #tpu.memory_space<vmem>> -> memref<32xi32, #tpu.memory_space<vmem>>
    %dma_start3A_75 = arith.constant 0 : i32
    %dma_start3A_76 = tpu.memref_slice %arg9[%dma_start3A_75] : memref<100000xf32, #tpu.memory_space<hbm>> -> memref<100000xf32, #tpu.memory_space<hbm>>
    tpu.enqueue_indirect_dma source(%dma_start3A_76 : memref<100000xf32, #tpu.memory_space<hbm>>) target(%dma_start3A_72 : memref<32xf32, #tpu.memory_space<vmem>>) offsets(%dma_start3A_74 : memref<32xi32, #tpu.memory_space<vmem>>) semaphore(%arg23 : memref<!tpu.dma_semaphore, #tpu.memory_space<semaphore_mem>>)
    %dma_start3A_77 = arith.constant 0 : i32
    %dma_start3A_78 = arith.constant 0 : i32
    %dma_start3A_79 = arith.constant 0 : i32
    %dma_start3A_80 = tpu.memref_slice %arg15[%dma_start3A_77, %dma_start3A_78, %dma_start3A_79] : memref<3x128x128xf32, #tpu.memory_space<vmem>> -> memref<1x128x128xf32, #tpu.memory_space<vmem>>
    %dma_start3A_81 = tpu.memref_squeeze %dma_start3A_80 : memref<1x128x128xf32, #tpu.memory_space<vmem>> -> memref<128x128xf32, #tpu.memory_space<vmem>>
    %dma_start3A_82 = arith.constant 0 : i32
    %dma_start3A_83 = tpu.memref_slice %arg11[%dma_start3A_82] : memref<512xi32, #tpu.memory_space<vmem>> -> memref<128xi32, #tpu.memory_space<vmem>>
    %dma_start3A_84 = arith.constant 0 : i32
    %dma_start3A_85 = arith.constant 0 : i32
    %dma_start3A_86 = tpu.memref_slice %arg6[%dma_start3A_84, %dma_start3A_85] : memref<100000x128xf32, #tpu.memory_space<hbm>> -> memref<100000x128xf32, #tpu.memory_space<hbm>>
    tpu.enqueue_indirect_dma source(%dma_start3A_86 : memref<100000x128xf32, #tpu.memory_space<hbm>>) target(%dma_start3A_81 : memref<128x128xf32, #tpu.memory_space<vmem>>) offsets(%dma_start3A_83 : memref<128xi32, #tpu.memory_space<vmem>>) semaphore(%arg20 : memref<!tpu.dma_semaphore, #tpu.memory_space<semaphore_mem>>)
    %dma_start3A_87 = arith.constant 0 : i32
    %dma_start3A_88 = arith.constant 0 : i32
    %dma_start3A_89 = arith.constant 0 : i32
    %dma_start3A_90 = tpu.memref_slice %arg16[%dma_start3A_87, %dma_start3A_88, %dma_start3A_89] : memref<3x128x128xf32, #tpu.memory_space<vmem>> -> memref<1x128x128xf32, #tpu.memory_space<vmem>>
    %dma_start3A_91 = tpu.memref_squeeze %dma_start3A_90 : memref<1x128x128xf32, #tpu.memory_space<vmem>> -> memref<128x128xf32, #tpu.memory_space<vmem>>
    %dma_start3A_92 = arith.constant 0 : i32
    %dma_start3A_93 = tpu.memref_slice %arg12[%dma_start3A_92] : memref<512xi32, #tpu.memory_space<vmem>> -> memref<128xi32, #tpu.memory_space<vmem>>
    %dma_start3A_94 = arith.constant 0 : i32
    %dma_start3A_95 = arith.constant 0 : i32
    %dma_start3A_96 = tpu.memref_slice %arg7[%dma_start3A_94, %dma_start3A_95] : memref<100000x128xf32, #tpu.memory_space<hbm>> -> memref<100000x128xf32, #tpu.memory_space<hbm>>
    tpu.enqueue_indirect_dma source(%dma_start3A_96 : memref<100000x128xf32, #tpu.memory_space<hbm>>) target(%dma_start3A_91 : memref<128x128xf32, #tpu.memory_space<vmem>>) offsets(%dma_start3A_93 : memref<128xi32, #tpu.memory_space<vmem>>) semaphore(%arg20 : memref<!tpu.dma_semaphore, #tpu.memory_space<semaphore_mem>>)
    %dma_start3A_97 = arith.constant 1 : i32
    %dma_start3A_98 = arith.constant 0 : i32
    %dma_start3A_99 = arith.constant 0 : i32
    %dma_start3A_100 = tpu.memref_slice %arg15[%dma_start3A_97, %dma_start3A_98, %dma_start3A_99] : memref<3x128x128xf32, #tpu.memory_space<vmem>> -> memref<1x128x128xf32, #tpu.memory_space<vmem>>
    %dma_start3A_101 = tpu.memref_squeeze %dma_start3A_100 : memref<1x128x128xf32, #tpu.memory_space<vmem>> -> memref<128x128xf32, #tpu.memory_space<vmem>>
    %dma_start3A_102 = arith.constant 128 : i32
    %dma_start3A_103 = tpu.memref_slice %arg11[%dma_start3A_102] : memref<512xi32, #tpu.memory_space<vmem>> -> memref<128xi32, #tpu.memory_space<vmem>>
    %dma_start3A_104 = arith.constant 0 : i32
    %dma_start3A_105 = arith.constant 0 : i32
    %dma_start3A_106 = tpu.memref_slice %arg6[%dma_start3A_104, %dma_start3A_105] : memref<100000x128xf32, #tpu.memory_space<hbm>> -> memref<100000x128xf32, #tpu.memory_space<hbm>>
    tpu.enqueue_indirect_dma source(%dma_start3A_106 : memref<100000x128xf32, #tpu.memory_space<hbm>>) target(%dma_start3A_101 : memref<128x128xf32, #tpu.memory_space<vmem>>) offsets(%dma_start3A_103 : memref<128xi32, #tpu.memory_space<vmem>>) semaphore(%arg21 : memref<!tpu.dma_semaphore, #tpu.memory_space<semaphore_mem>>)
    %dma_start3A_107 = arith.constant 1 : i32
    %dma_start3A_108 = arith.constant 0 : i32
    %dma_start3A_109 = arith.constant 0 : i32
    %dma_start3A_110 = tpu.memref_slice %arg16[%dma_start3A_107, %dma_start3A_108, %dma_start3A_109] : memref<3x128x128xf32, #tpu.memory_space<vmem>> -> memref<1x128x128xf32, #tpu.memory_space<vmem>>
    %dma_start3A_111 = tpu.memref_squeeze %dma_start3A_110 : memref<1x128x128xf32, #tpu.memory_space<vmem>> -> memref<128x128xf32, #tpu.memory_space<vmem>>
    %dma_start3A_112 = arith.constant 128 : i32
    %dma_start3A_113 = tpu.memref_slice %arg12[%dma_start3A_112] : memref<512xi32, #tpu.memory_space<vmem>> -> memref<128xi32, #tpu.memory_space<vmem>>
    %dma_start3A_114 = arith.constant 0 : i32
    %dma_start3A_115 = arith.constant 0 : i32
    %dma_start3A_116 = tpu.memref_slice %arg7[%dma_start3A_114, %dma_start3A_115] : memref<100000x128xf32, #tpu.memory_space<hbm>> -> memref<100000x128xf32, #tpu.memory_space<hbm>>
    tpu.enqueue_indirect_dma source(%dma_start3A_116 : memref<100000x128xf32, #tpu.memory_space<hbm>>) target(%dma_start3A_111 : memref<128x128xf32, #tpu.memory_space<vmem>>) offsets(%dma_start3A_113 : memref<128xi32, #tpu.memory_space<vmem>>) semaphore(%arg21 : memref<!tpu.dma_semaphore, #tpu.memory_space<semaphore_mem>>)
    %dma_start3A_117 = arith.constant 2 : i32
    %dma_start3A_118 = arith.constant 0 : i32
    %dma_start3A_119 = arith.constant 0 : i32
    %dma_start3A_120 = tpu.memref_slice %arg15[%dma_start3A_117, %dma_start3A_118, %dma_start3A_119] : memref<3x128x128xf32, #tpu.memory_space<vmem>> -> memref<1x128x128xf32, #tpu.memory_space<vmem>>
    %dma_start3A_121 = tpu.memref_squeeze %dma_start3A_120 : memref<1x128x128xf32, #tpu.memory_space<vmem>> -> memref<128x128xf32, #tpu.memory_space<vmem>>
    %dma_start3A_122 = arith.constant 256 : i32
    %dma_start3A_123 = tpu.memref_slice %arg11[%dma_start3A_122] : memref<512xi32, #tpu.memory_space<vmem>> -> memref<128xi32, #tpu.memory_space<vmem>>
    %dma_start3A_124 = arith.constant 0 : i32
    %dma_start3A_125 = arith.constant 0 : i32
    %dma_start3A_126 = tpu.memref_slice %arg6[%dma_start3A_124, %dma_start3A_125] : memref<100000x128xf32, #tpu.memory_space<hbm>> -> memref<100000x128xf32, #tpu.memory_space<hbm>>
    tpu.enqueue_indirect_dma source(%dma_start3A_126 : memref<100000x128xf32, #tpu.memory_space<hbm>>) target(%dma_start3A_121 : memref<128x128xf32, #tpu.memory_space<vmem>>) offsets(%dma_start3A_123 : memref<128xi32, #tpu.memory_space<vmem>>) semaphore(%arg22 : memref<!tpu.dma_semaphore, #tpu.memory_space<semaphore_mem>>)
    %dma_start3A_127 = arith.constant 2 : i32
    %dma_start3A_128 = arith.constant 0 : i32
    %dma_start3A_129 = arith.constant 0 : i32
    %dma_start3A_130 = tpu.memref_slice %arg16[%dma_start3A_127, %dma_start3A_128, %dma_start3A_129] : memref<3x128x128xf32, #tpu.memory_space<vmem>> -> memref<1x128x128xf32, #tpu.memory_space<vmem>>
    %dma_start3A_131 = tpu.memref_squeeze %dma_start3A_130 : memref<1x128x128xf32, #tpu.memory_space<vmem>> -> memref<128x128xf32, #tpu.memory_space<vmem>>
    %dma_start3A_132 = arith.constant 256 : i32
    %dma_start3A_133 = tpu.memref_slice %arg12[%dma_start3A_132] : memref<512xi32, #tpu.memory_space<vmem>> -> memref<128xi32, #tpu.memory_space<vmem>>
    %dma_start3A_134 = arith.constant 0 : i32
    %dma_start3A_135 = arith.constant 0 : i32
    %dma_start3A_136 = tpu.memref_slice %arg7[%dma_start3A_134, %dma_start3A_135] : memref<100000x128xf32, #tpu.memory_space<hbm>> -> memref<100000x128xf32, #tpu.memory_space<hbm>>
    tpu.enqueue_indirect_dma source(%dma_start3A_136 : memref<100000x128xf32, #tpu.memory_space<hbm>>) target(%dma_start3A_131 : memref<128x128xf32, #tpu.memory_space<vmem>>) offsets(%dma_start3A_133 : memref<128xi32, #tpu.memory_space<vmem>>) semaphore(%arg22 : memref<!tpu.dma_semaphore, #tpu.memory_space<semaphore_mem>>)
    %dma_wait3A_137 = arith.constant 0 : i32
    %dma_wait3A_138 = tpu.memref_slice %arg17[%dma_wait3A_137] : memref<512xf32, #tpu.memory_space<vmem>> -> memref<128xf32, #tpu.memory_space<vmem>>
    %dma_wait3A_139 = arith.constant 0 : i32
    %dma_wait3A_140 = tpu.memref_slice %arg11[%dma_wait3A_139] : memref<512xi32, #tpu.memory_space<vmem>> -> memref<128xi32, #tpu.memory_space<vmem>>
    %dma_wait3A_141 = arith.constant 0 : i32
    %dma_wait3A_142 = tpu.memref_slice %arg8[%dma_wait3A_141] : memref<100000xf32, #tpu.memory_space<hbm>> -> memref<100000xf32, #tpu.memory_space<hbm>>
    tpu.wait_indirect_dma semaphore(%arg23 : memref<!tpu.dma_semaphore, #tpu.memory_space<semaphore_mem>>) src(%dma_wait3A_142 : memref<100000xf32, #tpu.memory_space<hbm>>) dst(%dma_wait3A_138 : memref<128xf32, #tpu.memory_space<vmem>>)
    %dma_wait3A_143 = arith.constant 0 : i32
    %dma_wait3A_144 = tpu.memref_slice %arg18[%dma_wait3A_143] : memref<512xf32, #tpu.memory_space<vmem>> -> memref<128xf32, #tpu.memory_space<vmem>>
    %dma_wait3A_145 = arith.constant 0 : i32
    %dma_wait3A_146 = tpu.memref_slice %arg12[%dma_wait3A_145] : memref<512xi32, #tpu.memory_space<vmem>> -> memref<128xi32, #tpu.memory_space<vmem>>
    %dma_wait3A_147 = arith.constant 0 : i32
    %dma_wait3A_148 = tpu.memref_slice %arg9[%dma_wait3A_147] : memref<100000xf32, #tpu.memory_space<hbm>> -> memref<100000xf32, #tpu.memory_space<hbm>>
    tpu.wait_indirect_dma semaphore(%arg23 : memref<!tpu.dma_semaphore, #tpu.memory_space<semaphore_mem>>) src(%dma_wait3A_148 : memref<100000xf32, #tpu.memory_space<hbm>>) dst(%dma_wait3A_144 : memref<128xf32, #tpu.memory_space<vmem>>)
    %dma_wait3A_149 = arith.constant 128 : i32
    %dma_wait3A_150 = tpu.memref_slice %arg17[%dma_wait3A_149] : memref<512xf32, #tpu.memory_space<vmem>> -> memref<128xf32, #tpu.memory_space<vmem>>
    %dma_wait3A_151 = arith.constant 128 : i32
    %dma_wait3A_152 = tpu.memref_slice %arg11[%dma_wait3A_151] : memref<512xi32, #tpu.memory_space<vmem>> -> memref<128xi32, #tpu.memory_space<vmem>>
    %dma_wait3A_153 = arith.constant 0 : i32
    %dma_wait3A_154 = tpu.memref_slice %arg8[%dma_wait3A_153] : memref<100000xf32, #tpu.memory_space<hbm>> -> memref<100000xf32, #tpu.memory_space<hbm>>
    tpu.wait_indirect_dma semaphore(%arg23 : memref<!tpu.dma_semaphore, #tpu.memory_space<semaphore_mem>>) src(%dma_wait3A_154 : memref<100000xf32, #tpu.memory_space<hbm>>) dst(%dma_wait3A_150 : memref<128xf32, #tpu.memory_space<vmem>>)
    %dma_wait3A_155 = arith.constant 128 : i32
    %dma_wait3A_156 = tpu.memref_slice %arg18[%dma_wait3A_155] : memref<512xf32, #tpu.memory_space<vmem>> -> memref<128xf32, #tpu.memory_space<vmem>>
    %dma_wait3A_157 = arith.constant 128 : i32
    %dma_wait3A_158 = tpu.memref_slice %arg12[%dma_wait3A_157] : memref<512xi32, #tpu.memory_space<vmem>> -> memref<128xi32, #tpu.memory_space<vmem>>
    %dma_wait3A_159 = arith.constant 0 : i32
    %dma_wait3A_160 = tpu.memref_slice %arg9[%dma_wait3A_159] : memref<100000xf32, #tpu.memory_space<hbm>> -> memref<100000xf32, #tpu.memory_space<hbm>>
    tpu.wait_indirect_dma semaphore(%arg23 : memref<!tpu.dma_semaphore, #tpu.memory_space<semaphore_mem>>) src(%dma_wait3A_160 : memref<100000xf32, #tpu.memory_space<hbm>>) dst(%dma_wait3A_156 : memref<128xf32, #tpu.memory_space<vmem>>)
    %dma_wait3A_161 = arith.constant 256 : i32
    %dma_wait3A_162 = tpu.memref_slice %arg17[%dma_wait3A_161] : memref<512xf32, #tpu.memory_space<vmem>> -> memref<128xf32, #tpu.memory_space<vmem>>
    %dma_wait3A_163 = arith.constant 256 : i32
    %dma_wait3A_164 = tpu.memref_slice %arg11[%dma_wait3A_163] : memref<512xi32, #tpu.memory_space<vmem>> -> memref<128xi32, #tpu.memory_space<vmem>>
    %dma_wait3A_165 = arith.constant 0 : i32
    %dma_wait3A_166 = tpu.memref_slice %arg8[%dma_wait3A_165] : memref<100000xf32, #tpu.memory_space<hbm>> -> memref<100000xf32, #tpu.memory_space<hbm>>
    tpu.wait_indirect_dma semaphore(%arg23 : memref<!tpu.dma_semaphore, #tpu.memory_space<semaphore_mem>>) src(%dma_wait3A_166 : memref<100000xf32, #tpu.memory_space<hbm>>) dst(%dma_wait3A_162 : memref<128xf32, #tpu.memory_space<vmem>>)
    %dma_wait3A_167 = arith.constant 256 : i32
    %dma_wait3A_168 = tpu.memref_slice %arg18[%dma_wait3A_167] : memref<512xf32, #tpu.memory_space<vmem>> -> memref<128xf32, #tpu.memory_space<vmem>>
    %dma_wait3A_169 = arith.constant 256 : i32
    %dma_wait3A_170 = tpu.memref_slice %arg12[%dma_wait3A_169] : memref<512xi32, #tpu.memory_space<vmem>> -> memref<128xi32, #tpu.memory_space<vmem>>
    %dma_wait3A_171 = arith.constant 0 : i32
    %dma_wait3A_172 = tpu.memref_slice %arg9[%dma_wait3A_171] : memref<100000xf32, #tpu.memory_space<hbm>> -> memref<100000xf32, #tpu.memory_space<hbm>>
    tpu.wait_indirect_dma semaphore(%arg23 : memref<!tpu.dma_semaphore, #tpu.memory_space<semaphore_mem>>) src(%dma_wait3A_172 : memref<100000xf32, #tpu.memory_space<hbm>>) dst(%dma_wait3A_168 : memref<128xf32, #tpu.memory_space<vmem>>)
    %dma_wait3A_173 = arith.constant 384 : i32
    %dma_wait3A_174 = tpu.memref_slice %arg17[%dma_wait3A_173] : memref<512xf32, #tpu.memory_space<vmem>> -> memref<96xf32, #tpu.memory_space<vmem>>
    %dma_wait3A_175 = arith.constant 384 : i32
    %dma_wait3A_176 = tpu.memref_slice %arg11[%dma_wait3A_175] : memref<512xi32, #tpu.memory_space<vmem>> -> memref<96xi32, #tpu.memory_space<vmem>>
    %dma_wait3A_177 = arith.constant 0 : i32
    %dma_wait3A_178 = tpu.memref_slice %arg8[%dma_wait3A_177] : memref<100000xf32, #tpu.memory_space<hbm>> -> memref<100000xf32, #tpu.memory_space<hbm>>
    tpu.wait_indirect_dma semaphore(%arg23 : memref<!tpu.dma_semaphore, #tpu.memory_space<semaphore_mem>>) src(%dma_wait3A_178 : memref<100000xf32, #tpu.memory_space<hbm>>) dst(%dma_wait3A_174 : memref<96xf32, #tpu.memory_space<vmem>>)
    %dma_wait3A_179 = arith.constant 384 : i32
    %dma_wait3A_180 = tpu.memref_slice %arg18[%dma_wait3A_179] : memref<512xf32, #tpu.memory_space<vmem>> -> memref<96xf32, #tpu.memory_space<vmem>>
    %dma_wait3A_181 = arith.constant 384 : i32
    %dma_wait3A_182 = tpu.memref_slice %arg12[%dma_wait3A_181] : memref<512xi32, #tpu.memory_space<vmem>> -> memref<96xi32, #tpu.memory_space<vmem>>
    %dma_wait3A_183 = arith.constant 0 : i32
    %dma_wait3A_184 = tpu.memref_slice %arg9[%dma_wait3A_183] : memref<100000xf32, #tpu.memory_space<hbm>> -> memref<100000xf32, #tpu.memory_space<hbm>>
    tpu.wait_indirect_dma semaphore(%arg23 : memref<!tpu.dma_semaphore, #tpu.memory_space<semaphore_mem>>) src(%dma_wait3A_184 : memref<100000xf32, #tpu.memory_space<hbm>>) dst(%dma_wait3A_180 : memref<96xf32, #tpu.memory_space<vmem>>)
    %dma_wait3A_185 = arith.constant 480 : i32
    %dma_wait3A_186 = tpu.memref_slice %arg17[%dma_wait3A_185] : memref<512xf32, #tpu.memory_space<vmem>> -> memref<32xf32, #tpu.memory_space<vmem>>
    %dma_wait3A_187 = arith.constant 480 : i32
    %dma_wait3A_188 = tpu.memref_slice %arg11[%dma_wait3A_187] : memref<512xi32, #tpu.memory_space<vmem>> -> memref<32xi32, #tpu.memory_space<vmem>>
    %dma_wait3A_189 = arith.constant 0 : i32
    %dma_wait3A_190 = tpu.memref_slice %arg8[%dma_wait3A_189] : memref<100000xf32, #tpu.memory_space<hbm>> -> memref<100000xf32, #tpu.memory_space<hbm>>
    tpu.wait_indirect_dma semaphore(%arg23 : memref<!tpu.dma_semaphore, #tpu.memory_space<semaphore_mem>>) src(%dma_wait3A_190 : memref<100000xf32, #tpu.memory_space<hbm>>) dst(%dma_wait3A_186 : memref<32xf32, #tpu.memory_space<vmem>>)
    %dma_wait3A_191 = arith.constant 480 : i32
    %dma_wait3A_192 = tpu.memref_slice %arg18[%dma_wait3A_191] : memref<512xf32, #tpu.memory_space<vmem>> -> memref<32xf32, #tpu.memory_space<vmem>>
    %dma_wait3A_193 = arith.constant 480 : i32
    %dma_wait3A_194 = tpu.memref_slice %arg12[%dma_wait3A_193] : memref<512xi32, #tpu.memory_space<vmem>> -> memref<32xi32, #tpu.memory_space<vmem>>
    %dma_wait3A_195 = arith.constant 0 : i32
    %dma_wait3A_196 = tpu.memref_slice %arg9[%dma_wait3A_195] : memref<100000xf32, #tpu.memory_space<hbm>> -> memref<100000xf32, #tpu.memory_space<hbm>>
    tpu.wait_indirect_dma semaphore(%arg23 : memref<!tpu.dma_semaphore, #tpu.memory_space<semaphore_mem>>) src(%dma_wait3A_196 : memref<100000xf32, #tpu.memory_space<hbm>>) dst(%dma_wait3A_192 : memref<32xf32, #tpu.memory_space<vmem>>)
    %broadcast_in_dim3A = arith.constant 0.000000e+00 : f32
    %broadcast_in_dim3A_197 = vector.broadcast %broadcast_in_dim3A : f32 to vector<16xf32>
    %dma_wait3A_198 = arith.constant 0 : i32
    %dma_wait3A_199 = arith.constant 0 : i32
    %dma_wait3A_200 = arith.constant 0 : i32
    %dma_wait3A_201 = tpu.memref_slice %arg15[%dma_wait3A_198, %dma_wait3A_199, %dma_wait3A_200] : memref<3x128x128xf32, #tpu.memory_space<vmem>> -> memref<1x128x128xf32, #tpu.memory_space<vmem>>
    %dma_wait3A_202 = tpu.memref_squeeze %dma_wait3A_201 : memref<1x128x128xf32, #tpu.memory_space<vmem>> -> memref<128x128xf32, #tpu.memory_space<vmem>>
    %dma_wait3A_203 = arith.constant 0 : i32
    %dma_wait3A_204 = tpu.memref_slice %arg11[%dma_wait3A_203] : memref<512xi32, #tpu.memory_space<vmem>> -> memref<128xi32, #tpu.memory_space<vmem>>
    %dma_wait3A_205 = arith.constant 0 : i32
    %dma_wait3A_206 = arith.constant 0 : i32
    %dma_wait3A_207 = tpu.memref_slice %arg6[%dma_wait3A_205, %dma_wait3A_206] : memref<100000x128xf32, #tpu.memory_space<hbm>> -> memref<100000x128xf32, #tpu.memory_space<hbm>>
    tpu.wait_indirect_dma semaphore(%arg20 : memref<!tpu.dma_semaphore, #tpu.memory_space<semaphore_mem>>) src(%dma_wait3A_207 : memref<100000x128xf32, #tpu.memory_space<hbm>>) dst(%dma_wait3A_202 : memref<128x128xf32, #tpu.memory_space<vmem>>)
    %dma_wait3A_208 = arith.constant 0 : i32
    %dma_wait3A_209 = arith.constant 0 : i32
    %dma_wait3A_210 = arith.constant 0 : i32
    %dma_wait3A_211 = tpu.memref_slice %arg16[%dma_wait3A_208, %dma_wait3A_209, %dma_wait3A_210] : memref<3x128x128xf32, #tpu.memory_space<vmem>> -> memref<1x128x128xf32, #tpu.memory_space<vmem>>
    %dma_wait3A_212 = tpu.memref_squeeze %dma_wait3A_211 : memref<1x128x128xf32, #tpu.memory_space<vmem>> -> memref<128x128xf32, #tpu.memory_space<vmem>>
    %dma_wait3A_213 = arith.constant 0 : i32
    %dma_wait3A_214 = tpu.memref_slice %arg12[%dma_wait3A_213] : memref<512xi32, #tpu.memory_space<vmem>> -> memref<128xi32, #tpu.memory_space<vmem>>
    %dma_wait3A_215 = arith.constant 0 : i32
    %dma_wait3A_216 = arith.constant 0 : i32
    %dma_wait3A_217 = tpu.memref_slice %arg7[%dma_wait3A_215, %dma_wait3A_216] : memref<100000x128xf32, #tpu.memory_space<hbm>> -> memref<100000x128xf32, #tpu.memory_space<hbm>>
    tpu.wait_indirect_dma semaphore(%arg20 : memref<!tpu.dma_semaphore, #tpu.memory_space<semaphore_mem>>) src(%dma_wait3A_217 : memref<100000x128xf32, #tpu.memory_space<hbm>>) dst(%dma_wait3A_212 : memref<128x128xf32, #tpu.memory_space<vmem>>)
    %scan3A = arith.constant 0 : i32
    %scan3A_218 = arith.constant 0 : i32
    %scan3A_219 = arith.constant 0 : i32
    %scan3A_220 = arith.constant 8 : i32
    %scan3A_221 = arith.addi %scan3A_219, %scan3A_220 : i32
    %scan3A_222 = arith.constant 1 : i32
    %scan3A_223 = scf.for %scan3A_378 = %scan3A_219 to %scan3A_221 step %scan3A_222 iter_args(%scan3A_379 = %broadcast_in_dim3A_197) -> (vector<16xf32>)  : i32 {
      %mul3A_380 = arith.constant 16 : i32
      %mul3A_381 = arith.muli %scan3A_378, %mul3A_380 : i32
      %add3A_382 = vector.broadcast %mul3A_381 : i32 to vector<16xi32>
      %add3A_383 = arith.addi %add3A_382, %iota3A : vector<16xi32>
      %broadcast_in_dim3A_384 = arith.constant 0.000000e+00 : f32
      %broadcast_in_dim3A_385 = vector.broadcast %broadcast_in_dim3A_384 : f32 to vector<16xf32>
      %broadcast_in_dim3A_386 = arith.constant 0.000000e+00 : f32
      %broadcast_in_dim3A_387 = vector.broadcast %broadcast_in_dim3A_386 : f32 to vector<16xf32>
      %broadcast_in_dim3A_388 = arith.constant 0.000000e+00 : f32
      %broadcast_in_dim3A_389 = vector.broadcast %broadcast_in_dim3A_388 : f32 to vector<16xf32>
      %broadcast_in_dim3A_390 = arith.constant 0.000000e+00 : f32
      %broadcast_in_dim3A_391 = vector.broadcast %broadcast_in_dim3A_390 : f32 to vector<16xf32>
      %parallel_loop3A = arith.constant 0 : i32
      %parallel_loop3A_392 = arith.constant 128 : i32
      %parallel_loop3A_393 = arith.constant 8 : i32
      %parallel_loop3A_394:4 = scf.for %parallel_loop3A_418 = %parallel_loop3A to %parallel_loop3A_392 step %parallel_loop3A_393 iter_args(%parallel_loop3A_419 = %broadcast_in_dim3A_385, %parallel_loop3A_420 = %broadcast_in_dim3A_387, %parallel_loop3A_421 = %broadcast_in_dim3A_389, %parallel_loop3A_422 = %broadcast_in_dim3A_391) -> (vector<16xf32>, vector<16xf32>, vector<16xf32>, vector<16xf32>)  : i32 {
        %parallel_loop3A_423 = vector.broadcast %parallel_loop3A_418 : i32 to vector<16xi32>
        %parallel_loop3A_424 = arith.addi %iota3A, %parallel_loop3A_423 : vector<16xi32>
        %parallel_loop3A_425 = arith.constant 0 : i32
        %parallel_loop3A_426 = vector.broadcast %parallel_loop3A_425 : i32 to vector<16xi32>
        %parallel_loop3A_427 = arith.addi %parallel_loop3A_424, %parallel_loop3A_426 : vector<16xi32>
        %parallel_loop3A_428 = arith.constant 127 : i32
        %parallel_loop3A_429 = vector.broadcast %parallel_loop3A_428 : i32 to vector<16xi32>
        %parallel_loop3A_430 = arith.andi %parallel_loop3A_427, %parallel_loop3A_429 : vector<16xi32>
        %parallel_loop3A_431 = arith.constant 0 : i32
        %parallel_loop3A_432 = arith.constant 0 : i32
        %parallel_loop3A_433 = tpu.memref_slice %arg15[%scan3A, %parallel_loop3A_431, %parallel_loop3A_432] : memref<3x128x128xf32, #tpu.memory_space<vmem>> -> memref<1x128x128xf32, #tpu.memory_space<vmem>>
        %parallel_loop3A_434 = tpu.memref_squeeze %parallel_loop3A_433 : memref<1x128x128xf32, #tpu.memory_space<vmem>> -> memref<128x128xf32, #tpu.memory_space<vmem>>
        %parallel_loop3A_435 = tpu.vector_load_idx %parallel_loop3A_434[%add3A_383, %parallel_loop3A_430] : memref<128x128xf32, #tpu.memory_space<vmem>>[vector<16xi32>, vector<16xi32>], vector<16xf32>,
        %parallel_loop3A_436 = arith.constant 0 : i32
        %parallel_loop3A_437 = arith.constant 0 : i32
        %parallel_loop3A_438 = tpu.memref_slice %arg16[%scan3A_218, %parallel_loop3A_436, %parallel_loop3A_437] : memref<3x128x128xf32, #tpu.memory_space<vmem>> -> memref<1x128x128xf32, #tpu.memory_space<vmem>>
        %parallel_loop3A_439 = tpu.memref_squeeze %parallel_loop3A_438 : memref<1x128x128xf32, #tpu.memory_space<vmem>> -> memref<128x128xf32, #tpu.memory_space<vmem>>
        %parallel_loop3A_440 = tpu.vector_load_idx %parallel_loop3A_439[%add3A_383, %parallel_loop3A_430] : memref<128x128xf32, #tpu.memory_space<vmem>>[vector<16xi32>, vector<16xi32>], vector<16xf32>,
        %parallel_loop3A_441 = arith.mulf %parallel_loop3A_435, %parallel_loop3A_440 : vector<16xf32>
        %parallel_loop3A_442 = arith.addf %parallel_loop3A_419, %parallel_loop3A_441 : vector<16xf32>
        %parallel_loop3A_443 = vector.broadcast %parallel_loop3A_418 : i32 to vector<16xi32>
        %parallel_loop3A_444 = arith.addi %iota3A, %parallel_loop3A_443 : vector<16xi32>
        %parallel_loop3A_445 = arith.constant 1 : i32
        %parallel_loop3A_446 = vector.broadcast %parallel_loop3A_445 : i32 to vector<16xi32>
        %parallel_loop3A_447 = arith.addi %parallel_loop3A_444, %parallel_loop3A_446 : vector<16xi32>
        %parallel_loop3A_448 = arith.constant 127 : i32
        %parallel_loop3A_449 = vector.broadcast %parallel_loop3A_448 : i32 to vector<16xi32>
        %parallel_loop3A_450 = arith.andi %parallel_loop3A_447, %parallel_loop3A_449 : vector<16xi32>
        %parallel_loop3A_451 = arith.constant 0 : i32
        %parallel_loop3A_452 = arith.constant 0 : i32
        %parallel_loop3A_453 = tpu.memref_slice %arg15[%scan3A, %parallel_loop3A_451, %parallel_loop3A_452] : memref<3x128x128xf32, #tpu.memory_space<vmem>> -> memref<1x128x128xf32, #tpu.memory_space<vmem>>
        %parallel_loop3A_454 = tpu.memref_squeeze %parallel_loop3A_453 : memref<1x128x128xf32, #tpu.memory_space<vmem>> -> memref<128x128xf32, #tpu.memory_space<vmem>>
        %parallel_loop3A_455 = tpu.vector_load_idx %parallel_loop3A_454[%add3A_383, %parallel_loop3A_450] : memref<128x128xf32, #tpu.memory_space<vmem>>[vector<16xi32>, vector<16xi32>], vector<16xf32>,
        %parallel_loop3A_456 = arith.constant 0 : i32
        %parallel_loop3A_457 = arith.constant 0 : i32
        %parallel_loop3A_458 = tpu.memref_slice %arg16[%scan3A_218, %parallel_loop3A_456, %parallel_loop3A_457] : memref<3x128x128xf32, #tpu.memory_space<vmem>> -> memref<1x128x128xf32, #tpu.memory_space<vmem>>
        %parallel_loop3A_459 = tpu.memref_squeeze %parallel_loop3A_458 : memref<1x128x128xf32, #tpu.memory_space<vmem>> -> memref<128x128xf32, #tpu.memory_space<vmem>>
        %parallel_loop3A_460 = tpu.vector_load_idx %parallel_loop3A_459[%add3A_383, %parallel_loop3A_450] : memref<128x128xf32, #tpu.memory_space<vmem>>[vector<16xi32>, vector<16xi32>], vector<16xf32>,
        %parallel_loop3A_461 = arith.mulf %parallel_loop3A_455, %parallel_loop3A_460 : vector<16xf32>
        %parallel_loop3A_462 = arith.addf %parallel_loop3A_420, %parallel_loop3A_461 : vector<16xf32>
        %parallel_loop3A_463 = vector.broadcast %parallel_loop3A_418 : i32 to vector<16xi32>
        %parallel_loop3A_464 = arith.addi %iota3A, %parallel_loop3A_463 : vector<16xi32>
        %parallel_loop3A_465 = arith.constant 2 : i32
        %parallel_loop3A_466 = vector.broadcast %parallel_loop3A_465 : i32 to vector<16xi32>
        %parallel_loop3A_467 = arith.addi %parallel_loop3A_464, %parallel_loop3A_466 : vector<16xi32>
        %parallel_loop3A_468 = arith.constant 127 : i32
        %parallel_loop3A_469 = vector.broadcast %parallel_loop3A_468 : i32 to vector<16xi32>
        %parallel_loop3A_470 = arith.andi %parallel_loop3A_467, %parallel_loop3A_469 : vector<16xi32>
        %parallel_loop3A_471 = arith.constant 0 : i32
        %parallel_loop3A_472 = arith.constant 0 : i32
        %parallel_loop3A_473 = tpu.memref_slice %arg15[%scan3A, %parallel_loop3A_471, %parallel_loop3A_472] : memref<3x128x128xf32, #tpu.memory_space<vmem>> -> memref<1x128x128xf32, #tpu.memory_space<vmem>>
        %parallel_loop3A_474 = tpu.memref_squeeze %parallel_loop3A_473 : memref<1x128x128xf32, #tpu.memory_space<vmem>> -> memref<128x128xf32, #tpu.memory_space<vmem>>
        %parallel_loop3A_475 = tpu.vector_load_idx %parallel_loop3A_474[%add3A_383, %parallel_loop3A_470] : memref<128x128xf32, #tpu.memory_space<vmem>>[vector<16xi32>, vector<16xi32>], vector<16xf32>,
        %parallel_loop3A_476 = arith.constant 0 : i32
        %parallel_loop3A_477 = arith.constant 0 : i32
        %parallel_loop3A_478 = tpu.memref_slice %arg16[%scan3A_218, %parallel_loop3A_476, %parallel_loop3A_477] : memref<3x128x128xf32, #tpu.memory_space<vmem>> -> memref<1x128x128xf32, #tpu.memory_space<vmem>>
        %parallel_loop3A_479 = tpu.memref_squeeze %parallel_loop3A_478 : memref<1x128x128xf32, #tpu.memory_space<vmem>> -> memref<128x128xf32, #tpu.memory_space<vmem>>
        %parallel_loop3A_480 = tpu.vector_load_idx %parallel_loop3A_479[%add3A_383, %parallel_loop3A_470] : memref<128x128xf32, #tpu.memory_space<vmem>>[vector<16xi32>, vector<16xi32>], vector<16xf32>,
        %parallel_loop3A_481 = arith.mulf %parallel_loop3A_475, %parallel_loop3A_480 : vector<16xf32>
        %parallel_loop3A_482 = arith.addf %parallel_loop3A_421, %parallel_loop3A_481 : vector<16xf32>
        %parallel_loop3A_483 = vector.broadcast %parallel_loop3A_418 : i32 to vector<16xi32>
        %parallel_loop3A_484 = arith.addi %iota3A, %parallel_loop3A_483 : vector<16xi32>
        %parallel_loop3A_485 = arith.constant 3 : i32
        %parallel_loop3A_486 = vector.broadcast %parallel_loop3A_485 : i32 to vector<16xi32>
        %parallel_loop3A_487 = arith.addi %parallel_loop3A_484, %parallel_loop3A_486 : vector<16xi32>
        %parallel_loop3A_488 = arith.constant 127 : i32
        %parallel_loop3A_489 = vector.broadcast %parallel_loop3A_488 : i32 to vector<16xi32>
        %parallel_loop3A_490 = arith.andi %parallel_loop3A_487, %parallel_loop3A_489 : vector<16xi32>
        %parallel_loop3A_491 = arith.constant 0 : i32
        %parallel_loop3A_492 = arith.constant 0 : i32
        %parallel_loop3A_493 = tpu.memref_slice %arg15[%scan3A, %parallel_loop3A_491, %parallel_loop3A_492] : memref<3x128x128xf32, #tpu.memory_space<vmem>> -> memref<1x128x128xf32, #tpu.memory_space<vmem>>
        %parallel_loop3A_494 = tpu.memref_squeeze %parallel_loop3A_493 : memref<1x128x128xf32, #tpu.memory_space<vmem>> -> memref<128x128xf32, #tpu.memory_space<vmem>>
        %parallel_loop3A_495 = tpu.vector_load_idx %parallel_loop3A_494[%add3A_383, %parallel_loop3A_490] : memref<128x128xf32, #tpu.memory_space<vmem>>[vector<16xi32>, vector<16xi32>], vector<16xf32>,
        %parallel_loop3A_496 = arith.constant 0 : i32
        %parallel_loop3A_497 = arith.constant 0 : i32
        %parallel_loop3A_498 = tpu.memref_slice %arg16[%scan3A_218, %parallel_loop3A_496, %parallel_loop3A_497] : memref<3x128x128xf32, #tpu.memory_space<vmem>> -> memref<1x128x128xf32, #tpu.memory_space<vmem>>
        %parallel_loop3A_499 = tpu.memref_squeeze %parallel_loop3A_498 : memref<1x128x128xf32, #tpu.memory_space<vmem>> -> memref<128x128xf32, #tpu.memory_space<vmem>>
        %parallel_loop3A_500 = tpu.vector_load_idx %parallel_loop3A_499[%add3A_383, %parallel_loop3A_490] : memref<128x128xf32, #tpu.memory_space<vmem>>[vector<16xi32>, vector<16xi32>], vector<16xf32>,
        %parallel_loop3A_501 = arith.mulf %parallel_loop3A_495, %parallel_loop3A_500 : vector<16xf32>
        %parallel_loop3A_502 = arith.addf %parallel_loop3A_422, %parallel_loop3A_501 : vector<16xf32>
        %parallel_loop3A_503 = vector.broadcast %parallel_loop3A_418 : i32 to vector<16xi32>
        %parallel_loop3A_504 = arith.addi %iota3A, %parallel_loop3A_503 : vector<16xi32>
        %parallel_loop3A_505 = arith.constant 4 : i32
        %parallel_loop3A_506 = vector.broadcast %parallel_loop3A_505 : i32 to vector<16xi32>
        %parallel_loop3A_507 = arith.addi %parallel_loop3A_504, %parallel_loop3A_506 : vector<16xi32>
        %parallel_loop3A_508 = arith.constant 127 : i32
        %parallel_loop3A_509 = vector.broadcast %parallel_loop3A_508 : i32 to vector<16xi32>
        %parallel_loop3A_510 = arith.andi %parallel_loop3A_507, %parallel_loop3A_509 : vector<16xi32>
        %parallel_loop3A_511 = arith.constant 0 : i32
        %parallel_loop3A_512 = arith.constant 0 : i32
        %parallel_loop3A_513 = tpu.memref_slice %arg15[%scan3A, %parallel_loop3A_511, %parallel_loop3A_512] : memref<3x128x128xf32, #tpu.memory_space<vmem>> -> memref<1x128x128xf32, #tpu.memory_space<vmem>>
        %parallel_loop3A_514 = tpu.memref_squeeze %parallel_loop3A_513 : memref<1x128x128xf32, #tpu.memory_space<vmem>> -> memref<128x128xf32, #tpu.memory_space<vmem>>
        %parallel_loop3A_515 = tpu.vector_load_idx %parallel_loop3A_514[%add3A_383, %parallel_loop3A_510] : memref<128x128xf32, #tpu.memory_space<vmem>>[vector<16xi32>, vector<16xi32>], vector<16xf32>,
        %parallel_loop3A_516 = arith.constant 0 : i32
        %parallel_loop3A_517 = arith.constant 0 : i32
        %parallel_loop3A_518 = tpu.memref_slice %arg16[%scan3A_218, %parallel_loop3A_516, %parallel_loop3A_517] : memref<3x128x128xf32, #tpu.memory_space<vmem>> -> memref<1x128x128xf32, #tpu.memory_space<vmem>>
        %parallel_loop3A_519 = tpu.memref_squeeze %parallel_loop3A_518 : memref<1x128x128xf32, #tpu.memory_space<vmem>> -> memref<128x128xf32, #tpu.memory_space<vmem>>
        %parallel_loop3A_520 = tpu.vector_load_idx %parallel_loop3A_519[%add3A_383, %parallel_loop3A_510] : memref<128x128xf32, #tpu.memory_space<vmem>>[vector<16xi32>, vector<16xi32>], vector<16xf32>,
        %parallel_loop3A_521 = arith.mulf %parallel_loop3A_515, %parallel_loop3A_520 : vector<16xf32>
        %parallel_loop3A_522 = arith.addf %parallel_loop3A_442, %parallel_loop3A_521 : vector<16xf32>
        %parallel_loop3A_523 = vector.broadcast %parallel_loop3A_418 : i32 to vector<16xi32>
        %parallel_loop3A_524 = arith.addi %iota3A, %parallel_loop3A_523 : vector<16xi32>
        %parallel_loop3A_525 = arith.constant 5 : i32
        %parallel_loop3A_526 = vector.broadcast %parallel_loop3A_525 : i32 to vector<16xi32>
        %parallel_loop3A_527 = arith.addi %parallel_loop3A_524, %parallel_loop3A_526 : vector<16xi32>
        %parallel_loop3A_528 = arith.constant 127 : i32
        %parallel_loop3A_529 = vector.broadcast %parallel_loop3A_528 : i32 to vector<16xi32>
        %parallel_loop3A_530 = arith.andi %parallel_loop3A_527, %parallel_loop3A_529 : vector<16xi32>
        %parallel_loop3A_531 = arith.constant 0 : i32
        %parallel_loop3A_532 = arith.constant 0 : i32
        %parallel_loop3A_533 = tpu.memref_slice %arg15[%scan3A, %parallel_loop3A_531, %parallel_loop3A_532] : memref<3x128x128xf32, #tpu.memory_space<vmem>> -> memref<1x128x128xf32, #tpu.memory_space<vmem>>
        %parallel_loop3A_534 = tpu.memref_squeeze %parallel_loop3A_533 : memref<1x128x128xf32, #tpu.memory_space<vmem>> -> memref<128x128xf32, #tpu.memory_space<vmem>>
        %parallel_loop3A_535 = tpu.vector_load_idx %parallel_loop3A_534[%add3A_383, %parallel_loop3A_530] : memref<128x128xf32, #tpu.memory_space<vmem>>[vector<16xi32>, vector<16xi32>], vector<16xf32>,
        %parallel_loop3A_536 = arith.constant 0 : i32
        %parallel_loop3A_537 = arith.constant 0 : i32
        %parallel_loop3A_538 = tpu.memref_slice %arg16[%scan3A_218, %parallel_loop3A_536, %parallel_loop3A_537] : memref<3x128x128xf32, #tpu.memory_space<vmem>> -> memref<1x128x128xf32, #tpu.memory_space<vmem>>
        %parallel_loop3A_539 = tpu.memref_squeeze %parallel_loop3A_538 : memref<1x128x128xf32, #tpu.memory_space<vmem>> -> memref<128x128xf32, #tpu.memory_space<vmem>>
        %parallel_loop3A_540 = tpu.vector_load_idx %parallel_loop3A_539[%add3A_383, %parallel_loop3A_530] : memref<128x128xf32, #tpu.memory_space<vmem>>[vector<16xi32>, vector<16xi32>], vector<16xf32>,
        %parallel_loop3A_541 = arith.mulf %parallel_loop3A_535, %parallel_loop3A_540 : vector<16xf32>
        %parallel_loop3A_542 = arith.addf %parallel_loop3A_462, %parallel_loop3A_541 : vector<16xf32>
        %parallel_loop3A_543 = vector.broadcast %parallel_loop3A_418 : i32 to vector<16xi32>
        %parallel_loop3A_544 = arith.addi %iota3A, %parallel_loop3A_543 : vector<16xi32>
        %parallel_loop3A_545 = arith.constant 6 : i32
        %parallel_loop3A_546 = vector.broadcast %parallel_loop3A_545 : i32 to vector<16xi32>
        %parallel_loop3A_547 = arith.addi %parallel_loop3A_544, %parallel_loop3A_546 : vector<16xi32>
        %parallel_loop3A_548 = arith.constant 127 : i32
        %parallel_loop3A_549 = vector.broadcast %parallel_loop3A_548 : i32 to vector<16xi32>
        %parallel_loop3A_550 = arith.andi %parallel_loop3A_547, %parallel_loop3A_549 : vector<16xi32>
        %parallel_loop3A_551 = arith.constant 0 : i32
        %parallel_loop3A_552 = arith.constant 0 : i32
        %parallel_loop3A_553 = tpu.memref_slice %arg15[%scan3A, %parallel_loop3A_551, %parallel_loop3A_552] : memref<3x128x128xf32, #tpu.memory_space<vmem>> -> memref<1x128x128xf32, #tpu.memory_space<vmem>>
        %parallel_loop3A_554 = tpu.memref_squeeze %parallel_loop3A_553 : memref<1x128x128xf32, #tpu.memory_space<vmem>> -> memref<128x128xf32, #tpu.memory_space<vmem>>
        %parallel_loop3A_555 = tpu.vector_load_idx %parallel_loop3A_554[%add3A_383, %parallel_loop3A_550] : memref<128x128xf32, #tpu.memory_space<vmem>>[vector<16xi32>, vector<16xi32>], vector<16xf32>,
        %parallel_loop3A_556 = arith.constant 0 : i32
        %parallel_loop3A_557 = arith.constant 0 : i32
        %parallel_loop3A_558 = tpu.memref_slice %arg16[%scan3A_218, %parallel_loop3A_556, %parallel_loop3A_557] : memref<3x128x128xf32, #tpu.memory_space<vmem>> -> memref<1x128x128xf32, #tpu.memory_space<vmem>>
        %parallel_loop3A_559 = tpu.memref_squeeze %parallel_loop3A_558 : memref<1x128x128xf32, #tpu.memory_space<vmem>> -> memref<128x128xf32, #tpu.memory_space<vmem>>
        %parallel_loop3A_560 = tpu.vector_load_idx %parallel_loop3A_559[%add3A_383, %parallel_loop3A_550] : memref<128x128xf32, #tpu.memory_space<vmem>>[vector<16xi32>, vector<16xi32>], vector<16xf32>,
        %parallel_loop3A_561 = arith.mulf %parallel_loop3A_555, %parallel_loop3A_560 : vector<16xf32>
        %parallel_loop3A_562 = arith.addf %parallel_loop3A_482, %parallel_loop3A_561 : vector<16xf32>
        %parallel_loop3A_563 = vector.broadcast %parallel_loop3A_418 : i32 to vector<16xi32>
        %parallel_loop3A_564 = arith.addi %iota3A, %parallel_loop3A_563 : vector<16xi32>
        %parallel_loop3A_565 = arith.constant 7 : i32
        %parallel_loop3A_566 = vector.broadcast %parallel_loop3A_565 : i32 to vector<16xi32>
        %parallel_loop3A_567 = arith.addi %parallel_loop3A_564, %parallel_loop3A_566 : vector<16xi32>
        %parallel_loop3A_568 = arith.constant 127 : i32
        %parallel_loop3A_569 = vector.broadcast %parallel_loop3A_568 : i32 to vector<16xi32>
        %parallel_loop3A_570 = arith.andi %parallel_loop3A_567, %parallel_loop3A_569 : vector<16xi32>
        %parallel_loop3A_571 = arith.constant 0 : i32
        %parallel_loop3A_572 = arith.constant 0 : i32
        %parallel_loop3A_573 = tpu.memref_slice %arg15[%scan3A, %parallel_loop3A_571, %parallel_loop3A_572] : memref<3x128x128xf32, #tpu.memory_space<vmem>> -> memref<1x128x128xf32, #tpu.memory_space<vmem>>
        %parallel_loop3A_574 = tpu.memref_squeeze %parallel_loop3A_573 : memref<1x128x128xf32, #tpu.memory_space<vmem>> -> memref<128x128xf32, #tpu.memory_space<vmem>>
        %parallel_loop3A_575 = tpu.vector_load_idx %parallel_loop3A_574[%add3A_383, %parallel_loop3A_570] : memref<128x128xf32, #tpu.memory_space<vmem>>[vector<16xi32>, vector<16xi32>], vector<16xf32>,
        %parallel_loop3A_576 = arith.constant 0 : i32
        %parallel_loop3A_577 = arith.constant 0 : i32
        %parallel_loop3A_578 = tpu.memref_slice %arg16[%scan3A_218, %parallel_loop3A_576, %parallel_loop3A_577] : memref<3x128x128xf32, #tpu.memory_space<vmem>> -> memref<1x128x128xf32, #tpu.memory_space<vmem>>
        %parallel_loop3A_579 = tpu.memref_squeeze %parallel_loop3A_578 : memref<1x128x128xf32, #tpu.memory_space<vmem>> -> memref<128x128xf32, #tpu.memory_space<vmem>>
        %parallel_loop3A_580 = tpu.vector_load_idx %parallel_loop3A_579[%add3A_383, %parallel_loop3A_570] : memref<128x128xf32, #tpu.memory_space<vmem>>[vector<16xi32>, vector<16xi32>], vector<16xf32>,
        %parallel_loop3A_581 = arith.mulf %parallel_loop3A_575, %parallel_loop3A_580 : vector<16xf32>
        %parallel_loop3A_582 = arith.addf %parallel_loop3A_502, %parallel_loop3A_581 : vector<16xf32>
        scf.yield %parallel_loop3A_522, %parallel_loop3A_542, %parallel_loop3A_562, %parallel_loop3A_582 : vector<16xf32>, vector<16xf32>, vector<16xf32>, vector<16xf32>
      } {sc.loop_unroll_factor = 1 : i64, sc.parallel_access}
      %add3A_395 = arith.addf %parallel_loop3A_394#0, %parallel_loop3A_394#1 : vector<16xf32>
      %add3A_396 = arith.addf %parallel_loop3A_394#2, %parallel_loop3A_394#3 : vector<16xf32>
      %add3A_397 = arith.addf %add3A_395, %add3A_396 : vector<16xf32>
      %add3A_398 = arith.constant 0 : i32
      %add3A_399 = vector.broadcast %add3A_398 : i32 to vector<16xi32>
      %add3A_400 = arith.addi %add3A_399, %add3A_383 : vector<16xi32>
      %gather3A = tpu.vector_load_idx %arg17[%add3A_400] : memref<512xf32, #tpu.memory_space<vmem>>[vector<16xi32>], vector<16xf32>,
      %add3A_401 = arith.constant 0 : i32
      %add3A_402 = vector.broadcast %add3A_401 : i32 to vector<16xi32>
      %add3A_403 = arith.addi %add3A_402, %add3A_383 : vector<16xi32>
      %gather3A_404 = tpu.vector_load_idx %arg18[%add3A_403] : memref<512xf32, #tpu.memory_space<vmem>>[vector<16xi32>], vector<16xf32>,
      %add3A_405 = arith.constant 0 : i32
      %add3A_406 = vector.broadcast %add3A_405 : i32 to vector<16xi32>
      %add3A_407 = arith.addi %add3A_406, %add3A_383 : vector<16xi32>
      %gather3A_408 = tpu.vector_load_idx %arg13[%add3A_407] : memref<512xf32, #tpu.memory_space<vmem>>[vector<16xi32>], vector<16xf32>,
      %add3A_409 = arith.constant 0 : i32
      %add3A_410 = vector.broadcast %add3A_409 : i32 to vector<16xi32>
      %add3A_411 = arith.addi %add3A_410, %add3A_383 : vector<16xi32>
      %gather3A_412 = tpu.vector_load_idx %arg14[%add3A_411] : memref<512xf32, #tpu.memory_space<vmem>>[vector<16xi32>], vector<16xf32>,
      %add3A_413 = arith.addf %add3A_397, %gather3A : vector<16xf32>
      %add3A_414 = arith.addf %add3A_413, %gather3A_404 : vector<16xf32>
      %sub3A = arith.subf %add3A_414, %gather3A_408 : vector<16xf32>
      %mul3A_415 = arith.mulf %sub3A, %sub3A : vector<16xf32>
      %mul3A_416 = arith.mulf %mul3A_415, %gather3A_412 : vector<16xf32>
      %add3A_417 = arith.addf %scan3A_379, %mul3A_416 : vector<16xf32>
      scf.yield %add3A_417 : vector<16xf32>
    }
    %scan3A_224 = arith.constant 8 : i32
    %dma_start3A_225 = arith.constant 0 : i32
    %dma_start3A_226 = arith.constant 0 : i32
    %dma_start3A_227 = arith.constant 0 : i32
    %dma_start3A_228 = tpu.memref_slice %arg15[%dma_start3A_225, %dma_start3A_226, %dma_start3A_227] : memref<3x128x128xf32, #tpu.memory_space<vmem>> -> memref<1x96x128xf32, #tpu.memory_space<vmem>>
    %dma_start3A_229 = tpu.memref_squeeze %dma_start3A_228 : memref<1x96x128xf32, #tpu.memory_space<vmem>> -> memref<96x128xf32, #tpu.memory_space<vmem>>
    %dma_start3A_230 = arith.constant 384 : i32
    %dma_start3A_231 = tpu.memref_slice %arg11[%dma_start3A_230] : memref<512xi32, #tpu.memory_space<vmem>> -> memref<96xi32, #tpu.memory_space<vmem>>
    %dma_start3A_232 = arith.constant 0 : i32
    %dma_start3A_233 = arith.constant 0 : i32
    %dma_start3A_234 = tpu.memref_slice %arg6[%dma_start3A_232, %dma_start3A_233] : memref<100000x128xf32, #tpu.memory_space<hbm>> -> memref<100000x128xf32, #tpu.memory_space<hbm>>
    tpu.enqueue_indirect_dma source(%dma_start3A_234 : memref<100000x128xf32, #tpu.memory_space<hbm>>) target(%dma_start3A_229 : memref<96x128xf32, #tpu.memory_space<vmem>>) offsets(%dma_start3A_231 : memref<96xi32, #tpu.memory_space<vmem>>) semaphore(%arg20 : memref<!tpu.dma_semaphore, #tpu.memory_space<semaphore_mem>>)
    %dma_start3A_235 = arith.constant 0 : i32
    %dma_start3A_236 = arith.constant 0 : i32
    %dma_start3A_237 = arith.constant 0 : i32
    %dma_start3A_238 = tpu.memref_slice %arg16[%dma_start3A_235, %dma_start3A_236, %dma_start3A_237] : memref<3x128x128xf32, #tpu.memory_space<vmem>> -> memref<1x96x128xf32, #tpu.memory_space<vmem>>
    %dma_start3A_239 = tpu.memref_squeeze %dma_start3A_238 : memref<1x96x128xf32, #tpu.memory_space<vmem>> -> memref<96x128xf32, #tpu.memory_space<vmem>>
    %dma_start3A_240 = arith.constant 384 : i32
    %dma_start3A_241 = tpu.memref_slice %arg12[%dma_start3A_240] : memref<512xi32, #tpu.memory_space<vmem>> -> memref<96xi32, #tpu.memory_space<vmem>>
    %dma_start3A_242 = arith.constant 0 : i32
    %dma_start3A_243 = arith.constant 0 : i32
    %dma_start3A_244 = tpu.memref_slice %arg7[%dma_start3A_242, %dma_start3A_243] : memref<100000x128xf32, #tpu.memory_space<hbm>> -> memref<100000x128xf32, #tpu.memory_space<hbm>>
    tpu.enqueue_indirect_dma source(%dma_start3A_244 : memref<100000x128xf32, #tpu.memory_space<hbm>>) target(%dma_start3A_239 : memref<96x128xf32, #tpu.memory_space<vmem>>) offsets(%dma_start3A_241 : memref<96xi32, #tpu.memory_space<vmem>>) semaphore(%arg20 : memref<!tpu.dma_semaphore, #tpu.memory_space<semaphore_mem>>)
    %dma_wait3A_245 = arith.constant 1 : i32
    %dma_wait3A_246 = arith.constant 0 : i32
    %dma_wait3A_247 = arith.constant 0 : i32
    %dma_wait3A_248 = tpu.memref_slice %arg15[%dma_wait3A_245, %dma_wait3A_246, %dma_wait3A_247] : memref<3x128x128xf32, #tpu.memory_space<vmem>> -> memref<1x128x128xf32, #tpu.memory_space<vmem>>
    %dma_wait3A_249 = tpu.memref_squeeze %dma_wait3A_248 : memref<1x128x128xf32, #tpu.memory_space<vmem>> -> memref<128x128xf32, #tpu.memory_space<vmem>>
    %dma_wait3A_250 = arith.constant 128 : i32
    %dma_wait3A_251 = tpu.memref_slice %arg11[%dma_wait3A_250] : memref<512xi32, #tpu.memory_space<vmem>> -> memref<128xi32, #tpu.memory_space<vmem>>
    %dma_wait3A_252 = arith.constant 0 : i32
    %dma_wait3A_253 = arith.constant 0 : i32
    %dma_wait3A_254 = tpu.memref_slice %arg6[%dma_wait3A_252, %dma_wait3A_253] : memref<100000x128xf32, #tpu.memory_space<hbm>> -> memref<100000x128xf32, #tpu.memory_space<hbm>>
    tpu.wait_indirect_dma semaphore(%arg21 : memref<!tpu.dma_semaphore, #tpu.memory_space<semaphore_mem>>) src(%dma_wait3A_254 : memref<100000x128xf32, #tpu.memory_space<hbm>>) dst(%dma_wait3A_249 : memref<128x128xf32, #tpu.memory_space<vmem>>)
    %dma_wait3A_255 = arith.constant 1 : i32
    %dma_wait3A_256 = arith.constant 0 : i32
    %dma_wait3A_257 = arith.constant 0 : i32
    %dma_wait3A_258 = tpu.memref_slice %arg16[%dma_wait3A_255, %dma_wait3A_256, %dma_wait3A_257] : memref<3x128x128xf32, #tpu.memory_space<vmem>> -> memref<1x128x128xf32, #tpu.memory_space<vmem>>
    %dma_wait3A_259 = tpu.memref_squeeze %dma_wait3A_258 : memref<1x128x128xf32, #tpu.memory_space<vmem>> -> memref<128x128xf32, #tpu.memory_space<vmem>>
    %dma_wait3A_260 = arith.constant 128 : i32
    %dma_wait3A_261 = tpu.memref_slice %arg12[%dma_wait3A_260] : memref<512xi32, #tpu.memory_space<vmem>> -> memref<128xi32, #tpu.memory_space<vmem>>
    %dma_wait3A_262 = arith.constant 0 : i32
    %dma_wait3A_263 = arith.constant 0 : i32
    %dma_wait3A_264 = tpu.memref_slice %arg7[%dma_wait3A_262, %dma_wait3A_263] : memref<100000x128xf32, #tpu.memory_space<hbm>> -> memref<100000x128xf32, #tpu.memory_space<hbm>>
    tpu.wait_indirect_dma semaphore(%arg21 : memref<!tpu.dma_semaphore, #tpu.memory_space<semaphore_mem>>) src(%dma_wait3A_264 : memref<100000x128xf32, #tpu.memory_space<hbm>>) dst(%dma_wait3A_259 : memref<128x128xf32, #tpu.memory_space<vmem>>)
    %scan3A_265 = arith.constant 1 : i32
    %scan3A_266 = arith.constant 1 : i32
    %scan3A_267 = arith.constant 0 : i32
    %scan3A_268 = arith.constant 8 : i32
    %scan3A_269 = arith.addi %scan3A_267, %scan3A_268 : i32
    %scan3A_270 = arith.constant 1 : i32
    %scan3A_271 = scf.for %scan3A_378 = %scan3A_267 to %scan3A_269 step %scan3A_270 iter_args(%scan3A_379 = %scan3A_223) -> (vector<16xf32>)  : i32 {
      %mul3A_380 = arith.constant 16 : i32
      %mul3A_381 = arith.muli %scan3A_378, %mul3A_380 : i32
      %add3A_382 = vector.broadcast %mul3A_381 : i32 to vector<16xi32>
      %add3A_383 = arith.addi %add3A_382, %iota3A : vector<16xi32>
      %broadcast_in_dim3A_384 = arith.constant 0.000000e+00 : f32
      %broadcast_in_dim3A_385 = vector.broadcast %broadcast_in_dim3A_384 : f32 to vector<16xf32>
      %broadcast_in_dim3A_386 = arith.constant 0.000000e+00 : f32
      %broadcast_in_dim3A_387 = vector.broadcast %broadcast_in_dim3A_386 : f32 to vector<16xf32>
      %broadcast_in_dim3A_388 = arith.constant 0.000000e+00 : f32
      %broadcast_in_dim3A_389 = vector.broadcast %broadcast_in_dim3A_388 : f32 to vector<16xf32>
      %broadcast_in_dim3A_390 = arith.constant 0.000000e+00 : f32
      %broadcast_in_dim3A_391 = vector.broadcast %broadcast_in_dim3A_390 : f32 to vector<16xf32>
      %parallel_loop3A = arith.constant 0 : i32
      %parallel_loop3A_392 = arith.constant 128 : i32
      %parallel_loop3A_393 = arith.constant 8 : i32
      %parallel_loop3A_394:4 = scf.for %parallel_loop3A_418 = %parallel_loop3A to %parallel_loop3A_392 step %parallel_loop3A_393 iter_args(%parallel_loop3A_419 = %broadcast_in_dim3A_385, %parallel_loop3A_420 = %broadcast_in_dim3A_387, %parallel_loop3A_421 = %broadcast_in_dim3A_389, %parallel_loop3A_422 = %broadcast_in_dim3A_391) -> (vector<16xf32>, vector<16xf32>, vector<16xf32>, vector<16xf32>)  : i32 {
        %parallel_loop3A_423 = vector.broadcast %parallel_loop3A_418 : i32 to vector<16xi32>
        %parallel_loop3A_424 = arith.addi %iota3A, %parallel_loop3A_423 : vector<16xi32>
        %parallel_loop3A_425 = arith.constant 0 : i32
        %parallel_loop3A_426 = vector.broadcast %parallel_loop3A_425 : i32 to vector<16xi32>
        %parallel_loop3A_427 = arith.addi %parallel_loop3A_424, %parallel_loop3A_426 : vector<16xi32>
        %parallel_loop3A_428 = arith.constant 127 : i32
        %parallel_loop3A_429 = vector.broadcast %parallel_loop3A_428 : i32 to vector<16xi32>
        %parallel_loop3A_430 = arith.andi %parallel_loop3A_427, %parallel_loop3A_429 : vector<16xi32>
        %parallel_loop3A_431 = arith.constant 0 : i32
        %parallel_loop3A_432 = arith.constant 0 : i32
        %parallel_loop3A_433 = tpu.memref_slice %arg15[%scan3A_265, %parallel_loop3A_431, %parallel_loop3A_432] : memref<3x128x128xf32, #tpu.memory_space<vmem>> -> memref<1x128x128xf32, #tpu.memory_space<vmem>>
        %parallel_loop3A_434 = tpu.memref_squeeze %parallel_loop3A_433 : memref<1x128x128xf32, #tpu.memory_space<vmem>> -> memref<128x128xf32, #tpu.memory_space<vmem>>
        %parallel_loop3A_435 = tpu.vector_load_idx %parallel_loop3A_434[%add3A_383, %parallel_loop3A_430] : memref<128x128xf32, #tpu.memory_space<vmem>>[vector<16xi32>, vector<16xi32>], vector<16xf32>,
        %parallel_loop3A_436 = arith.constant 0 : i32
        %parallel_loop3A_437 = arith.constant 0 : i32
        %parallel_loop3A_438 = tpu.memref_slice %arg16[%scan3A_266, %parallel_loop3A_436, %parallel_loop3A_437] : memref<3x128x128xf32, #tpu.memory_space<vmem>> -> memref<1x128x128xf32, #tpu.memory_space<vmem>>
        %parallel_loop3A_439 = tpu.memref_squeeze %parallel_loop3A_438 : memref<1x128x128xf32, #tpu.memory_space<vmem>> -> memref<128x128xf32, #tpu.memory_space<vmem>>
        %parallel_loop3A_440 = tpu.vector_load_idx %parallel_loop3A_439[%add3A_383, %parallel_loop3A_430] : memref<128x128xf32, #tpu.memory_space<vmem>>[vector<16xi32>, vector<16xi32>], vector<16xf32>,
        %parallel_loop3A_441 = arith.mulf %parallel_loop3A_435, %parallel_loop3A_440 : vector<16xf32>
        %parallel_loop3A_442 = arith.addf %parallel_loop3A_419, %parallel_loop3A_441 : vector<16xf32>
        %parallel_loop3A_443 = vector.broadcast %parallel_loop3A_418 : i32 to vector<16xi32>
        %parallel_loop3A_444 = arith.addi %iota3A, %parallel_loop3A_443 : vector<16xi32>
        %parallel_loop3A_445 = arith.constant 1 : i32
        %parallel_loop3A_446 = vector.broadcast %parallel_loop3A_445 : i32 to vector<16xi32>
        %parallel_loop3A_447 = arith.addi %parallel_loop3A_444, %parallel_loop3A_446 : vector<16xi32>
        %parallel_loop3A_448 = arith.constant 127 : i32
        %parallel_loop3A_449 = vector.broadcast %parallel_loop3A_448 : i32 to vector<16xi32>
        %parallel_loop3A_450 = arith.andi %parallel_loop3A_447, %parallel_loop3A_449 : vector<16xi32>
        %parallel_loop3A_451 = arith.constant 0 : i32
        %parallel_loop3A_452 = arith.constant 0 : i32
        %parallel_loop3A_453 = tpu.memref_slice %arg15[%scan3A_265, %parallel_loop3A_451, %parallel_loop3A_452] : memref<3x128x128xf32, #tpu.memory_space<vmem>> -> memref<1x128x128xf32, #tpu.memory_space<vmem>>
        %parallel_loop3A_454 = tpu.memref_squeeze %parallel_loop3A_453 : memref<1x128x128xf32, #tpu.memory_space<vmem>> -> memref<128x128xf32, #tpu.memory_space<vmem>>
        %parallel_loop3A_455 = tpu.vector_load_idx %parallel_loop3A_454[%add3A_383, %parallel_loop3A_450] : memref<128x128xf32, #tpu.memory_space<vmem>>[vector<16xi32>, vector<16xi32>], vector<16xf32>,
        %parallel_loop3A_456 = arith.constant 0 : i32
        %parallel_loop3A_457 = arith.constant 0 : i32
        %parallel_loop3A_458 = tpu.memref_slice %arg16[%scan3A_266, %parallel_loop3A_456, %parallel_loop3A_457] : memref<3x128x128xf32, #tpu.memory_space<vmem>> -> memref<1x128x128xf32, #tpu.memory_space<vmem>>
        %parallel_loop3A_459 = tpu.memref_squeeze %parallel_loop3A_458 : memref<1x128x128xf32, #tpu.memory_space<vmem>> -> memref<128x128xf32, #tpu.memory_space<vmem>>
        %parallel_loop3A_460 = tpu.vector_load_idx %parallel_loop3A_459[%add3A_383, %parallel_loop3A_450] : memref<128x128xf32, #tpu.memory_space<vmem>>[vector<16xi32>, vector<16xi32>], vector<16xf32>,
        %parallel_loop3A_461 = arith.mulf %parallel_loop3A_455, %parallel_loop3A_460 : vector<16xf32>
        %parallel_loop3A_462 = arith.addf %parallel_loop3A_420, %parallel_loop3A_461 : vector<16xf32>
        %parallel_loop3A_463 = vector.broadcast %parallel_loop3A_418 : i32 to vector<16xi32>
        %parallel_loop3A_464 = arith.addi %iota3A, %parallel_loop3A_463 : vector<16xi32>
        %parallel_loop3A_465 = arith.constant 2 : i32
        %parallel_loop3A_466 = vector.broadcast %parallel_loop3A_465 : i32 to vector<16xi32>
        %parallel_loop3A_467 = arith.addi %parallel_loop3A_464, %parallel_loop3A_466 : vector<16xi32>
        %parallel_loop3A_468 = arith.constant 127 : i32
        %parallel_loop3A_469 = vector.broadcast %parallel_loop3A_468 : i32 to vector<16xi32>
        %parallel_loop3A_470 = arith.andi %parallel_loop3A_467, %parallel_loop3A_469 : vector<16xi32>
        %parallel_loop3A_471 = arith.constant 0 : i32
        %parallel_loop3A_472 = arith.constant 0 : i32
        %parallel_loop3A_473 = tpu.memref_slice %arg15[%scan3A_265, %parallel_loop3A_471, %parallel_loop3A_472] : memref<3x128x128xf32, #tpu.memory_space<vmem>> -> memref<1x128x128xf32, #tpu.memory_space<vmem>>
        %parallel_loop3A_474 = tpu.memref_squeeze %parallel_loop3A_473 : memref<1x128x128xf32, #tpu.memory_space<vmem>> -> memref<128x128xf32, #tpu.memory_space<vmem>>
        %parallel_loop3A_475 = tpu.vector_load_idx %parallel_loop3A_474[%add3A_383, %parallel_loop3A_470] : memref<128x128xf32, #tpu.memory_space<vmem>>[vector<16xi32>, vector<16xi32>], vector<16xf32>,
        %parallel_loop3A_476 = arith.constant 0 : i32
        %parallel_loop3A_477 = arith.constant 0 : i32
        %parallel_loop3A_478 = tpu.memref_slice %arg16[%scan3A_266, %parallel_loop3A_476, %parallel_loop3A_477] : memref<3x128x128xf32, #tpu.memory_space<vmem>> -> memref<1x128x128xf32, #tpu.memory_space<vmem>>
        %parallel_loop3A_479 = tpu.memref_squeeze %parallel_loop3A_478 : memref<1x128x128xf32, #tpu.memory_space<vmem>> -> memref<128x128xf32, #tpu.memory_space<vmem>>
        %parallel_loop3A_480 = tpu.vector_load_idx %parallel_loop3A_479[%add3A_383, %parallel_loop3A_470] : memref<128x128xf32, #tpu.memory_space<vmem>>[vector<16xi32>, vector<16xi32>], vector<16xf32>,
        %parallel_loop3A_481 = arith.mulf %parallel_loop3A_475, %parallel_loop3A_480 : vector<16xf32>
        %parallel_loop3A_482 = arith.addf %parallel_loop3A_421, %parallel_loop3A_481 : vector<16xf32>
        %parallel_loop3A_483 = vector.broadcast %parallel_loop3A_418 : i32 to vector<16xi32>
        %parallel_loop3A_484 = arith.addi %iota3A, %parallel_loop3A_483 : vector<16xi32>
        %parallel_loop3A_485 = arith.constant 3 : i32
        %parallel_loop3A_486 = vector.broadcast %parallel_loop3A_485 : i32 to vector<16xi32>
        %parallel_loop3A_487 = arith.addi %parallel_loop3A_484, %parallel_loop3A_486 : vector<16xi32>
        %parallel_loop3A_488 = arith.constant 127 : i32
        %parallel_loop3A_489 = vector.broadcast %parallel_loop3A_488 : i32 to vector<16xi32>
        %parallel_loop3A_490 = arith.andi %parallel_loop3A_487, %parallel_loop3A_489 : vector<16xi32>
        %parallel_loop3A_491 = arith.constant 0 : i32
        %parallel_loop3A_492 = arith.constant 0 : i32
        %parallel_loop3A_493 = tpu.memref_slice %arg15[%scan3A_265, %parallel_loop3A_491, %parallel_loop3A_492] : memref<3x128x128xf32, #tpu.memory_space<vmem>> -> memref<1x128x128xf32, #tpu.memory_space<vmem>>
        %parallel_loop3A_494 = tpu.memref_squeeze %parallel_loop3A_493 : memref<1x128x128xf32, #tpu.memory_space<vmem>> -> memref<128x128xf32, #tpu.memory_space<vmem>>
        %parallel_loop3A_495 = tpu.vector_load_idx %parallel_loop3A_494[%add3A_383, %parallel_loop3A_490] : memref<128x128xf32, #tpu.memory_space<vmem>>[vector<16xi32>, vector<16xi32>], vector<16xf32>,
        %parallel_loop3A_496 = arith.constant 0 : i32
        %parallel_loop3A_497 = arith.constant 0 : i32
        %parallel_loop3A_498 = tpu.memref_slice %arg16[%scan3A_266, %parallel_loop3A_496, %parallel_loop3A_497] : memref<3x128x128xf32, #tpu.memory_space<vmem>> -> memref<1x128x128xf32, #tpu.memory_space<vmem>>
        %parallel_loop3A_499 = tpu.memref_squeeze %parallel_loop3A_498 : memref<1x128x128xf32, #tpu.memory_space<vmem>> -> memref<128x128xf32, #tpu.memory_space<vmem>>
        %parallel_loop3A_500 = tpu.vector_load_idx %parallel_loop3A_499[%add3A_383, %parallel_loop3A_490] : memref<128x128xf32, #tpu.memory_space<vmem>>[vector<16xi32>, vector<16xi32>], vector<16xf32>,
        %parallel_loop3A_501 = arith.mulf %parallel_loop3A_495, %parallel_loop3A_500 : vector<16xf32>
        %parallel_loop3A_502 = arith.addf %parallel_loop3A_422, %parallel_loop3A_501 : vector<16xf32>
        %parallel_loop3A_503 = vector.broadcast %parallel_loop3A_418 : i32 to vector<16xi32>
        %parallel_loop3A_504 = arith.addi %iota3A, %parallel_loop3A_503 : vector<16xi32>
        %parallel_loop3A_505 = arith.constant 4 : i32
        %parallel_loop3A_506 = vector.broadcast %parallel_loop3A_505 : i32 to vector<16xi32>
        %parallel_loop3A_507 = arith.addi %parallel_loop3A_504, %parallel_loop3A_506 : vector<16xi32>
        %parallel_loop3A_508 = arith.constant 127 : i32
        %parallel_loop3A_509 = vector.broadcast %parallel_loop3A_508 : i32 to vector<16xi32>
        %parallel_loop3A_510 = arith.andi %parallel_loop3A_507, %parallel_loop3A_509 : vector<16xi32>
        %parallel_loop3A_511 = arith.constant 0 : i32
        %parallel_loop3A_512 = arith.constant 0 : i32
        %parallel_loop3A_513 = tpu.memref_slice %arg15[%scan3A_265, %parallel_loop3A_511, %parallel_loop3A_512] : memref<3x128x128xf32, #tpu.memory_space<vmem>> -> memref<1x128x128xf32, #tpu.memory_space<vmem>>
        %parallel_loop3A_514 = tpu.memref_squeeze %parallel_loop3A_513 : memref<1x128x128xf32, #tpu.memory_space<vmem>> -> memref<128x128xf32, #tpu.memory_space<vmem>>
        %parallel_loop3A_515 = tpu.vector_load_idx %parallel_loop3A_514[%add3A_383, %parallel_loop3A_510] : memref<128x128xf32, #tpu.memory_space<vmem>>[vector<16xi32>, vector<16xi32>], vector<16xf32>,
        %parallel_loop3A_516 = arith.constant 0 : i32
        %parallel_loop3A_517 = arith.constant 0 : i32
        %parallel_loop3A_518 = tpu.memref_slice %arg16[%scan3A_266, %parallel_loop3A_516, %parallel_loop3A_517] : memref<3x128x128xf32, #tpu.memory_space<vmem>> -> memref<1x128x128xf32, #tpu.memory_space<vmem>>
        %parallel_loop3A_519 = tpu.memref_squeeze %parallel_loop3A_518 : memref<1x128x128xf32, #tpu.memory_space<vmem>> -> memref<128x128xf32, #tpu.memory_space<vmem>>
        %parallel_loop3A_520 = tpu.vector_load_idx %parallel_loop3A_519[%add3A_383, %parallel_loop3A_510] : memref<128x128xf32, #tpu.memory_space<vmem>>[vector<16xi32>, vector<16xi32>], vector<16xf32>,
        %parallel_loop3A_521 = arith.mulf %parallel_loop3A_515, %parallel_loop3A_520 : vector<16xf32>
        %parallel_loop3A_522 = arith.addf %parallel_loop3A_442, %parallel_loop3A_521 : vector<16xf32>
        %parallel_loop3A_523 = vector.broadcast %parallel_loop3A_418 : i32 to vector<16xi32>
        %parallel_loop3A_524 = arith.addi %iota3A, %parallel_loop3A_523 : vector<16xi32>
        %parallel_loop3A_525 = arith.constant 5 : i32
        %parallel_loop3A_526 = vector.broadcast %parallel_loop3A_525 : i32 to vector<16xi32>
        %parallel_loop3A_527 = arith.addi %parallel_loop3A_524, %parallel_loop3A_526 : vector<16xi32>
        %parallel_loop3A_528 = arith.constant 127 : i32
        %parallel_loop3A_529 = vector.broadcast %parallel_loop3A_528 : i32 to vector<16xi32>
        %parallel_loop3A_530 = arith.andi %parallel_loop3A_527, %parallel_loop3A_529 : vector<16xi32>
        %parallel_loop3A_531 = arith.constant 0 : i32
        %parallel_loop3A_532 = arith.constant 0 : i32
        %parallel_loop3A_533 = tpu.memref_slice %arg15[%scan3A_265, %parallel_loop3A_531, %parallel_loop3A_532] : memref<3x128x128xf32, #tpu.memory_space<vmem>> -> memref<1x128x128xf32, #tpu.memory_space<vmem>>
        %parallel_loop3A_534 = tpu.memref_squeeze %parallel_loop3A_533 : memref<1x128x128xf32, #tpu.memory_space<vmem>> -> memref<128x128xf32, #tpu.memory_space<vmem>>
        %parallel_loop3A_535 = tpu.vector_load_idx %parallel_loop3A_534[%add3A_383, %parallel_loop3A_530] : memref<128x128xf32, #tpu.memory_space<vmem>>[vector<16xi32>, vector<16xi32>], vector<16xf32>,
        %parallel_loop3A_536 = arith.constant 0 : i32
        %parallel_loop3A_537 = arith.constant 0 : i32
        %parallel_loop3A_538 = tpu.memref_slice %arg16[%scan3A_266, %parallel_loop3A_536, %parallel_loop3A_537] : memref<3x128x128xf32, #tpu.memory_space<vmem>> -> memref<1x128x128xf32, #tpu.memory_space<vmem>>
        %parallel_loop3A_539 = tpu.memref_squeeze %parallel_loop3A_538 : memref<1x128x128xf32, #tpu.memory_space<vmem>> -> memref<128x128xf32, #tpu.memory_space<vmem>>
        %parallel_loop3A_540 = tpu.vector_load_idx %parallel_loop3A_539[%add3A_383, %parallel_loop3A_530] : memref<128x128xf32, #tpu.memory_space<vmem>>[vector<16xi32>, vector<16xi32>], vector<16xf32>,
        %parallel_loop3A_541 = arith.mulf %parallel_loop3A_535, %parallel_loop3A_540 : vector<16xf32>
        %parallel_loop3A_542 = arith.addf %parallel_loop3A_462, %parallel_loop3A_541 : vector<16xf32>
        %parallel_loop3A_543 = vector.broadcast %parallel_loop3A_418 : i32 to vector<16xi32>
        %parallel_loop3A_544 = arith.addi %iota3A, %parallel_loop3A_543 : vector<16xi32>
        %parallel_loop3A_545 = arith.constant 6 : i32
        %parallel_loop3A_546 = vector.broadcast %parallel_loop3A_545 : i32 to vector<16xi32>
        %parallel_loop3A_547 = arith.addi %parallel_loop3A_544, %parallel_loop3A_546 : vector<16xi32>
        %parallel_loop3A_548 = arith.constant 127 : i32
        %parallel_loop3A_549 = vector.broadcast %parallel_loop3A_548 : i32 to vector<16xi32>
        %parallel_loop3A_550 = arith.andi %parallel_loop3A_547, %parallel_loop3A_549 : vector<16xi32>
        %parallel_loop3A_551 = arith.constant 0 : i32
        %parallel_loop3A_552 = arith.constant 0 : i32
        %parallel_loop3A_553 = tpu.memref_slice %arg15[%scan3A_265, %parallel_loop3A_551, %parallel_loop3A_552] : memref<3x128x128xf32, #tpu.memory_space<vmem>> -> memref<1x128x128xf32, #tpu.memory_space<vmem>>
        %parallel_loop3A_554 = tpu.memref_squeeze %parallel_loop3A_553 : memref<1x128x128xf32, #tpu.memory_space<vmem>> -> memref<128x128xf32, #tpu.memory_space<vmem>>
        %parallel_loop3A_555 = tpu.vector_load_idx %parallel_loop3A_554[%add3A_383, %parallel_loop3A_550] : memref<128x128xf32, #tpu.memory_space<vmem>>[vector<16xi32>, vector<16xi32>], vector<16xf32>,
        %parallel_loop3A_556 = arith.constant 0 : i32
        %parallel_loop3A_557 = arith.constant 0 : i32
        %parallel_loop3A_558 = tpu.memref_slice %arg16[%scan3A_266, %parallel_loop3A_556, %parallel_loop3A_557] : memref<3x128x128xf32, #tpu.memory_space<vmem>> -> memref<1x128x128xf32, #tpu.memory_space<vmem>>
        %parallel_loop3A_559 = tpu.memref_squeeze %parallel_loop3A_558 : memref<1x128x128xf32, #tpu.memory_space<vmem>> -> memref<128x128xf32, #tpu.memory_space<vmem>>
        %parallel_loop3A_560 = tpu.vector_load_idx %parallel_loop3A_559[%add3A_383, %parallel_loop3A_550] : memref<128x128xf32, #tpu.memory_space<vmem>>[vector<16xi32>, vector<16xi32>], vector<16xf32>,
        %parallel_loop3A_561 = arith.mulf %parallel_loop3A_555, %parallel_loop3A_560 : vector<16xf32>
        %parallel_loop3A_562 = arith.addf %parallel_loop3A_482, %parallel_loop3A_561 : vector<16xf32>
        %parallel_loop3A_563 = vector.broadcast %parallel_loop3A_418 : i32 to vector<16xi32>
        %parallel_loop3A_564 = arith.addi %iota3A, %parallel_loop3A_563 : vector<16xi32>
        %parallel_loop3A_565 = arith.constant 7 : i32
        %parallel_loop3A_566 = vector.broadcast %parallel_loop3A_565 : i32 to vector<16xi32>
        %parallel_loop3A_567 = arith.addi %parallel_loop3A_564, %parallel_loop3A_566 : vector<16xi32>
        %parallel_loop3A_568 = arith.constant 127 : i32
        %parallel_loop3A_569 = vector.broadcast %parallel_loop3A_568 : i32 to vector<16xi32>
        %parallel_loop3A_570 = arith.andi %parallel_loop3A_567, %parallel_loop3A_569 : vector<16xi32>
        %parallel_loop3A_571 = arith.constant 0 : i32
        %parallel_loop3A_572 = arith.constant 0 : i32
        %parallel_loop3A_573 = tpu.memref_slice %arg15[%scan3A_265, %parallel_loop3A_571, %parallel_loop3A_572] : memref<3x128x128xf32, #tpu.memory_space<vmem>> -> memref<1x128x128xf32, #tpu.memory_space<vmem>>
        %parallel_loop3A_574 = tpu.memref_squeeze %parallel_loop3A_573 : memref<1x128x128xf32, #tpu.memory_space<vmem>> -> memref<128x128xf32, #tpu.memory_space<vmem>>
        %parallel_loop3A_575 = tpu.vector_load_idx %parallel_loop3A_574[%add3A_383, %parallel_loop3A_570] : memref<128x128xf32, #tpu.memory_space<vmem>>[vector<16xi32>, vector<16xi32>], vector<16xf32>,
        %parallel_loop3A_576 = arith.constant 0 : i32
        %parallel_loop3A_577 = arith.constant 0 : i32
        %parallel_loop3A_578 = tpu.memref_slice %arg16[%scan3A_266, %parallel_loop3A_576, %parallel_loop3A_577] : memref<3x128x128xf32, #tpu.memory_space<vmem>> -> memref<1x128x128xf32, #tpu.memory_space<vmem>>
        %parallel_loop3A_579 = tpu.memref_squeeze %parallel_loop3A_578 : memref<1x128x128xf32, #tpu.memory_space<vmem>> -> memref<128x128xf32, #tpu.memory_space<vmem>>
        %parallel_loop3A_580 = tpu.vector_load_idx %parallel_loop3A_579[%add3A_383, %parallel_loop3A_570] : memref<128x128xf32, #tpu.memory_space<vmem>>[vector<16xi32>, vector<16xi32>], vector<16xf32>,
        %parallel_loop3A_581 = arith.mulf %parallel_loop3A_575, %parallel_loop3A_580 : vector<16xf32>
        %parallel_loop3A_582 = arith.addf %parallel_loop3A_502, %parallel_loop3A_581 : vector<16xf32>
        scf.yield %parallel_loop3A_522, %parallel_loop3A_542, %parallel_loop3A_562, %parallel_loop3A_582 : vector<16xf32>, vector<16xf32>, vector<16xf32>, vector<16xf32>
      } {sc.loop_unroll_factor = 1 : i64, sc.parallel_access}
      %add3A_395 = arith.addf %parallel_loop3A_394#0, %parallel_loop3A_394#1 : vector<16xf32>
      %add3A_396 = arith.addf %parallel_loop3A_394#2, %parallel_loop3A_394#3 : vector<16xf32>
      %add3A_397 = arith.addf %add3A_395, %add3A_396 : vector<16xf32>
      %add3A_398 = arith.constant 128 : i32
      %add3A_399 = vector.broadcast %add3A_398 : i32 to vector<16xi32>
      %add3A_400 = arith.addi %add3A_399, %add3A_383 : vector<16xi32>
      %gather3A = tpu.vector_load_idx %arg17[%add3A_400] : memref<512xf32, #tpu.memory_space<vmem>>[vector<16xi32>], vector<16xf32>,
      %add3A_401 = arith.constant 128 : i32
      %add3A_402 = vector.broadcast %add3A_401 : i32 to vector<16xi32>
      %add3A_403 = arith.addi %add3A_402, %add3A_383 : vector<16xi32>
      %gather3A_404 = tpu.vector_load_idx %arg18[%add3A_403] : memref<512xf32, #tpu.memory_space<vmem>>[vector<16xi32>], vector<16xf32>,
      %add3A_405 = arith.constant 128 : i32
      %add3A_406 = vector.broadcast %add3A_405 : i32 to vector<16xi32>
      %add3A_407 = arith.addi %add3A_406, %add3A_383 : vector<16xi32>
      %gather3A_408 = tpu.vector_load_idx %arg13[%add3A_407] : memref<512xf32, #tpu.memory_space<vmem>>[vector<16xi32>], vector<16xf32>,
      %add3A_409 = arith.constant 128 : i32
      %add3A_410 = vector.broadcast %add3A_409 : i32 to vector<16xi32>
      %add3A_411 = arith.addi %add3A_410, %add3A_383 : vector<16xi32>
      %gather3A_412 = tpu.vector_load_idx %arg14[%add3A_411] : memref<512xf32, #tpu.memory_space<vmem>>[vector<16xi32>], vector<16xf32>,
      %add3A_413 = arith.addf %add3A_397, %gather3A : vector<16xf32>
      %add3A_414 = arith.addf %add3A_413, %gather3A_404 : vector<16xf32>
      %sub3A = arith.subf %add3A_414, %gather3A_408 : vector<16xf32>
      %mul3A_415 = arith.mulf %sub3A, %sub3A : vector<16xf32>
      %mul3A_416 = arith.mulf %mul3A_415, %gather3A_412 : vector<16xf32>
      %add3A_417 = arith.addf %scan3A_379, %mul3A_416 : vector<16xf32>
      scf.yield %add3A_417 : vector<16xf32>
    }
    %scan3A_272 = arith.constant 8 : i32
    %dma_start3A_273 = arith.constant 1 : i32
    %dma_start3A_274 = arith.constant 0 : i32
    %dma_start3A_275 = arith.constant 0 : i32
    %dma_start3A_276 = tpu.memref_slice %arg15[%dma_start3A_273, %dma_start3A_274, %dma_start3A_275] : memref<3x128x128xf32, #tpu.memory_space<vmem>> -> memref<1x32x128xf32, #tpu.memory_space<vmem>>
    %dma_start3A_277 = tpu.memref_squeeze %dma_start3A_276 : memref<1x32x128xf32, #tpu.memory_space<vmem>> -> memref<32x128xf32, #tpu.memory_space<vmem>>
    %dma_start3A_278 = arith.constant 480 : i32
    %dma_start3A_279 = tpu.memref_slice %arg11[%dma_start3A_278] : memref<512xi32, #tpu.memory_space<vmem>> -> memref<32xi32, #tpu.memory_space<vmem>>
    %dma_start3A_280 = arith.constant 0 : i32
    %dma_start3A_281 = arith.constant 0 : i32
    %dma_start3A_282 = tpu.memref_slice %arg6[%dma_start3A_280, %dma_start3A_281] : memref<100000x128xf32, #tpu.memory_space<hbm>> -> memref<100000x128xf32, #tpu.memory_space<hbm>>
    tpu.enqueue_indirect_dma source(%dma_start3A_282 : memref<100000x128xf32, #tpu.memory_space<hbm>>) target(%dma_start3A_277 : memref<32x128xf32, #tpu.memory_space<vmem>>) offsets(%dma_start3A_279 : memref<32xi32, #tpu.memory_space<vmem>>) semaphore(%arg21 : memref<!tpu.dma_semaphore, #tpu.memory_space<semaphore_mem>>)
    %dma_start3A_283 = arith.constant 1 : i32
    %dma_start3A_284 = arith.constant 0 : i32
    %dma_start3A_285 = arith.constant 0 : i32
    %dma_start3A_286 = tpu.memref_slice %arg16[%dma_start3A_283, %dma_start3A_284, %dma_start3A_285] : memref<3x128x128xf32, #tpu.memory_space<vmem>> -> memref<1x32x128xf32, #tpu.memory_space<vmem>>
    %dma_start3A_287 = tpu.memref_squeeze %dma_start3A_286 : memref<1x32x128xf32, #tpu.memory_space<vmem>> -> memref<32x128xf32, #tpu.memory_space<vmem>>
    %dma_start3A_288 = arith.constant 480 : i32
    %dma_start3A_289 = tpu.memref_slice %arg12[%dma_start3A_288] : memref<512xi32, #tpu.memory_space<vmem>> -> memref<32xi32, #tpu.memory_space<vmem>>
    %dma_start3A_290 = arith.constant 0 : i32
    %dma_start3A_291 = arith.constant 0 : i32
    %dma_start3A_292 = tpu.memref_slice %arg7[%dma_start3A_290, %dma_start3A_291] : memref<100000x128xf32, #tpu.memory_space<hbm>> -> memref<100000x128xf32, #tpu.memory_space<hbm>>
    tpu.enqueue_indirect_dma source(%dma_start3A_292 : memref<100000x128xf32, #tpu.memory_space<hbm>>) target(%dma_start3A_287 : memref<32x128xf32, #tpu.memory_space<vmem>>) offsets(%dma_start3A_289 : memref<32xi32, #tpu.memory_space<vmem>>) semaphore(%arg21 : memref<!tpu.dma_semaphore, #tpu.memory_space<semaphore_mem>>)
    %dma_wait3A_293 = arith.constant 2 : i32
    %dma_wait3A_294 = arith.constant 0 : i32
    %dma_wait3A_295 = arith.constant 0 : i32
    %dma_wait3A_296 = tpu.memref_slice %arg15[%dma_wait3A_293, %dma_wait3A_294, %dma_wait3A_295] : memref<3x128x128xf32, #tpu.memory_space<vmem>> -> memref<1x128x128xf32, #tpu.memory_space<vmem>>
    %dma_wait3A_297 = tpu.memref_squeeze %dma_wait3A_296 : memref<1x128x128xf32, #tpu.memory_space<vmem>> -> memref<128x128xf32, #tpu.memory_space<vmem>>
    %dma_wait3A_298 = arith.constant 256 : i32
    %dma_wait3A_299 = tpu.memref_slice %arg11[%dma_wait3A_298] : memref<512xi32, #tpu.memory_space<vmem>> -> memref<128xi32, #tpu.memory_space<vmem>>
    %dma_wait3A_300 = arith.constant 0 : i32
    %dma_wait3A_301 = arith.constant 0 : i32
    %dma_wait3A_302 = tpu.memref_slice %arg6[%dma_wait3A_300, %dma_wait3A_301] : memref<100000x128xf32, #tpu.memory_space<hbm>> -> memref<100000x128xf32, #tpu.memory_space<hbm>>
    tpu.wait_indirect_dma semaphore(%arg22 : memref<!tpu.dma_semaphore, #tpu.memory_space<semaphore_mem>>) src(%dma_wait3A_302 : memref<100000x128xf32, #tpu.memory_space<hbm>>) dst(%dma_wait3A_297 : memref<128x128xf32, #tpu.memory_space<vmem>>)
    %dma_wait3A_303 = arith.constant 2 : i32
    %dma_wait3A_304 = arith.constant 0 : i32
    %dma_wait3A_305 = arith.constant 0 : i32
    %dma_wait3A_306 = tpu.memref_slice %arg16[%dma_wait3A_303, %dma_wait3A_304, %dma_wait3A_305] : memref<3x128x128xf32, #tpu.memory_space<vmem>> -> memref<1x128x128xf32, #tpu.memory_space<vmem>>
    %dma_wait3A_307 = tpu.memref_squeeze %dma_wait3A_306 : memref<1x128x128xf32, #tpu.memory_space<vmem>> -> memref<128x128xf32, #tpu.memory_space<vmem>>
    %dma_wait3A_308 = arith.constant 256 : i32
    %dma_wait3A_309 = tpu.memref_slice %arg12[%dma_wait3A_308] : memref<512xi32, #tpu.memory_space<vmem>> -> memref<128xi32, #tpu.memory_space<vmem>>
    %dma_wait3A_310 = arith.constant 0 : i32
    %dma_wait3A_311 = arith.constant 0 : i32
    %dma_wait3A_312 = tpu.memref_slice %arg7[%dma_wait3A_310, %dma_wait3A_311] : memref<100000x128xf32, #tpu.memory_space<hbm>> -> memref<100000x128xf32, #tpu.memory_space<hbm>>
    tpu.wait_indirect_dma semaphore(%arg22 : memref<!tpu.dma_semaphore, #tpu.memory_space<semaphore_mem>>) src(%dma_wait3A_312 : memref<100000x128xf32, #tpu.memory_space<hbm>>) dst(%dma_wait3A_307 : memref<128x128xf32, #tpu.memory_space<vmem>>)
    %scan3A_313 = arith.constant 2 : i32
    %scan3A_314 = arith.constant 2 : i32
    %scan3A_315 = arith.constant 0 : i32
    %scan3A_316 = arith.constant 8 : i32
    %scan3A_317 = arith.addi %scan3A_315, %scan3A_316 : i32
    %scan3A_318 = arith.constant 1 : i32
    %scan3A_319 = scf.for %scan3A_378 = %scan3A_315 to %scan3A_317 step %scan3A_318 iter_args(%scan3A_379 = %scan3A_271) -> (vector<16xf32>)  : i32 {
      %mul3A_380 = arith.constant 16 : i32
      %mul3A_381 = arith.muli %scan3A_378, %mul3A_380 : i32
      %add3A_382 = vector.broadcast %mul3A_381 : i32 to vector<16xi32>
      %add3A_383 = arith.addi %add3A_382, %iota3A : vector<16xi32>
      %broadcast_in_dim3A_384 = arith.constant 0.000000e+00 : f32
      %broadcast_in_dim3A_385 = vector.broadcast %broadcast_in_dim3A_384 : f32 to vector<16xf32>
      %broadcast_in_dim3A_386 = arith.constant 0.000000e+00 : f32
      %broadcast_in_dim3A_387 = vector.broadcast %broadcast_in_dim3A_386 : f32 to vector<16xf32>
      %broadcast_in_dim3A_388 = arith.constant 0.000000e+00 : f32
      %broadcast_in_dim3A_389 = vector.broadcast %broadcast_in_dim3A_388 : f32 to vector<16xf32>
      %broadcast_in_dim3A_390 = arith.constant 0.000000e+00 : f32
      %broadcast_in_dim3A_391 = vector.broadcast %broadcast_in_dim3A_390 : f32 to vector<16xf32>
      %parallel_loop3A = arith.constant 0 : i32
      %parallel_loop3A_392 = arith.constant 128 : i32
      %parallel_loop3A_393 = arith.constant 8 : i32
      %parallel_loop3A_394:4 = scf.for %parallel_loop3A_418 = %parallel_loop3A to %parallel_loop3A_392 step %parallel_loop3A_393 iter_args(%parallel_loop3A_419 = %broadcast_in_dim3A_385, %parallel_loop3A_420 = %broadcast_in_dim3A_387, %parallel_loop3A_421 = %broadcast_in_dim3A_389, %parallel_loop3A_422 = %broadcast_in_dim3A_391) -> (vector<16xf32>, vector<16xf32>, vector<16xf32>, vector<16xf32>)  : i32 {
        %parallel_loop3A_423 = vector.broadcast %parallel_loop3A_418 : i32 to vector<16xi32>
        %parallel_loop3A_424 = arith.addi %iota3A, %parallel_loop3A_423 : vector<16xi32>
        %parallel_loop3A_425 = arith.constant 0 : i32
        %parallel_loop3A_426 = vector.broadcast %parallel_loop3A_425 : i32 to vector<16xi32>
        %parallel_loop3A_427 = arith.addi %parallel_loop3A_424, %parallel_loop3A_426 : vector<16xi32>
        %parallel_loop3A_428 = arith.constant 127 : i32
        %parallel_loop3A_429 = vector.broadcast %parallel_loop3A_428 : i32 to vector<16xi32>
        %parallel_loop3A_430 = arith.andi %parallel_loop3A_427, %parallel_loop3A_429 : vector<16xi32>
        %parallel_loop3A_431 = arith.constant 0 : i32
        %parallel_loop3A_432 = arith.constant 0 : i32
        %parallel_loop3A_433 = tpu.memref_slice %arg15[%scan3A_313, %parallel_loop3A_431, %parallel_loop3A_432] : memref<3x128x128xf32, #tpu.memory_space<vmem>> -> memref<1x128x128xf32, #tpu.memory_space<vmem>>
        %parallel_loop3A_434 = tpu.memref_squeeze %parallel_loop3A_433 : memref<1x128x128xf32, #tpu.memory_space<vmem>> -> memref<128x128xf32, #tpu.memory_space<vmem>>
        %parallel_loop3A_435 = tpu.vector_load_idx %parallel_loop3A_434[%add3A_383, %parallel_loop3A_430] : memref<128x128xf32, #tpu.memory_space<vmem>>[vector<16xi32>, vector<16xi32>], vector<16xf32>,
        %parallel_loop3A_436 = arith.constant 0 : i32
        %parallel_loop3A_437 = arith.constant 0 : i32
        %parallel_loop3A_438 = tpu.memref_slice %arg16[%scan3A_314, %parallel_loop3A_436, %parallel_loop3A_437] : memref<3x128x128xf32, #tpu.memory_space<vmem>> -> memref<1x128x128xf32, #tpu.memory_space<vmem>>
        %parallel_loop3A_439 = tpu.memref_squeeze %parallel_loop3A_438 : memref<1x128x128xf32, #tpu.memory_space<vmem>> -> memref<128x128xf32, #tpu.memory_space<vmem>>
        %parallel_loop3A_440 = tpu.vector_load_idx %parallel_loop3A_439[%add3A_383, %parallel_loop3A_430] : memref<128x128xf32, #tpu.memory_space<vmem>>[vector<16xi32>, vector<16xi32>], vector<16xf32>,
        %parallel_loop3A_441 = arith.mulf %parallel_loop3A_435, %parallel_loop3A_440 : vector<16xf32>
        %parallel_loop3A_442 = arith.addf %parallel_loop3A_419, %parallel_loop3A_441 : vector<16xf32>
        %parallel_loop3A_443 = vector.broadcast %parallel_loop3A_418 : i32 to vector<16xi32>
        %parallel_loop3A_444 = arith.addi %iota3A, %parallel_loop3A_443 : vector<16xi32>
        %parallel_loop3A_445 = arith.constant 1 : i32
        %parallel_loop3A_446 = vector.broadcast %parallel_loop3A_445 : i32 to vector<16xi32>
        %parallel_loop3A_447 = arith.addi %parallel_loop3A_444, %parallel_loop3A_446 : vector<16xi32>
        %parallel_loop3A_448 = arith.constant 127 : i32
        %parallel_loop3A_449 = vector.broadcast %parallel_loop3A_448 : i32 to vector<16xi32>
        %parallel_loop3A_450 = arith.andi %parallel_loop3A_447, %parallel_loop3A_449 : vector<16xi32>
        %parallel_loop3A_451 = arith.constant 0 : i32
        %parallel_loop3A_452 = arith.constant 0 : i32
        %parallel_loop3A_453 = tpu.memref_slice %arg15[%scan3A_313, %parallel_loop3A_451, %parallel_loop3A_452] : memref<3x128x128xf32, #tpu.memory_space<vmem>> -> memref<1x128x128xf32, #tpu.memory_space<vmem>>
        %parallel_loop3A_454 = tpu.memref_squeeze %parallel_loop3A_453 : memref<1x128x128xf32, #tpu.memory_space<vmem>> -> memref<128x128xf32, #tpu.memory_space<vmem>>
        %parallel_loop3A_455 = tpu.vector_load_idx %parallel_loop3A_454[%add3A_383, %parallel_loop3A_450] : memref<128x128xf32, #tpu.memory_space<vmem>>[vector<16xi32>, vector<16xi32>], vector<16xf32>,
        %parallel_loop3A_456 = arith.constant 0 : i32
        %parallel_loop3A_457 = arith.constant 0 : i32
        %parallel_loop3A_458 = tpu.memref_slice %arg16[%scan3A_314, %parallel_loop3A_456, %parallel_loop3A_457] : memref<3x128x128xf32, #tpu.memory_space<vmem>> -> memref<1x128x128xf32, #tpu.memory_space<vmem>>
        %parallel_loop3A_459 = tpu.memref_squeeze %parallel_loop3A_458 : memref<1x128x128xf32, #tpu.memory_space<vmem>> -> memref<128x128xf32, #tpu.memory_space<vmem>>
        %parallel_loop3A_460 = tpu.vector_load_idx %parallel_loop3A_459[%add3A_383, %parallel_loop3A_450] : memref<128x128xf32, #tpu.memory_space<vmem>>[vector<16xi32>, vector<16xi32>], vector<16xf32>,
        %parallel_loop3A_461 = arith.mulf %parallel_loop3A_455, %parallel_loop3A_460 : vector<16xf32>
        %parallel_loop3A_462 = arith.addf %parallel_loop3A_420, %parallel_loop3A_461 : vector<16xf32>
        %parallel_loop3A_463 = vector.broadcast %parallel_loop3A_418 : i32 to vector<16xi32>
        %parallel_loop3A_464 = arith.addi %iota3A, %parallel_loop3A_463 : vector<16xi32>
        %parallel_loop3A_465 = arith.constant 2 : i32
        %parallel_loop3A_466 = vector.broadcast %parallel_loop3A_465 : i32 to vector<16xi32>
        %parallel_loop3A_467 = arith.addi %parallel_loop3A_464, %parallel_loop3A_466 : vector<16xi32>
        %parallel_loop3A_468 = arith.constant 127 : i32
        %parallel_loop3A_469 = vector.broadcast %parallel_loop3A_468 : i32 to vector<16xi32>
        %parallel_loop3A_470 = arith.andi %parallel_loop3A_467, %parallel_loop3A_469 : vector<16xi32>
        %parallel_loop3A_471 = arith.constant 0 : i32
        %parallel_loop3A_472 = arith.constant 0 : i32
        %parallel_loop3A_473 = tpu.memref_slice %arg15[%scan3A_313, %parallel_loop3A_471, %parallel_loop3A_472] : memref<3x128x128xf32, #tpu.memory_space<vmem>> -> memref<1x128x128xf32, #tpu.memory_space<vmem>>
        %parallel_loop3A_474 = tpu.memref_squeeze %parallel_loop3A_473 : memref<1x128x128xf32, #tpu.memory_space<vmem>> -> memref<128x128xf32, #tpu.memory_space<vmem>>
        %parallel_loop3A_475 = tpu.vector_load_idx %parallel_loop3A_474[%add3A_383, %parallel_loop3A_470] : memref<128x128xf32, #tpu.memory_space<vmem>>[vector<16xi32>, vector<16xi32>], vector<16xf32>,
        %parallel_loop3A_476 = arith.constant 0 : i32
        %parallel_loop3A_477 = arith.constant 0 : i32
        %parallel_loop3A_478 = tpu.memref_slice %arg16[%scan3A_314, %parallel_loop3A_476, %parallel_loop3A_477] : memref<3x128x128xf32, #tpu.memory_space<vmem>> -> memref<1x128x128xf32, #tpu.memory_space<vmem>>
        %parallel_loop3A_479 = tpu.memref_squeeze %parallel_loop3A_478 : memref<1x128x128xf32, #tpu.memory_space<vmem>> -> memref<128x128xf32, #tpu.memory_space<vmem>>
        %parallel_loop3A_480 = tpu.vector_load_idx %parallel_loop3A_479[%add3A_383, %parallel_loop3A_470] : memref<128x128xf32, #tpu.memory_space<vmem>>[vector<16xi32>, vector<16xi32>], vector<16xf32>,
        %parallel_loop3A_481 = arith.mulf %parallel_loop3A_475, %parallel_loop3A_480 : vector<16xf32>
        %parallel_loop3A_482 = arith.addf %parallel_loop3A_421, %parallel_loop3A_481 : vector<16xf32>
        %parallel_loop3A_483 = vector.broadcast %parallel_loop3A_418 : i32 to vector<16xi32>
        %parallel_loop3A_484 = arith.addi %iota3A, %parallel_loop3A_483 : vector<16xi32>
        %parallel_loop3A_485 = arith.constant 3 : i32
        %parallel_loop3A_486 = vector.broadcast %parallel_loop3A_485 : i32 to vector<16xi32>
        %parallel_loop3A_487 = arith.addi %parallel_loop3A_484, %parallel_loop3A_486 : vector<16xi32>
        %parallel_loop3A_488 = arith.constant 127 : i32
        %parallel_loop3A_489 = vector.broadcast %parallel_loop3A_488 : i32 to vector<16xi32>
        %parallel_loop3A_490 = arith.andi %parallel_loop3A_487, %parallel_loop3A_489 : vector<16xi32>
        %parallel_loop3A_491 = arith.constant 0 : i32
        %parallel_loop3A_492 = arith.constant 0 : i32
        %parallel_loop3A_493 = tpu.memref_slice %arg15[%scan3A_313, %parallel_loop3A_491, %parallel_loop3A_492] : memref<3x128x128xf32, #tpu.memory_space<vmem>> -> memref<1x128x128xf32, #tpu.memory_space<vmem>>
        %parallel_loop3A_494 = tpu.memref_squeeze %parallel_loop3A_493 : memref<1x128x128xf32, #tpu.memory_space<vmem>> -> memref<128x128xf32, #tpu.memory_space<vmem>>
        %parallel_loop3A_495 = tpu.vector_load_idx %parallel_loop3A_494[%add3A_383, %parallel_loop3A_490] : memref<128x128xf32, #tpu.memory_space<vmem>>[vector<16xi32>, vector<16xi32>], vector<16xf32>,
        %parallel_loop3A_496 = arith.constant 0 : i32
        %parallel_loop3A_497 = arith.constant 0 : i32
        %parallel_loop3A_498 = tpu.memref_slice %arg16[%scan3A_314, %parallel_loop3A_496, %parallel_loop3A_497] : memref<3x128x128xf32, #tpu.memory_space<vmem>> -> memref<1x128x128xf32, #tpu.memory_space<vmem>>
        %parallel_loop3A_499 = tpu.memref_squeeze %parallel_loop3A_498 : memref<1x128x128xf32, #tpu.memory_space<vmem>> -> memref<128x128xf32, #tpu.memory_space<vmem>>
        %parallel_loop3A_500 = tpu.vector_load_idx %parallel_loop3A_499[%add3A_383, %parallel_loop3A_490] : memref<128x128xf32, #tpu.memory_space<vmem>>[vector<16xi32>, vector<16xi32>], vector<16xf32>,
        %parallel_loop3A_501 = arith.mulf %parallel_loop3A_495, %parallel_loop3A_500 : vector<16xf32>
        %parallel_loop3A_502 = arith.addf %parallel_loop3A_422, %parallel_loop3A_501 : vector<16xf32>
        %parallel_loop3A_503 = vector.broadcast %parallel_loop3A_418 : i32 to vector<16xi32>
        %parallel_loop3A_504 = arith.addi %iota3A, %parallel_loop3A_503 : vector<16xi32>
        %parallel_loop3A_505 = arith.constant 4 : i32
        %parallel_loop3A_506 = vector.broadcast %parallel_loop3A_505 : i32 to vector<16xi32>
        %parallel_loop3A_507 = arith.addi %parallel_loop3A_504, %parallel_loop3A_506 : vector<16xi32>
        %parallel_loop3A_508 = arith.constant 127 : i32
        %parallel_loop3A_509 = vector.broadcast %parallel_loop3A_508 : i32 to vector<16xi32>
        %parallel_loop3A_510 = arith.andi %parallel_loop3A_507, %parallel_loop3A_509 : vector<16xi32>
        %parallel_loop3A_511 = arith.constant 0 : i32
        %parallel_loop3A_512 = arith.constant 0 : i32
        %parallel_loop3A_513 = tpu.memref_slice %arg15[%scan3A_313, %parallel_loop3A_511, %parallel_loop3A_512] : memref<3x128x128xf32, #tpu.memory_space<vmem>> -> memref<1x128x128xf32, #tpu.memory_space<vmem>>
        %parallel_loop3A_514 = tpu.memref_squeeze %parallel_loop3A_513 : memref<1x128x128xf32, #tpu.memory_space<vmem>> -> memref<128x128xf32, #tpu.memory_space<vmem>>
        %parallel_loop3A_515 = tpu.vector_load_idx %parallel_loop3A_514[%add3A_383, %parallel_loop3A_510] : memref<128x128xf32, #tpu.memory_space<vmem>>[vector<16xi32>, vector<16xi32>], vector<16xf32>,
        %parallel_loop3A_516 = arith.constant 0 : i32
        %parallel_loop3A_517 = arith.constant 0 : i32
        %parallel_loop3A_518 = tpu.memref_slice %arg16[%scan3A_314, %parallel_loop3A_516, %parallel_loop3A_517] : memref<3x128x128xf32, #tpu.memory_space<vmem>> -> memref<1x128x128xf32, #tpu.memory_space<vmem>>
        %parallel_loop3A_519 = tpu.memref_squeeze %parallel_loop3A_518 : memref<1x128x128xf32, #tpu.memory_space<vmem>> -> memref<128x128xf32, #tpu.memory_space<vmem>>
        %parallel_loop3A_520 = tpu.vector_load_idx %parallel_loop3A_519[%add3A_383, %parallel_loop3A_510] : memref<128x128xf32, #tpu.memory_space<vmem>>[vector<16xi32>, vector<16xi32>], vector<16xf32>,
        %parallel_loop3A_521 = arith.mulf %parallel_loop3A_515, %parallel_loop3A_520 : vector<16xf32>
        %parallel_loop3A_522 = arith.addf %parallel_loop3A_442, %parallel_loop3A_521 : vector<16xf32>
        %parallel_loop3A_523 = vector.broadcast %parallel_loop3A_418 : i32 to vector<16xi32>
        %parallel_loop3A_524 = arith.addi %iota3A, %parallel_loop3A_523 : vector<16xi32>
        %parallel_loop3A_525 = arith.constant 5 : i32
        %parallel_loop3A_526 = vector.broadcast %parallel_loop3A_525 : i32 to vector<16xi32>
        %parallel_loop3A_527 = arith.addi %parallel_loop3A_524, %parallel_loop3A_526 : vector<16xi32>
        %parallel_loop3A_528 = arith.constant 127 : i32
        %parallel_loop3A_529 = vector.broadcast %parallel_loop3A_528 : i32 to vector<16xi32>
        %parallel_loop3A_530 = arith.andi %parallel_loop3A_527, %parallel_loop3A_529 : vector<16xi32>
        %parallel_loop3A_531 = arith.constant 0 : i32
        %parallel_loop3A_532 = arith.constant 0 : i32
        %parallel_loop3A_533 = tpu.memref_slice %arg15[%scan3A_313, %parallel_loop3A_531, %parallel_loop3A_532] : memref<3x128x128xf32, #tpu.memory_space<vmem>> -> memref<1x128x128xf32, #tpu.memory_space<vmem>>
        %parallel_loop3A_534 = tpu.memref_squeeze %parallel_loop3A_533 : memref<1x128x128xf32, #tpu.memory_space<vmem>> -> memref<128x128xf32, #tpu.memory_space<vmem>>
        %parallel_loop3A_535 = tpu.vector_load_idx %parallel_loop3A_534[%add3A_383, %parallel_loop3A_530] : memref<128x128xf32, #tpu.memory_space<vmem>>[vector<16xi32>, vector<16xi32>], vector<16xf32>,
        %parallel_loop3A_536 = arith.constant 0 : i32
        %parallel_loop3A_537 = arith.constant 0 : i32
        %parallel_loop3A_538 = tpu.memref_slice %arg16[%scan3A_314, %parallel_loop3A_536, %parallel_loop3A_537] : memref<3x128x128xf32, #tpu.memory_space<vmem>> -> memref<1x128x128xf32, #tpu.memory_space<vmem>>
        %parallel_loop3A_539 = tpu.memref_squeeze %parallel_loop3A_538 : memref<1x128x128xf32, #tpu.memory_space<vmem>> -> memref<128x128xf32, #tpu.memory_space<vmem>>
        %parallel_loop3A_540 = tpu.vector_load_idx %parallel_loop3A_539[%add3A_383, %parallel_loop3A_530] : memref<128x128xf32, #tpu.memory_space<vmem>>[vector<16xi32>, vector<16xi32>], vector<16xf32>,
        %parallel_loop3A_541 = arith.mulf %parallel_loop3A_535, %parallel_loop3A_540 : vector<16xf32>
        %parallel_loop3A_542 = arith.addf %parallel_loop3A_462, %parallel_loop3A_541 : vector<16xf32>
        %parallel_loop3A_543 = vector.broadcast %parallel_loop3A_418 : i32 to vector<16xi32>
        %parallel_loop3A_544 = arith.addi %iota3A, %parallel_loop3A_543 : vector<16xi32>
        %parallel_loop3A_545 = arith.constant 6 : i32
        %parallel_loop3A_546 = vector.broadcast %parallel_loop3A_545 : i32 to vector<16xi32>
        %parallel_loop3A_547 = arith.addi %parallel_loop3A_544, %parallel_loop3A_546 : vector<16xi32>
        %parallel_loop3A_548 = arith.constant 127 : i32
        %parallel_loop3A_549 = vector.broadcast %parallel_loop3A_548 : i32 to vector<16xi32>
        %parallel_loop3A_550 = arith.andi %parallel_loop3A_547, %parallel_loop3A_549 : vector<16xi32>
        %parallel_loop3A_551 = arith.constant 0 : i32
        %parallel_loop3A_552 = arith.constant 0 : i32
        %parallel_loop3A_553 = tpu.memref_slice %arg15[%scan3A_313, %parallel_loop3A_551, %parallel_loop3A_552] : memref<3x128x128xf32, #tpu.memory_space<vmem>> -> memref<1x128x128xf32, #tpu.memory_space<vmem>>
        %parallel_loop3A_554 = tpu.memref_squeeze %parallel_loop3A_553 : memref<1x128x128xf32, #tpu.memory_space<vmem>> -> memref<128x128xf32, #tpu.memory_space<vmem>>
        %parallel_loop3A_555 = tpu.vector_load_idx %parallel_loop3A_554[%add3A_383, %parallel_loop3A_550] : memref<128x128xf32, #tpu.memory_space<vmem>>[vector<16xi32>, vector<16xi32>], vector<16xf32>,
        %parallel_loop3A_556 = arith.constant 0 : i32
        %parallel_loop3A_557 = arith.constant 0 : i32
        %parallel_loop3A_558 = tpu.memref_slice %arg16[%scan3A_314, %parallel_loop3A_556, %parallel_loop3A_557] : memref<3x128x128xf32, #tpu.memory_space<vmem>> -> memref<1x128x128xf32, #tpu.memory_space<vmem>>
        %parallel_loop3A_559 = tpu.memref_squeeze %parallel_loop3A_558 : memref<1x128x128xf32, #tpu.memory_space<vmem>> -> memref<128x128xf32, #tpu.memory_space<vmem>>
        %parallel_loop3A_560 = tpu.vector_load_idx %parallel_loop3A_559[%add3A_383, %parallel_loop3A_550] : memref<128x128xf32, #tpu.memory_space<vmem>>[vector<16xi32>, vector<16xi32>], vector<16xf32>,
        %parallel_loop3A_561 = arith.mulf %parallel_loop3A_555, %parallel_loop3A_560 : vector<16xf32>
        %parallel_loop3A_562 = arith.addf %parallel_loop3A_482, %parallel_loop3A_561 : vector<16xf32>
        %parallel_loop3A_563 = vector.broadcast %parallel_loop3A_418 : i32 to vector<16xi32>
        %parallel_loop3A_564 = arith.addi %iota3A, %parallel_loop3A_563 : vector<16xi32>
        %parallel_loop3A_565 = arith.constant 7 : i32
        %parallel_loop3A_566 = vector.broadcast %parallel_loop3A_565 : i32 to vector<16xi32>
        %parallel_loop3A_567 = arith.addi %parallel_loop3A_564, %parallel_loop3A_566 : vector<16xi32>
        %parallel_loop3A_568 = arith.constant 127 : i32
        %parallel_loop3A_569 = vector.broadcast %parallel_loop3A_568 : i32 to vector<16xi32>
        %parallel_loop3A_570 = arith.andi %parallel_loop3A_567, %parallel_loop3A_569 : vector<16xi32>
        %parallel_loop3A_571 = arith.constant 0 : i32
        %parallel_loop3A_572 = arith.constant 0 : i32
        %parallel_loop3A_573 = tpu.memref_slice %arg15[%scan3A_313, %parallel_loop3A_571, %parallel_loop3A_572] : memref<3x128x128xf32, #tpu.memory_space<vmem>> -> memref<1x128x128xf32, #tpu.memory_space<vmem>>
        %parallel_loop3A_574 = tpu.memref_squeeze %parallel_loop3A_573 : memref<1x128x128xf32, #tpu.memory_space<vmem>> -> memref<128x128xf32, #tpu.memory_space<vmem>>
        %parallel_loop3A_575 = tpu.vector_load_idx %parallel_loop3A_574[%add3A_383, %parallel_loop3A_570] : memref<128x128xf32, #tpu.memory_space<vmem>>[vector<16xi32>, vector<16xi32>], vector<16xf32>,
        %parallel_loop3A_576 = arith.constant 0 : i32
        %parallel_loop3A_577 = arith.constant 0 : i32
        %parallel_loop3A_578 = tpu.memref_slice %arg16[%scan3A_314, %parallel_loop3A_576, %parallel_loop3A_577] : memref<3x128x128xf32, #tpu.memory_space<vmem>> -> memref<1x128x128xf32, #tpu.memory_space<vmem>>
        %parallel_loop3A_579 = tpu.memref_squeeze %parallel_loop3A_578 : memref<1x128x128xf32, #tpu.memory_space<vmem>> -> memref<128x128xf32, #tpu.memory_space<vmem>>
        %parallel_loop3A_580 = tpu.vector_load_idx %parallel_loop3A_579[%add3A_383, %parallel_loop3A_570] : memref<128x128xf32, #tpu.memory_space<vmem>>[vector<16xi32>, vector<16xi32>], vector<16xf32>,
        %parallel_loop3A_581 = arith.mulf %parallel_loop3A_575, %parallel_loop3A_580 : vector<16xf32>
        %parallel_loop3A_582 = arith.addf %parallel_loop3A_502, %parallel_loop3A_581 : vector<16xf32>
        scf.yield %parallel_loop3A_522, %parallel_loop3A_542, %parallel_loop3A_562, %parallel_loop3A_582 : vector<16xf32>, vector<16xf32>, vector<16xf32>, vector<16xf32>
      } {sc.loop_unroll_factor = 1 : i64, sc.parallel_access}
      %add3A_395 = arith.addf %parallel_loop3A_394#0, %parallel_loop3A_394#1 : vector<16xf32>
      %add3A_396 = arith.addf %parallel_loop3A_394#2, %parallel_loop3A_394#3 : vector<16xf32>
      %add3A_397 = arith.addf %add3A_395, %add3A_396 : vector<16xf32>
      %add3A_398 = arith.constant 256 : i32
      %add3A_399 = vector.broadcast %add3A_398 : i32 to vector<16xi32>
      %add3A_400 = arith.addi %add3A_399, %add3A_383 : vector<16xi32>
      %gather3A = tpu.vector_load_idx %arg17[%add3A_400] : memref<512xf32, #tpu.memory_space<vmem>>[vector<16xi32>], vector<16xf32>,
      %add3A_401 = arith.constant 256 : i32
      %add3A_402 = vector.broadcast %add3A_401 : i32 to vector<16xi32>
      %add3A_403 = arith.addi %add3A_402, %add3A_383 : vector<16xi32>
      %gather3A_404 = tpu.vector_load_idx %arg18[%add3A_403] : memref<512xf32, #tpu.memory_space<vmem>>[vector<16xi32>], vector<16xf32>,
      %add3A_405 = arith.constant 256 : i32
      %add3A_406 = vector.broadcast %add3A_405 : i32 to vector<16xi32>
      %add3A_407 = arith.addi %add3A_406, %add3A_383 : vector<16xi32>
      %gather3A_408 = tpu.vector_load_idx %arg13[%add3A_407] : memref<512xf32, #tpu.memory_space<vmem>>[vector<16xi32>], vector<16xf32>,
      %add3A_409 = arith.constant 256 : i32
      %add3A_410 = vector.broadcast %add3A_409 : i32 to vector<16xi32>
      %add3A_411 = arith.addi %add3A_410, %add3A_383 : vector<16xi32>
      %gather3A_412 = tpu.vector_load_idx %arg14[%add3A_411] : memref<512xf32, #tpu.memory_space<vmem>>[vector<16xi32>], vector<16xf32>,
      %add3A_413 = arith.addf %add3A_397, %gather3A : vector<16xf32>
      %add3A_414 = arith.addf %add3A_413, %gather3A_404 : vector<16xf32>
      %sub3A = arith.subf %add3A_414, %gather3A_408 : vector<16xf32>
      %mul3A_415 = arith.mulf %sub3A, %sub3A : vector<16xf32>
      %mul3A_416 = arith.mulf %mul3A_415, %gather3A_412 : vector<16xf32>
      %add3A_417 = arith.addf %scan3A_379, %mul3A_416 : vector<16xf32>
      scf.yield %add3A_417 : vector<16xf32>
    }
    %scan3A_320 = arith.constant 8 : i32
    %dma_wait3A_321 = arith.constant 0 : i32
    %dma_wait3A_322 = arith.constant 0 : i32
    %dma_wait3A_323 = arith.constant 0 : i32
    %dma_wait3A_324 = tpu.memref_slice %arg15[%dma_wait3A_321, %dma_wait3A_322, %dma_wait3A_323] : memref<3x128x128xf32, #tpu.memory_space<vmem>> -> memref<1x96x128xf32, #tpu.memory_space<vmem>>
    %dma_wait3A_325 = tpu.memref_squeeze %dma_wait3A_324 : memref<1x96x128xf32, #tpu.memory_space<vmem>> -> memref<96x128xf32, #tpu.memory_space<vmem>>
    %dma_wait3A_326 = arith.constant 384 : i32
    %dma_wait3A_327 = tpu.memref_slice %arg11[%dma_wait3A_326] : memref<512xi32, #tpu.memory_space<vmem>> -> memref<96xi32, #tpu.memory_space<vmem>>
    %dma_wait3A_328 = arith.constant 0 : i32
    %dma_wait3A_329 = arith.constant 0 : i32
    %dma_wait3A_330 = tpu.memref_slice %arg6[%dma_wait3A_328, %dma_wait3A_329] : memref<100000x128xf32, #tpu.memory_space<hbm>> -> memref<100000x128xf32, #tpu.memory_space<hbm>>
    tpu.wait_indirect_dma semaphore(%arg20 : memref<!tpu.dma_semaphore, #tpu.memory_space<semaphore_mem>>) src(%dma_wait3A_330 : memref<100000x128xf32, #tpu.memory_space<hbm>>) dst(%dma_wait3A_325 : memref<96x128xf32, #tpu.memory_space<vmem>>)
    %dma_wait3A_331 = arith.constant 0 : i32
    %dma_wait3A_332 = arith.constant 0 : i32
    %dma_wait3A_333 = arith.constant 0 : i32
    %dma_wait3A_334 = tpu.memref_slice %arg16[%dma_wait3A_331, %dma_wait3A_332, %dma_wait3A_333] : memref<3x128x128xf32, #tpu.memory_space<vmem>> -> memref<1x96x128xf32, #tpu.memory_space<vmem>>
    %dma_wait3A_335 = tpu.memref_squeeze %dma_wait3A_334 : memref<1x96x128xf32, #tpu.memory_space<vmem>> -> memref<96x128xf32, #tpu.memory_space<vmem>>
    %dma_wait3A_336 = arith.constant 384 : i32
    %dma_wait3A_337 = tpu.memref_slice %arg12[%dma_wait3A_336] : memref<512xi32, #tpu.memory_space<vmem>> -> memref<96xi32, #tpu.memory_space<vmem>>
    %dma_wait3A_338 = arith.constant 0 : i32
    %dma_wait3A_339 = arith.constant 0 : i32
    %dma_wait3A_340 = tpu.memref_slice %arg7[%dma_wait3A_338, %dma_wait3A_339] : memref<100000x128xf32, #tpu.memory_space<hbm>> -> memref<100000x128xf32, #tpu.memory_space<hbm>>
    tpu.wait_indirect_dma semaphore(%arg20 : memref<!tpu.dma_semaphore, #tpu.memory_space<semaphore_mem>>) src(%dma_wait3A_340 : memref<100000x128xf32, #tpu.memory_space<hbm>>) dst(%dma_wait3A_335 : memref<96x128xf32, #tpu.memory_space<vmem>>)
    %scan3A_341 = arith.constant 0 : i32
    %scan3A_342 = arith.constant 0 : i32
    %scan3A_343 = arith.constant 0 : i32
    %scan3A_344 = arith.constant 6 : i32
    %scan3A_345 = arith.addi %scan3A_343, %scan3A_344 : i32
    %scan3A_346 = arith.constant 1 : i32
    %scan3A_347 = scf.for %scan3A_378 = %scan3A_343 to %scan3A_345 step %scan3A_346 iter_args(%scan3A_379 = %scan3A_319) -> (vector<16xf32>)  : i32 {
      %mul3A_380 = arith.constant 16 : i32
      %mul3A_381 = arith.muli %scan3A_378, %mul3A_380 : i32
      %add3A_382 = vector.broadcast %mul3A_381 : i32 to vector<16xi32>
      %add3A_383 = arith.addi %add3A_382, %iota3A : vector<16xi32>
      %broadcast_in_dim3A_384 = arith.constant 0.000000e+00 : f32
      %broadcast_in_dim3A_385 = vector.broadcast %broadcast_in_dim3A_384 : f32 to vector<16xf32>
      %broadcast_in_dim3A_386 = arith.constant 0.000000e+00 : f32
      %broadcast_in_dim3A_387 = vector.broadcast %broadcast_in_dim3A_386 : f32 to vector<16xf32>
      %broadcast_in_dim3A_388 = arith.constant 0.000000e+00 : f32
      %broadcast_in_dim3A_389 = vector.broadcast %broadcast_in_dim3A_388 : f32 to vector<16xf32>
      %broadcast_in_dim3A_390 = arith.constant 0.000000e+00 : f32
      %broadcast_in_dim3A_391 = vector.broadcast %broadcast_in_dim3A_390 : f32 to vector<16xf32>
      %parallel_loop3A = arith.constant 0 : i32
      %parallel_loop3A_392 = arith.constant 128 : i32
      %parallel_loop3A_393 = arith.constant 8 : i32
      %parallel_loop3A_394:4 = scf.for %parallel_loop3A_418 = %parallel_loop3A to %parallel_loop3A_392 step %parallel_loop3A_393 iter_args(%parallel_loop3A_419 = %broadcast_in_dim3A_385, %parallel_loop3A_420 = %broadcast_in_dim3A_387, %parallel_loop3A_421 = %broadcast_in_dim3A_389, %parallel_loop3A_422 = %broadcast_in_dim3A_391) -> (vector<16xf32>, vector<16xf32>, vector<16xf32>, vector<16xf32>)  : i32 {
        %parallel_loop3A_423 = vector.broadcast %parallel_loop3A_418 : i32 to vector<16xi32>
        %parallel_loop3A_424 = arith.addi %iota3A, %parallel_loop3A_423 : vector<16xi32>
        %parallel_loop3A_425 = arith.constant 0 : i32
        %parallel_loop3A_426 = vector.broadcast %parallel_loop3A_425 : i32 to vector<16xi32>
        %parallel_loop3A_427 = arith.addi %parallel_loop3A_424, %parallel_loop3A_426 : vector<16xi32>
        %parallel_loop3A_428 = arith.constant 127 : i32
        %parallel_loop3A_429 = vector.broadcast %parallel_loop3A_428 : i32 to vector<16xi32>
        %parallel_loop3A_430 = arith.andi %parallel_loop3A_427, %parallel_loop3A_429 : vector<16xi32>
        %parallel_loop3A_431 = arith.constant 0 : i32
        %parallel_loop3A_432 = arith.constant 0 : i32
        %parallel_loop3A_433 = tpu.memref_slice %arg15[%scan3A_341, %parallel_loop3A_431, %parallel_loop3A_432] : memref<3x128x128xf32, #tpu.memory_space<vmem>> -> memref<1x128x128xf32, #tpu.memory_space<vmem>>
        %parallel_loop3A_434 = tpu.memref_squeeze %parallel_loop3A_433 : memref<1x128x128xf32, #tpu.memory_space<vmem>> -> memref<128x128xf32, #tpu.memory_space<vmem>>
        %parallel_loop3A_435 = tpu.vector_load_idx %parallel_loop3A_434[%add3A_383, %parallel_loop3A_430] : memref<128x128xf32, #tpu.memory_space<vmem>>[vector<16xi32>, vector<16xi32>], vector<16xf32>,
        %parallel_loop3A_436 = arith.constant 0 : i32
        %parallel_loop3A_437 = arith.constant 0 : i32
        %parallel_loop3A_438 = tpu.memref_slice %arg16[%scan3A_342, %parallel_loop3A_436, %parallel_loop3A_437] : memref<3x128x128xf32, #tpu.memory_space<vmem>> -> memref<1x128x128xf32, #tpu.memory_space<vmem>>
        %parallel_loop3A_439 = tpu.memref_squeeze %parallel_loop3A_438 : memref<1x128x128xf32, #tpu.memory_space<vmem>> -> memref<128x128xf32, #tpu.memory_space<vmem>>
        %parallel_loop3A_440 = tpu.vector_load_idx %parallel_loop3A_439[%add3A_383, %parallel_loop3A_430] : memref<128x128xf32, #tpu.memory_space<vmem>>[vector<16xi32>, vector<16xi32>], vector<16xf32>,
        %parallel_loop3A_441 = arith.mulf %parallel_loop3A_435, %parallel_loop3A_440 : vector<16xf32>
        %parallel_loop3A_442 = arith.addf %parallel_loop3A_419, %parallel_loop3A_441 : vector<16xf32>
        %parallel_loop3A_443 = vector.broadcast %parallel_loop3A_418 : i32 to vector<16xi32>
        %parallel_loop3A_444 = arith.addi %iota3A, %parallel_loop3A_443 : vector<16xi32>
        %parallel_loop3A_445 = arith.constant 1 : i32
        %parallel_loop3A_446 = vector.broadcast %parallel_loop3A_445 : i32 to vector<16xi32>
        %parallel_loop3A_447 = arith.addi %parallel_loop3A_444, %parallel_loop3A_446 : vector<16xi32>
        %parallel_loop3A_448 = arith.constant 127 : i32
        %parallel_loop3A_449 = vector.broadcast %parallel_loop3A_448 : i32 to vector<16xi32>
        %parallel_loop3A_450 = arith.andi %parallel_loop3A_447, %parallel_loop3A_449 : vector<16xi32>
        %parallel_loop3A_451 = arith.constant 0 : i32
        %parallel_loop3A_452 = arith.constant 0 : i32
        %parallel_loop3A_453 = tpu.memref_slice %arg15[%scan3A_341, %parallel_loop3A_451, %parallel_loop3A_452] : memref<3x128x128xf32, #tpu.memory_space<vmem>> -> memref<1x128x128xf32, #tpu.memory_space<vmem>>
        %parallel_loop3A_454 = tpu.memref_squeeze %parallel_loop3A_453 : memref<1x128x128xf32, #tpu.memory_space<vmem>> -> memref<128x128xf32, #tpu.memory_space<vmem>>
        %parallel_loop3A_455 = tpu.vector_load_idx %parallel_loop3A_454[%add3A_383, %parallel_loop3A_450] : memref<128x128xf32, #tpu.memory_space<vmem>>[vector<16xi32>, vector<16xi32>], vector<16xf32>,
        %parallel_loop3A_456 = arith.constant 0 : i32
        %parallel_loop3A_457 = arith.constant 0 : i32
        %parallel_loop3A_458 = tpu.memref_slice %arg16[%scan3A_342, %parallel_loop3A_456, %parallel_loop3A_457] : memref<3x128x128xf32, #tpu.memory_space<vmem>> -> memref<1x128x128xf32, #tpu.memory_space<vmem>>
        %parallel_loop3A_459 = tpu.memref_squeeze %parallel_loop3A_458 : memref<1x128x128xf32, #tpu.memory_space<vmem>> -> memref<128x128xf32, #tpu.memory_space<vmem>>
        %parallel_loop3A_460 = tpu.vector_load_idx %parallel_loop3A_459[%add3A_383, %parallel_loop3A_450] : memref<128x128xf32, #tpu.memory_space<vmem>>[vector<16xi32>, vector<16xi32>], vector<16xf32>,
        %parallel_loop3A_461 = arith.mulf %parallel_loop3A_455, %parallel_loop3A_460 : vector<16xf32>
        %parallel_loop3A_462 = arith.addf %parallel_loop3A_420, %parallel_loop3A_461 : vector<16xf32>
        %parallel_loop3A_463 = vector.broadcast %parallel_loop3A_418 : i32 to vector<16xi32>
        %parallel_loop3A_464 = arith.addi %iota3A, %parallel_loop3A_463 : vector<16xi32>
        %parallel_loop3A_465 = arith.constant 2 : i32
        %parallel_loop3A_466 = vector.broadcast %parallel_loop3A_465 : i32 to vector<16xi32>
        %parallel_loop3A_467 = arith.addi %parallel_loop3A_464, %parallel_loop3A_466 : vector<16xi32>
        %parallel_loop3A_468 = arith.constant 127 : i32
        %parallel_loop3A_469 = vector.broadcast %parallel_loop3A_468 : i32 to vector<16xi32>
        %parallel_loop3A_470 = arith.andi %parallel_loop3A_467, %parallel_loop3A_469 : vector<16xi32>
        %parallel_loop3A_471 = arith.constant 0 : i32
        %parallel_loop3A_472 = arith.constant 0 : i32
        %parallel_loop3A_473 = tpu.memref_slice %arg15[%scan3A_341, %parallel_loop3A_471, %parallel_loop3A_472] : memref<3x128x128xf32, #tpu.memory_space<vmem>> -> memref<1x128x128xf32, #tpu.memory_space<vmem>>
        %parallel_loop3A_474 = tpu.memref_squeeze %parallel_loop3A_473 : memref<1x128x128xf32, #tpu.memory_space<vmem>> -> memref<128x128xf32, #tpu.memory_space<vmem>>
        %parallel_loop3A_475 = tpu.vector_load_idx %parallel_loop3A_474[%add3A_383, %parallel_loop3A_470] : memref<128x128xf32, #tpu.memory_space<vmem>>[vector<16xi32>, vector<16xi32>], vector<16xf32>,
        %parallel_loop3A_476 = arith.constant 0 : i32
        %parallel_loop3A_477 = arith.constant 0 : i32
        %parallel_loop3A_478 = tpu.memref_slice %arg16[%scan3A_342, %parallel_loop3A_476, %parallel_loop3A_477] : memref<3x128x128xf32, #tpu.memory_space<vmem>> -> memref<1x128x128xf32, #tpu.memory_space<vmem>>
        %parallel_loop3A_479 = tpu.memref_squeeze %parallel_loop3A_478 : memref<1x128x128xf32, #tpu.memory_space<vmem>> -> memref<128x128xf32, #tpu.memory_space<vmem>>
        %parallel_loop3A_480 = tpu.vector_load_idx %parallel_loop3A_479[%add3A_383, %parallel_loop3A_470] : memref<128x128xf32, #tpu.memory_space<vmem>>[vector<16xi32>, vector<16xi32>], vector<16xf32>,
        %parallel_loop3A_481 = arith.mulf %parallel_loop3A_475, %parallel_loop3A_480 : vector<16xf32>
        %parallel_loop3A_482 = arith.addf %parallel_loop3A_421, %parallel_loop3A_481 : vector<16xf32>
        %parallel_loop3A_483 = vector.broadcast %parallel_loop3A_418 : i32 to vector<16xi32>
        %parallel_loop3A_484 = arith.addi %iota3A, %parallel_loop3A_483 : vector<16xi32>
        %parallel_loop3A_485 = arith.constant 3 : i32
        %parallel_loop3A_486 = vector.broadcast %parallel_loop3A_485 : i32 to vector<16xi32>
        %parallel_loop3A_487 = arith.addi %parallel_loop3A_484, %parallel_loop3A_486 : vector<16xi32>
        %parallel_loop3A_488 = arith.constant 127 : i32
        %parallel_loop3A_489 = vector.broadcast %parallel_loop3A_488 : i32 to vector<16xi32>
        %parallel_loop3A_490 = arith.andi %parallel_loop3A_487, %parallel_loop3A_489 : vector<16xi32>
        %parallel_loop3A_491 = arith.constant 0 : i32
        %parallel_loop3A_492 = arith.constant 0 : i32
        %parallel_loop3A_493 = tpu.memref_slice %arg15[%scan3A_341, %parallel_loop3A_491, %parallel_loop3A_492] : memref<3x128x128xf32, #tpu.memory_space<vmem>> -> memref<1x128x128xf32, #tpu.memory_space<vmem>>
        %parallel_loop3A_494 = tpu.memref_squeeze %parallel_loop3A_493 : memref<1x128x128xf32, #tpu.memory_space<vmem>> -> memref<128x128xf32, #tpu.memory_space<vmem>>
        %parallel_loop3A_495 = tpu.vector_load_idx %parallel_loop3A_494[%add3A_383, %parallel_loop3A_490] : memref<128x128xf32, #tpu.memory_space<vmem>>[vector<16xi32>, vector<16xi32>], vector<16xf32>,
        %parallel_loop3A_496 = arith.constant 0 : i32
        %parallel_loop3A_497 = arith.constant 0 : i32
        %parallel_loop3A_498 = tpu.memref_slice %arg16[%scan3A_342, %parallel_loop3A_496, %parallel_loop3A_497] : memref<3x128x128xf32, #tpu.memory_space<vmem>> -> memref<1x128x128xf32, #tpu.memory_space<vmem>>
        %parallel_loop3A_499 = tpu.memref_squeeze %parallel_loop3A_498 : memref<1x128x128xf32, #tpu.memory_space<vmem>> -> memref<128x128xf32, #tpu.memory_space<vmem>>
        %parallel_loop3A_500 = tpu.vector_load_idx %parallel_loop3A_499[%add3A_383, %parallel_loop3A_490] : memref<128x128xf32, #tpu.memory_space<vmem>>[vector<16xi32>, vector<16xi32>], vector<16xf32>,
        %parallel_loop3A_501 = arith.mulf %parallel_loop3A_495, %parallel_loop3A_500 : vector<16xf32>
        %parallel_loop3A_502 = arith.addf %parallel_loop3A_422, %parallel_loop3A_501 : vector<16xf32>
        %parallel_loop3A_503 = vector.broadcast %parallel_loop3A_418 : i32 to vector<16xi32>
        %parallel_loop3A_504 = arith.addi %iota3A, %parallel_loop3A_503 : vector<16xi32>
        %parallel_loop3A_505 = arith.constant 4 : i32
        %parallel_loop3A_506 = vector.broadcast %parallel_loop3A_505 : i32 to vector<16xi32>
        %parallel_loop3A_507 = arith.addi %parallel_loop3A_504, %parallel_loop3A_506 : vector<16xi32>
        %parallel_loop3A_508 = arith.constant 127 : i32
        %parallel_loop3A_509 = vector.broadcast %parallel_loop3A_508 : i32 to vector<16xi32>
        %parallel_loop3A_510 = arith.andi %parallel_loop3A_507, %parallel_loop3A_509 : vector<16xi32>
        %parallel_loop3A_511 = arith.constant 0 : i32
        %parallel_loop3A_512 = arith.constant 0 : i32
        %parallel_loop3A_513 = tpu.memref_slice %arg15[%scan3A_341, %parallel_loop3A_511, %parallel_loop3A_512] : memref<3x128x128xf32, #tpu.memory_space<vmem>> -> memref<1x128x128xf32, #tpu.memory_space<vmem>>
        %parallel_loop3A_514 = tpu.memref_squeeze %parallel_loop3A_513 : memref<1x128x128xf32, #tpu.memory_space<vmem>> -> memref<128x128xf32, #tpu.memory_space<vmem>>
        %parallel_loop3A_515 = tpu.vector_load_idx %parallel_loop3A_514[%add3A_383, %parallel_loop3A_510] : memref<128x128xf32, #tpu.memory_space<vmem>>[vector<16xi32>, vector<16xi32>], vector<16xf32>,
        %parallel_loop3A_516 = arith.constant 0 : i32
        %parallel_loop3A_517 = arith.constant 0 : i32
        %parallel_loop3A_518 = tpu.memref_slice %arg16[%scan3A_342, %parallel_loop3A_516, %parallel_loop3A_517] : memref<3x128x128xf32, #tpu.memory_space<vmem>> -> memref<1x128x128xf32, #tpu.memory_space<vmem>>
        %parallel_loop3A_519 = tpu.memref_squeeze %parallel_loop3A_518 : memref<1x128x128xf32, #tpu.memory_space<vmem>> -> memref<128x128xf32, #tpu.memory_space<vmem>>
        %parallel_loop3A_520 = tpu.vector_load_idx %parallel_loop3A_519[%add3A_383, %parallel_loop3A_510] : memref<128x128xf32, #tpu.memory_space<vmem>>[vector<16xi32>, vector<16xi32>], vector<16xf32>,
        %parallel_loop3A_521 = arith.mulf %parallel_loop3A_515, %parallel_loop3A_520 : vector<16xf32>
        %parallel_loop3A_522 = arith.addf %parallel_loop3A_442, %parallel_loop3A_521 : vector<16xf32>
        %parallel_loop3A_523 = vector.broadcast %parallel_loop3A_418 : i32 to vector<16xi32>
        %parallel_loop3A_524 = arith.addi %iota3A, %parallel_loop3A_523 : vector<16xi32>
        %parallel_loop3A_525 = arith.constant 5 : i32
        %parallel_loop3A_526 = vector.broadcast %parallel_loop3A_525 : i32 to vector<16xi32>
        %parallel_loop3A_527 = arith.addi %parallel_loop3A_524, %parallel_loop3A_526 : vector<16xi32>
        %parallel_loop3A_528 = arith.constant 127 : i32
        %parallel_loop3A_529 = vector.broadcast %parallel_loop3A_528 : i32 to vector<16xi32>
        %parallel_loop3A_530 = arith.andi %parallel_loop3A_527, %parallel_loop3A_529 : vector<16xi32>
        %parallel_loop3A_531 = arith.constant 0 : i32
        %parallel_loop3A_532 = arith.constant 0 : i32
        %parallel_loop3A_533 = tpu.memref_slice %arg15[%scan3A_341, %parallel_loop3A_531, %parallel_loop3A_532] : memref<3x128x128xf32, #tpu.memory_space<vmem>> -> memref<1x128x128xf32, #tpu.memory_space<vmem>>
        %parallel_loop3A_534 = tpu.memref_squeeze %parallel_loop3A_533 : memref<1x128x128xf32, #tpu.memory_space<vmem>> -> memref<128x128xf32, #tpu.memory_space<vmem>>
        %parallel_loop3A_535 = tpu.vector_load_idx %parallel_loop3A_534[%add3A_383, %parallel_loop3A_530] : memref<128x128xf32, #tpu.memory_space<vmem>>[vector<16xi32>, vector<16xi32>], vector<16xf32>,
        %parallel_loop3A_536 = arith.constant 0 : i32
        %parallel_loop3A_537 = arith.constant 0 : i32
        %parallel_loop3A_538 = tpu.memref_slice %arg16[%scan3A_342, %parallel_loop3A_536, %parallel_loop3A_537] : memref<3x128x128xf32, #tpu.memory_space<vmem>> -> memref<1x128x128xf32, #tpu.memory_space<vmem>>
        %parallel_loop3A_539 = tpu.memref_squeeze %parallel_loop3A_538 : memref<1x128x128xf32, #tpu.memory_space<vmem>> -> memref<128x128xf32, #tpu.memory_space<vmem>>
        %parallel_loop3A_540 = tpu.vector_load_idx %parallel_loop3A_539[%add3A_383, %parallel_loop3A_530] : memref<128x128xf32, #tpu.memory_space<vmem>>[vector<16xi32>, vector<16xi32>], vector<16xf32>,
        %parallel_loop3A_541 = arith.mulf %parallel_loop3A_535, %parallel_loop3A_540 : vector<16xf32>
        %parallel_loop3A_542 = arith.addf %parallel_loop3A_462, %parallel_loop3A_541 : vector<16xf32>
        %parallel_loop3A_543 = vector.broadcast %parallel_loop3A_418 : i32 to vector<16xi32>
        %parallel_loop3A_544 = arith.addi %iota3A, %parallel_loop3A_543 : vector<16xi32>
        %parallel_loop3A_545 = arith.constant 6 : i32
        %parallel_loop3A_546 = vector.broadcast %parallel_loop3A_545 : i32 to vector<16xi32>
        %parallel_loop3A_547 = arith.addi %parallel_loop3A_544, %parallel_loop3A_546 : vector<16xi32>
        %parallel_loop3A_548 = arith.constant 127 : i32
        %parallel_loop3A_549 = vector.broadcast %parallel_loop3A_548 : i32 to vector<16xi32>
        %parallel_loop3A_550 = arith.andi %parallel_loop3A_547, %parallel_loop3A_549 : vector<16xi32>
        %parallel_loop3A_551 = arith.constant 0 : i32
        %parallel_loop3A_552 = arith.constant 0 : i32
        %parallel_loop3A_553 = tpu.memref_slice %arg15[%scan3A_341, %parallel_loop3A_551, %parallel_loop3A_552] : memref<3x128x128xf32, #tpu.memory_space<vmem>> -> memref<1x128x128xf32, #tpu.memory_space<vmem>>
        %parallel_loop3A_554 = tpu.memref_squeeze %parallel_loop3A_553 : memref<1x128x128xf32, #tpu.memory_space<vmem>> -> memref<128x128xf32, #tpu.memory_space<vmem>>
        %parallel_loop3A_555 = tpu.vector_load_idx %parallel_loop3A_554[%add3A_383, %parallel_loop3A_550] : memref<128x128xf32, #tpu.memory_space<vmem>>[vector<16xi32>, vector<16xi32>], vector<16xf32>,
        %parallel_loop3A_556 = arith.constant 0 : i32
        %parallel_loop3A_557 = arith.constant 0 : i32
        %parallel_loop3A_558 = tpu.memref_slice %arg16[%scan3A_342, %parallel_loop3A_556, %parallel_loop3A_557] : memref<3x128x128xf32, #tpu.memory_space<vmem>> -> memref<1x128x128xf32, #tpu.memory_space<vmem>>
        %parallel_loop3A_559 = tpu.memref_squeeze %parallel_loop3A_558 : memref<1x128x128xf32, #tpu.memory_space<vmem>> -> memref<128x128xf32, #tpu.memory_space<vmem>>
        %parallel_loop3A_560 = tpu.vector_load_idx %parallel_loop3A_559[%add3A_383, %parallel_loop3A_550] : memref<128x128xf32, #tpu.memory_space<vmem>>[vector<16xi32>, vector<16xi32>], vector<16xf32>,
        %parallel_loop3A_561 = arith.mulf %parallel_loop3A_555, %parallel_loop3A_560 : vector<16xf32>
        %parallel_loop3A_562 = arith.addf %parallel_loop3A_482, %parallel_loop3A_561 : vector<16xf32>
        %parallel_loop3A_563 = vector.broadcast %parallel_loop3A_418 : i32 to vector<16xi32>
        %parallel_loop3A_564 = arith.addi %iota3A, %parallel_loop3A_563 : vector<16xi32>
        %parallel_loop3A_565 = arith.constant 7 : i32
        %parallel_loop3A_566 = vector.broadcast %parallel_loop3A_565 : i32 to vector<16xi32>
        %parallel_loop3A_567 = arith.addi %parallel_loop3A_564, %parallel_loop3A_566 : vector<16xi32>
        %parallel_loop3A_568 = arith.constant 127 : i32
        %parallel_loop3A_569 = vector.broadcast %parallel_loop3A_568 : i32 to vector<16xi32>
        %parallel_loop3A_570 = arith.andi %parallel_loop3A_567, %parallel_loop3A_569 : vector<16xi32>
        %parallel_loop3A_571 = arith.constant 0 : i32
        %parallel_loop3A_572 = arith.constant 0 : i32
        %parallel_loop3A_573 = tpu.memref_slice %arg15[%scan3A_341, %parallel_loop3A_571, %parallel_loop3A_572] : memref<3x128x128xf32, #tpu.memory_space<vmem>> -> memref<1x128x128xf32, #tpu.memory_space<vmem>>
        %parallel_loop3A_574 = tpu.memref_squeeze %parallel_loop3A_573 : memref<1x128x128xf32, #tpu.memory_space<vmem>> -> memref<128x128xf32, #tpu.memory_space<vmem>>
        %parallel_loop3A_575 = tpu.vector_load_idx %parallel_loop3A_574[%add3A_383, %parallel_loop3A_570] : memref<128x128xf32, #tpu.memory_space<vmem>>[vector<16xi32>, vector<16xi32>], vector<16xf32>,
        %parallel_loop3A_576 = arith.constant 0 : i32
        %parallel_loop3A_577 = arith.constant 0 : i32
        %parallel_loop3A_578 = tpu.memref_slice %arg16[%scan3A_342, %parallel_loop3A_576, %parallel_loop3A_577] : memref<3x128x128xf32, #tpu.memory_space<vmem>> -> memref<1x128x128xf32, #tpu.memory_space<vmem>>
        %parallel_loop3A_579 = tpu.memref_squeeze %parallel_loop3A_578 : memref<1x128x128xf32, #tpu.memory_space<vmem>> -> memref<128x128xf32, #tpu.memory_space<vmem>>
        %parallel_loop3A_580 = tpu.vector_load_idx %parallel_loop3A_579[%add3A_383, %parallel_loop3A_570] : memref<128x128xf32, #tpu.memory_space<vmem>>[vector<16xi32>, vector<16xi32>], vector<16xf32>,
        %parallel_loop3A_581 = arith.mulf %parallel_loop3A_575, %parallel_loop3A_580 : vector<16xf32>
        %parallel_loop3A_582 = arith.addf %parallel_loop3A_502, %parallel_loop3A_581 : vector<16xf32>
        scf.yield %parallel_loop3A_522, %parallel_loop3A_542, %parallel_loop3A_562, %parallel_loop3A_582 : vector<16xf32>, vector<16xf32>, vector<16xf32>, vector<16xf32>
      } {sc.loop_unroll_factor = 1 : i64, sc.parallel_access}
      %add3A_395 = arith.addf %parallel_loop3A_394#0, %parallel_loop3A_394#1 : vector<16xf32>
      %add3A_396 = arith.addf %parallel_loop3A_394#2, %parallel_loop3A_394#3 : vector<16xf32>
      %add3A_397 = arith.addf %add3A_395, %add3A_396 : vector<16xf32>
      %add3A_398 = arith.constant 384 : i32
      %add3A_399 = vector.broadcast %add3A_398 : i32 to vector<16xi32>
      %add3A_400 = arith.addi %add3A_399, %add3A_383 : vector<16xi32>
      %gather3A = tpu.vector_load_idx %arg17[%add3A_400] : memref<512xf32, #tpu.memory_space<vmem>>[vector<16xi32>], vector<16xf32>,
      %add3A_401 = arith.constant 384 : i32
      %add3A_402 = vector.broadcast %add3A_401 : i32 to vector<16xi32>
      %add3A_403 = arith.addi %add3A_402, %add3A_383 : vector<16xi32>
      %gather3A_404 = tpu.vector_load_idx %arg18[%add3A_403] : memref<512xf32, #tpu.memory_space<vmem>>[vector<16xi32>], vector<16xf32>,
      %add3A_405 = arith.constant 384 : i32
      %add3A_406 = vector.broadcast %add3A_405 : i32 to vector<16xi32>
      %add3A_407 = arith.addi %add3A_406, %add3A_383 : vector<16xi32>
      %gather3A_408 = tpu.vector_load_idx %arg13[%add3A_407] : memref<512xf32, #tpu.memory_space<vmem>>[vector<16xi32>], vector<16xf32>,
      %add3A_409 = arith.constant 384 : i32
      %add3A_410 = vector.broadcast %add3A_409 : i32 to vector<16xi32>
      %add3A_411 = arith.addi %add3A_410, %add3A_383 : vector<16xi32>
      %gather3A_412 = tpu.vector_load_idx %arg14[%add3A_411] : memref<512xf32, #tpu.memory_space<vmem>>[vector<16xi32>], vector<16xf32>,
      %add3A_413 = arith.addf %add3A_397, %gather3A : vector<16xf32>
      %add3A_414 = arith.addf %add3A_413, %gather3A_404 : vector<16xf32>
      %sub3A = arith.subf %add3A_414, %gather3A_408 : vector<16xf32>
      %mul3A_415 = arith.mulf %sub3A, %sub3A : vector<16xf32>
      %mul3A_416 = arith.mulf %mul3A_415, %gather3A_412 : vector<16xf32>
      %add3A_417 = arith.addf %scan3A_379, %mul3A_416 : vector<16xf32>
      scf.yield %add3A_417 : vector<16xf32>
    }
    %scan3A_348 = arith.constant 6 : i32
    %dma_wait3A_349 = arith.constant 1 : i32
    %dma_wait3A_350 = arith.constant 0 : i32
    %dma_wait3A_351 = arith.constant 0 : i32
    %dma_wait3A_352 = tpu.memref_slice %arg15[%dma_wait3A_349, %dma_wait3A_350, %dma_wait3A_351] : memref<3x128x128xf32, #tpu.memory_space<vmem>> -> memref<1x32x128xf32, #tpu.memory_space<vmem>>
    %dma_wait3A_353 = tpu.memref_squeeze %dma_wait3A_352 : memref<1x32x128xf32, #tpu.memory_space<vmem>> -> memref<32x128xf32, #tpu.memory_space<vmem>>
    %dma_wait3A_354 = arith.constant 480 : i32
    %dma_wait3A_355 = tpu.memref_slice %arg11[%dma_wait3A_354] : memref<512xi32, #tpu.memory_space<vmem>> -> memref<32xi32, #tpu.memory_space<vmem>>
    %dma_wait3A_356 = arith.constant 0 : i32
    %dma_wait3A_357 = arith.constant 0 : i32
    %dma_wait3A_358 = tpu.memref_slice %arg6[%dma_wait3A_356, %dma_wait3A_357] : memref<100000x128xf32, #tpu.memory_space<hbm>> -> memref<100000x128xf32, #tpu.memory_space<hbm>>
    tpu.wait_indirect_dma semaphore(%arg21 : memref<!tpu.dma_semaphore, #tpu.memory_space<semaphore_mem>>) src(%dma_wait3A_358 : memref<100000x128xf32, #tpu.memory_space<hbm>>) dst(%dma_wait3A_353 : memref<32x128xf32, #tpu.memory_space<vmem>>)
    %dma_wait3A_359 = arith.constant 1 : i32
    %dma_wait3A_360 = arith.constant 0 : i32
    %dma_wait3A_361 = arith.constant 0 : i32
    %dma_wait3A_362 = tpu.memref_slice %arg16[%dma_wait3A_359, %dma_wait3A_360, %dma_wait3A_361] : memref<3x128x128xf32, #tpu.memory_space<vmem>> -> memref<1x32x128xf32, #tpu.memory_space<vmem>>
    %dma_wait3A_363 = tpu.memref_squeeze %dma_wait3A_362 : memref<1x32x128xf32, #tpu.memory_space<vmem>> -> memref<32x128xf32, #tpu.memory_space<vmem>>
    %dma_wait3A_364 = arith.constant 480 : i32
    %dma_wait3A_365 = tpu.memref_slice %arg12[%dma_wait3A_364] : memref<512xi32, #tpu.memory_space<vmem>> -> memref<32xi32, #tpu.memory_space<vmem>>
    %dma_wait3A_366 = arith.constant 0 : i32
    %dma_wait3A_367 = arith.constant 0 : i32
    %dma_wait3A_368 = tpu.memref_slice %arg7[%dma_wait3A_366, %dma_wait3A_367] : memref<100000x128xf32, #tpu.memory_space<hbm>> -> memref<100000x128xf32, #tpu.memory_space<hbm>>
    tpu.wait_indirect_dma semaphore(%arg21 : memref<!tpu.dma_semaphore, #tpu.memory_space<semaphore_mem>>) src(%dma_wait3A_368 : memref<100000x128xf32, #tpu.memory_space<hbm>>) dst(%dma_wait3A_363 : memref<32x128xf32, #tpu.memory_space<vmem>>)
    %scan3A_369 = arith.constant 1 : i32
    %scan3A_370 = arith.constant 1 : i32
    %scan3A_371 = arith.constant 0 : i32
    %scan3A_372 = arith.constant 2 : i32
    %scan3A_373 = arith.addi %scan3A_371, %scan3A_372 : i32
    %scan3A_374 = arith.constant 1 : i32
    %scan3A_375 = scf.for %scan3A_378 = %scan3A_371 to %scan3A_373 step %scan3A_374 iter_args(%scan3A_379 = %scan3A_347) -> (vector<16xf32>)  : i32 {
      %mul3A_380 = arith.constant 16 : i32
      %mul3A_381 = arith.muli %scan3A_378, %mul3A_380 : i32
      %add3A_382 = vector.broadcast %mul3A_381 : i32 to vector<16xi32>
      %add3A_383 = arith.addi %add3A_382, %iota3A : vector<16xi32>
      %broadcast_in_dim3A_384 = arith.constant 0.000000e+00 : f32
      %broadcast_in_dim3A_385 = vector.broadcast %broadcast_in_dim3A_384 : f32 to vector<16xf32>
      %broadcast_in_dim3A_386 = arith.constant 0.000000e+00 : f32
      %broadcast_in_dim3A_387 = vector.broadcast %broadcast_in_dim3A_386 : f32 to vector<16xf32>
      %broadcast_in_dim3A_388 = arith.constant 0.000000e+00 : f32
      %broadcast_in_dim3A_389 = vector.broadcast %broadcast_in_dim3A_388 : f32 to vector<16xf32>
      %broadcast_in_dim3A_390 = arith.constant 0.000000e+00 : f32
      %broadcast_in_dim3A_391 = vector.broadcast %broadcast_in_dim3A_390 : f32 to vector<16xf32>
      %parallel_loop3A = arith.constant 0 : i32
      %parallel_loop3A_392 = arith.constant 128 : i32
      %parallel_loop3A_393 = arith.constant 8 : i32
      %parallel_loop3A_394:4 = scf.for %parallel_loop3A_418 = %parallel_loop3A to %parallel_loop3A_392 step %parallel_loop3A_393 iter_args(%parallel_loop3A_419 = %broadcast_in_dim3A_385, %parallel_loop3A_420 = %broadcast_in_dim3A_387, %parallel_loop3A_421 = %broadcast_in_dim3A_389, %parallel_loop3A_422 = %broadcast_in_dim3A_391) -> (vector<16xf32>, vector<16xf32>, vector<16xf32>, vector<16xf32>)  : i32 {
        %parallel_loop3A_423 = vector.broadcast %parallel_loop3A_418 : i32 to vector<16xi32>
        %parallel_loop3A_424 = arith.addi %iota3A, %parallel_loop3A_423 : vector<16xi32>
        %parallel_loop3A_425 = arith.constant 0 : i32
        %parallel_loop3A_426 = vector.broadcast %parallel_loop3A_425 : i32 to vector<16xi32>
        %parallel_loop3A_427 = arith.addi %parallel_loop3A_424, %parallel_loop3A_426 : vector<16xi32>
        %parallel_loop3A_428 = arith.constant 127 : i32
        %parallel_loop3A_429 = vector.broadcast %parallel_loop3A_428 : i32 to vector<16xi32>
        %parallel_loop3A_430 = arith.andi %parallel_loop3A_427, %parallel_loop3A_429 : vector<16xi32>
        %parallel_loop3A_431 = arith.constant 0 : i32
        %parallel_loop3A_432 = arith.constant 0 : i32
        %parallel_loop3A_433 = tpu.memref_slice %arg15[%scan3A_369, %parallel_loop3A_431, %parallel_loop3A_432] : memref<3x128x128xf32, #tpu.memory_space<vmem>> -> memref<1x128x128xf32, #tpu.memory_space<vmem>>
        %parallel_loop3A_434 = tpu.memref_squeeze %parallel_loop3A_433 : memref<1x128x128xf32, #tpu.memory_space<vmem>> -> memref<128x128xf32, #tpu.memory_space<vmem>>
        %parallel_loop3A_435 = tpu.vector_load_idx %parallel_loop3A_434[%add3A_383, %parallel_loop3A_430] : memref<128x128xf32, #tpu.memory_space<vmem>>[vector<16xi32>, vector<16xi32>], vector<16xf32>,
        %parallel_loop3A_436 = arith.constant 0 : i32
        %parallel_loop3A_437 = arith.constant 0 : i32
        %parallel_loop3A_438 = tpu.memref_slice %arg16[%scan3A_370, %parallel_loop3A_436, %parallel_loop3A_437] : memref<3x128x128xf32, #tpu.memory_space<vmem>> -> memref<1x128x128xf32, #tpu.memory_space<vmem>>
        %parallel_loop3A_439 = tpu.memref_squeeze %parallel_loop3A_438 : memref<1x128x128xf32, #tpu.memory_space<vmem>> -> memref<128x128xf32, #tpu.memory_space<vmem>>
        %parallel_loop3A_440 = tpu.vector_load_idx %parallel_loop3A_439[%add3A_383, %parallel_loop3A_430] : memref<128x128xf32, #tpu.memory_space<vmem>>[vector<16xi32>, vector<16xi32>], vector<16xf32>,
        %parallel_loop3A_441 = arith.mulf %parallel_loop3A_435, %parallel_loop3A_440 : vector<16xf32>
        %parallel_loop3A_442 = arith.addf %parallel_loop3A_419, %parallel_loop3A_441 : vector<16xf32>
        %parallel_loop3A_443 = vector.broadcast %parallel_loop3A_418 : i32 to vector<16xi32>
        %parallel_loop3A_444 = arith.addi %iota3A, %parallel_loop3A_443 : vector<16xi32>
        %parallel_loop3A_445 = arith.constant 1 : i32
        %parallel_loop3A_446 = vector.broadcast %parallel_loop3A_445 : i32 to vector<16xi32>
        %parallel_loop3A_447 = arith.addi %parallel_loop3A_444, %parallel_loop3A_446 : vector<16xi32>
        %parallel_loop3A_448 = arith.constant 127 : i32
        %parallel_loop3A_449 = vector.broadcast %parallel_loop3A_448 : i32 to vector<16xi32>
        %parallel_loop3A_450 = arith.andi %parallel_loop3A_447, %parallel_loop3A_449 : vector<16xi32>
        %parallel_loop3A_451 = arith.constant 0 : i32
        %parallel_loop3A_452 = arith.constant 0 : i32
        %parallel_loop3A_453 = tpu.memref_slice %arg15[%scan3A_369, %parallel_loop3A_451, %parallel_loop3A_452] : memref<3x128x128xf32, #tpu.memory_space<vmem>> -> memref<1x128x128xf32, #tpu.memory_space<vmem>>
        %parallel_loop3A_454 = tpu.memref_squeeze %parallel_loop3A_453 : memref<1x128x128xf32, #tpu.memory_space<vmem>> -> memref<128x128xf32, #tpu.memory_space<vmem>>
        %parallel_loop3A_455 = tpu.vector_load_idx %parallel_loop3A_454[%add3A_383, %parallel_loop3A_450] : memref<128x128xf32, #tpu.memory_space<vmem>>[vector<16xi32>, vector<16xi32>], vector<16xf32>,
        %parallel_loop3A_456 = arith.constant 0 : i32
        %parallel_loop3A_457 = arith.constant 0 : i32
        %parallel_loop3A_458 = tpu.memref_slice %arg16[%scan3A_370, %parallel_loop3A_456, %parallel_loop3A_457] : memref<3x128x128xf32, #tpu.memory_space<vmem>> -> memref<1x128x128xf32, #tpu.memory_space<vmem>>
        %parallel_loop3A_459 = tpu.memref_squeeze %parallel_loop3A_458 : memref<1x128x128xf32, #tpu.memory_space<vmem>> -> memref<128x128xf32, #tpu.memory_space<vmem>>
        %parallel_loop3A_460 = tpu.vector_load_idx %parallel_loop3A_459[%add3A_383, %parallel_loop3A_450] : memref<128x128xf32, #tpu.memory_space<vmem>>[vector<16xi32>, vector<16xi32>], vector<16xf32>,
        %parallel_loop3A_461 = arith.mulf %parallel_loop3A_455, %parallel_loop3A_460 : vector<16xf32>
        %parallel_loop3A_462 = arith.addf %parallel_loop3A_420, %parallel_loop3A_461 : vector<16xf32>
        %parallel_loop3A_463 = vector.broadcast %parallel_loop3A_418 : i32 to vector<16xi32>
        %parallel_loop3A_464 = arith.addi %iota3A, %parallel_loop3A_463 : vector<16xi32>
        %parallel_loop3A_465 = arith.constant 2 : i32
        %parallel_loop3A_466 = vector.broadcast %parallel_loop3A_465 : i32 to vector<16xi32>
        %parallel_loop3A_467 = arith.addi %parallel_loop3A_464, %parallel_loop3A_466 : vector<16xi32>
        %parallel_loop3A_468 = arith.constant 127 : i32
        %parallel_loop3A_469 = vector.broadcast %parallel_loop3A_468 : i32 to vector<16xi32>
        %parallel_loop3A_470 = arith.andi %parallel_loop3A_467, %parallel_loop3A_469 : vector<16xi32>
        %parallel_loop3A_471 = arith.constant 0 : i32
        %parallel_loop3A_472 = arith.constant 0 : i32
        %parallel_loop3A_473 = tpu.memref_slice %arg15[%scan3A_369, %parallel_loop3A_471, %parallel_loop3A_472] : memref<3x128x128xf32, #tpu.memory_space<vmem>> -> memref<1x128x128xf32, #tpu.memory_space<vmem>>
        %parallel_loop3A_474 = tpu.memref_squeeze %parallel_loop3A_473 : memref<1x128x128xf32, #tpu.memory_space<vmem>> -> memref<128x128xf32, #tpu.memory_space<vmem>>
        %parallel_loop3A_475 = tpu.vector_load_idx %parallel_loop3A_474[%add3A_383, %parallel_loop3A_470] : memref<128x128xf32, #tpu.memory_space<vmem>>[vector<16xi32>, vector<16xi32>], vector<16xf32>,
        %parallel_loop3A_476 = arith.constant 0 : i32
        %parallel_loop3A_477 = arith.constant 0 : i32
        %parallel_loop3A_478 = tpu.memref_slice %arg16[%scan3A_370, %parallel_loop3A_476, %parallel_loop3A_477] : memref<3x128x128xf32, #tpu.memory_space<vmem>> -> memref<1x128x128xf32, #tpu.memory_space<vmem>>
        %parallel_loop3A_479 = tpu.memref_squeeze %parallel_loop3A_478 : memref<1x128x128xf32, #tpu.memory_space<vmem>> -> memref<128x128xf32, #tpu.memory_space<vmem>>
        %parallel_loop3A_480 = tpu.vector_load_idx %parallel_loop3A_479[%add3A_383, %parallel_loop3A_470] : memref<128x128xf32, #tpu.memory_space<vmem>>[vector<16xi32>, vector<16xi32>], vector<16xf32>,
        %parallel_loop3A_481 = arith.mulf %parallel_loop3A_475, %parallel_loop3A_480 : vector<16xf32>
        %parallel_loop3A_482 = arith.addf %parallel_loop3A_421, %parallel_loop3A_481 : vector<16xf32>
        %parallel_loop3A_483 = vector.broadcast %parallel_loop3A_418 : i32 to vector<16xi32>
        %parallel_loop3A_484 = arith.addi %iota3A, %parallel_loop3A_483 : vector<16xi32>
        %parallel_loop3A_485 = arith.constant 3 : i32
        %parallel_loop3A_486 = vector.broadcast %parallel_loop3A_485 : i32 to vector<16xi32>
        %parallel_loop3A_487 = arith.addi %parallel_loop3A_484, %parallel_loop3A_486 : vector<16xi32>
        %parallel_loop3A_488 = arith.constant 127 : i32
        %parallel_loop3A_489 = vector.broadcast %parallel_loop3A_488 : i32 to vector<16xi32>
        %parallel_loop3A_490 = arith.andi %parallel_loop3A_487, %parallel_loop3A_489 : vector<16xi32>
        %parallel_loop3A_491 = arith.constant 0 : i32
        %parallel_loop3A_492 = arith.constant 0 : i32
        %parallel_loop3A_493 = tpu.memref_slice %arg15[%scan3A_369, %parallel_loop3A_491, %parallel_loop3A_492] : memref<3x128x128xf32, #tpu.memory_space<vmem>> -> memref<1x128x128xf32, #tpu.memory_space<vmem>>
        %parallel_loop3A_494 = tpu.memref_squeeze %parallel_loop3A_493 : memref<1x128x128xf32, #tpu.memory_space<vmem>> -> memref<128x128xf32, #tpu.memory_space<vmem>>
        %parallel_loop3A_495 = tpu.vector_load_idx %parallel_loop3A_494[%add3A_383, %parallel_loop3A_490] : memref<128x128xf32, #tpu.memory_space<vmem>>[vector<16xi32>, vector<16xi32>], vector<16xf32>,
        %parallel_loop3A_496 = arith.constant 0 : i32
        %parallel_loop3A_497 = arith.constant 0 : i32
        %parallel_loop3A_498 = tpu.memref_slice %arg16[%scan3A_370, %parallel_loop3A_496, %parallel_loop3A_497] : memref<3x128x128xf32, #tpu.memory_space<vmem>> -> memref<1x128x128xf32, #tpu.memory_space<vmem>>
        %parallel_loop3A_499 = tpu.memref_squeeze %parallel_loop3A_498 : memref<1x128x128xf32, #tpu.memory_space<vmem>> -> memref<128x128xf32, #tpu.memory_space<vmem>>
        %parallel_loop3A_500 = tpu.vector_load_idx %parallel_loop3A_499[%add3A_383, %parallel_loop3A_490] : memref<128x128xf32, #tpu.memory_space<vmem>>[vector<16xi32>, vector<16xi32>], vector<16xf32>,
        %parallel_loop3A_501 = arith.mulf %parallel_loop3A_495, %parallel_loop3A_500 : vector<16xf32>
        %parallel_loop3A_502 = arith.addf %parallel_loop3A_422, %parallel_loop3A_501 : vector<16xf32>
        %parallel_loop3A_503 = vector.broadcast %parallel_loop3A_418 : i32 to vector<16xi32>
        %parallel_loop3A_504 = arith.addi %iota3A, %parallel_loop3A_503 : vector<16xi32>
        %parallel_loop3A_505 = arith.constant 4 : i32
        %parallel_loop3A_506 = vector.broadcast %parallel_loop3A_505 : i32 to vector<16xi32>
        %parallel_loop3A_507 = arith.addi %parallel_loop3A_504, %parallel_loop3A_506 : vector<16xi32>
        %parallel_loop3A_508 = arith.constant 127 : i32
        %parallel_loop3A_509 = vector.broadcast %parallel_loop3A_508 : i32 to vector<16xi32>
        %parallel_loop3A_510 = arith.andi %parallel_loop3A_507, %parallel_loop3A_509 : vector<16xi32>
        %parallel_loop3A_511 = arith.constant 0 : i32
        %parallel_loop3A_512 = arith.constant 0 : i32
        %parallel_loop3A_513 = tpu.memref_slice %arg15[%scan3A_369, %parallel_loop3A_511, %parallel_loop3A_512] : memref<3x128x128xf32, #tpu.memory_space<vmem>> -> memref<1x128x128xf32, #tpu.memory_space<vmem>>
        %parallel_loop3A_514 = tpu.memref_squeeze %parallel_loop3A_513 : memref<1x128x128xf32, #tpu.memory_space<vmem>> -> memref<128x128xf32, #tpu.memory_space<vmem>>
        %parallel_loop3A_515 = tpu.vector_load_idx %parallel_loop3A_514[%add3A_383, %parallel_loop3A_510] : memref<128x128xf32, #tpu.memory_space<vmem>>[vector<16xi32>, vector<16xi32>], vector<16xf32>,
        %parallel_loop3A_516 = arith.constant 0 : i32
        %parallel_loop3A_517 = arith.constant 0 : i32
        %parallel_loop3A_518 = tpu.memref_slice %arg16[%scan3A_370, %parallel_loop3A_516, %parallel_loop3A_517] : memref<3x128x128xf32, #tpu.memory_space<vmem>> -> memref<1x128x128xf32, #tpu.memory_space<vmem>>
        %parallel_loop3A_519 = tpu.memref_squeeze %parallel_loop3A_518 : memref<1x128x128xf32, #tpu.memory_space<vmem>> -> memref<128x128xf32, #tpu.memory_space<vmem>>
        %parallel_loop3A_520 = tpu.vector_load_idx %parallel_loop3A_519[%add3A_383, %parallel_loop3A_510] : memref<128x128xf32, #tpu.memory_space<vmem>>[vector<16xi32>, vector<16xi32>], vector<16xf32>,
        %parallel_loop3A_521 = arith.mulf %parallel_loop3A_515, %parallel_loop3A_520 : vector<16xf32>
        %parallel_loop3A_522 = arith.addf %parallel_loop3A_442, %parallel_loop3A_521 : vector<16xf32>
        %parallel_loop3A_523 = vector.broadcast %parallel_loop3A_418 : i32 to vector<16xi32>
        %parallel_loop3A_524 = arith.addi %iota3A, %parallel_loop3A_523 : vector<16xi32>
        %parallel_loop3A_525 = arith.constant 5 : i32
        %parallel_loop3A_526 = vector.broadcast %parallel_loop3A_525 : i32 to vector<16xi32>
        %parallel_loop3A_527 = arith.addi %parallel_loop3A_524, %parallel_loop3A_526 : vector<16xi32>
        %parallel_loop3A_528 = arith.constant 127 : i32
        %parallel_loop3A_529 = vector.broadcast %parallel_loop3A_528 : i32 to vector<16xi32>
        %parallel_loop3A_530 = arith.andi %parallel_loop3A_527, %parallel_loop3A_529 : vector<16xi32>
        %parallel_loop3A_531 = arith.constant 0 : i32
        %parallel_loop3A_532 = arith.constant 0 : i32
        %parallel_loop3A_533 = tpu.memref_slice %arg15[%scan3A_369, %parallel_loop3A_531, %parallel_loop3A_532] : memref<3x128x128xf32, #tpu.memory_space<vmem>> -> memref<1x128x128xf32, #tpu.memory_space<vmem>>
        %parallel_loop3A_534 = tpu.memref_squeeze %parallel_loop3A_533 : memref<1x128x128xf32, #tpu.memory_space<vmem>> -> memref<128x128xf32, #tpu.memory_space<vmem>>
        %parallel_loop3A_535 = tpu.vector_load_idx %parallel_loop3A_534[%add3A_383, %parallel_loop3A_530] : memref<128x128xf32, #tpu.memory_space<vmem>>[vector<16xi32>, vector<16xi32>], vector<16xf32>,
        %parallel_loop3A_536 = arith.constant 0 : i32
        %parallel_loop3A_537 = arith.constant 0 : i32
        %parallel_loop3A_538 = tpu.memref_slice %arg16[%scan3A_370, %parallel_loop3A_536, %parallel_loop3A_537] : memref<3x128x128xf32, #tpu.memory_space<vmem>> -> memref<1x128x128xf32, #tpu.memory_space<vmem>>
        %parallel_loop3A_539 = tpu.memref_squeeze %parallel_loop3A_538 : memref<1x128x128xf32, #tpu.memory_space<vmem>> -> memref<128x128xf32, #tpu.memory_space<vmem>>
        %parallel_loop3A_540 = tpu.vector_load_idx %parallel_loop3A_539[%add3A_383, %parallel_loop3A_530] : memref<128x128xf32, #tpu.memory_space<vmem>>[vector<16xi32>, vector<16xi32>], vector<16xf32>,
        %parallel_loop3A_541 = arith.mulf %parallel_loop3A_535, %parallel_loop3A_540 : vector<16xf32>
        %parallel_loop3A_542 = arith.addf %parallel_loop3A_462, %parallel_loop3A_541 : vector<16xf32>
        %parallel_loop3A_543 = vector.broadcast %parallel_loop3A_418 : i32 to vector<16xi32>
        %parallel_loop3A_544 = arith.addi %iota3A, %parallel_loop3A_543 : vector<16xi32>
        %parallel_loop3A_545 = arith.constant 6 : i32
        %parallel_loop3A_546 = vector.broadcast %parallel_loop3A_545 : i32 to vector<16xi32>
        %parallel_loop3A_547 = arith.addi %parallel_loop3A_544, %parallel_loop3A_546 : vector<16xi32>
        %parallel_loop3A_548 = arith.constant 127 : i32
        %parallel_loop3A_549 = vector.broadcast %parallel_loop3A_548 : i32 to vector<16xi32>
        %parallel_loop3A_550 = arith.andi %parallel_loop3A_547, %parallel_loop3A_549 : vector<16xi32>
        %parallel_loop3A_551 = arith.constant 0 : i32
        %parallel_loop3A_552 = arith.constant 0 : i32
        %parallel_loop3A_553 = tpu.memref_slice %arg15[%scan3A_369, %parallel_loop3A_551, %parallel_loop3A_552] : memref<3x128x128xf32, #tpu.memory_space<vmem>> -> memref<1x128x128xf32, #tpu.memory_space<vmem>>
        %parallel_loop3A_554 = tpu.memref_squeeze %parallel_loop3A_553 : memref<1x128x128xf32, #tpu.memory_space<vmem>> -> memref<128x128xf32, #tpu.memory_space<vmem>>
        %parallel_loop3A_555 = tpu.vector_load_idx %parallel_loop3A_554[%add3A_383, %parallel_loop3A_550] : memref<128x128xf32, #tpu.memory_space<vmem>>[vector<16xi32>, vector<16xi32>], vector<16xf32>,
        %parallel_loop3A_556 = arith.constant 0 : i32
        %parallel_loop3A_557 = arith.constant 0 : i32
        %parallel_loop3A_558 = tpu.memref_slice %arg16[%scan3A_370, %parallel_loop3A_556, %parallel_loop3A_557] : memref<3x128x128xf32, #tpu.memory_space<vmem>> -> memref<1x128x128xf32, #tpu.memory_space<vmem>>
        %parallel_loop3A_559 = tpu.memref_squeeze %parallel_loop3A_558 : memref<1x128x128xf32, #tpu.memory_space<vmem>> -> memref<128x128xf32, #tpu.memory_space<vmem>>
        %parallel_loop3A_560 = tpu.vector_load_idx %parallel_loop3A_559[%add3A_383, %parallel_loop3A_550] : memref<128x128xf32, #tpu.memory_space<vmem>>[vector<16xi32>, vector<16xi32>], vector<16xf32>,
        %parallel_loop3A_561 = arith.mulf %parallel_loop3A_555, %parallel_loop3A_560 : vector<16xf32>
        %parallel_loop3A_562 = arith.addf %parallel_loop3A_482, %parallel_loop3A_561 : vector<16xf32>
        %parallel_loop3A_563 = vector.broadcast %parallel_loop3A_418 : i32 to vector<16xi32>
        %parallel_loop3A_564 = arith.addi %iota3A, %parallel_loop3A_563 : vector<16xi32>
        %parallel_loop3A_565 = arith.constant 7 : i32
        %parallel_loop3A_566 = vector.broadcast %parallel_loop3A_565 : i32 to vector<16xi32>
        %parallel_loop3A_567 = arith.addi %parallel_loop3A_564, %parallel_loop3A_566 : vector<16xi32>
        %parallel_loop3A_568 = arith.constant 127 : i32
        %parallel_loop3A_569 = vector.broadcast %parallel_loop3A_568 : i32 to vector<16xi32>
        %parallel_loop3A_570 = arith.andi %parallel_loop3A_567, %parallel_loop3A_569 : vector<16xi32>
        %parallel_loop3A_571 = arith.constant 0 : i32
        %parallel_loop3A_572 = arith.constant 0 : i32
        %parallel_loop3A_573 = tpu.memref_slice %arg15[%scan3A_369, %parallel_loop3A_571, %parallel_loop3A_572] : memref<3x128x128xf32, #tpu.memory_space<vmem>> -> memref<1x128x128xf32, #tpu.memory_space<vmem>>
        %parallel_loop3A_574 = tpu.memref_squeeze %parallel_loop3A_573 : memref<1x128x128xf32, #tpu.memory_space<vmem>> -> memref<128x128xf32, #tpu.memory_space<vmem>>
        %parallel_loop3A_575 = tpu.vector_load_idx %parallel_loop3A_574[%add3A_383, %parallel_loop3A_570] : memref<128x128xf32, #tpu.memory_space<vmem>>[vector<16xi32>, vector<16xi32>], vector<16xf32>,
        %parallel_loop3A_576 = arith.constant 0 : i32
        %parallel_loop3A_577 = arith.constant 0 : i32
        %parallel_loop3A_578 = tpu.memref_slice %arg16[%scan3A_370, %parallel_loop3A_576, %parallel_loop3A_577] : memref<3x128x128xf32, #tpu.memory_space<vmem>> -> memref<1x128x128xf32, #tpu.memory_space<vmem>>
        %parallel_loop3A_579 = tpu.memref_squeeze %parallel_loop3A_578 : memref<1x128x128xf32, #tpu.memory_space<vmem>> -> memref<128x128xf32, #tpu.memory_space<vmem>>
        %parallel_loop3A_580 = tpu.vector_load_idx %parallel_loop3A_579[%add3A_383, %parallel_loop3A_570] : memref<128x128xf32, #tpu.memory_space<vmem>>[vector<16xi32>, vector<16xi32>], vector<16xf32>,
        %parallel_loop3A_581 = arith.mulf %parallel_loop3A_575, %parallel_loop3A_580 : vector<16xf32>
        %parallel_loop3A_582 = arith.addf %parallel_loop3A_502, %parallel_loop3A_581 : vector<16xf32>
        scf.yield %parallel_loop3A_522, %parallel_loop3A_542, %parallel_loop3A_562, %parallel_loop3A_582 : vector<16xf32>, vector<16xf32>, vector<16xf32>, vector<16xf32>
      } {sc.loop_unroll_factor = 1 : i64, sc.parallel_access}
      %add3A_395 = arith.addf %parallel_loop3A_394#0, %parallel_loop3A_394#1 : vector<16xf32>
      %add3A_396 = arith.addf %parallel_loop3A_394#2, %parallel_loop3A_394#3 : vector<16xf32>
      %add3A_397 = arith.addf %add3A_395, %add3A_396 : vector<16xf32>
      %add3A_398 = arith.constant 480 : i32
      %add3A_399 = vector.broadcast %add3A_398 : i32 to vector<16xi32>
      %add3A_400 = arith.addi %add3A_399, %add3A_383 : vector<16xi32>
      %gather3A = tpu.vector_load_idx %arg17[%add3A_400] : memref<512xf32, #tpu.memory_space<vmem>>[vector<16xi32>], vector<16xf32>,
      %add3A_401 = arith.constant 480 : i32
      %add3A_402 = vector.broadcast %add3A_401 : i32 to vector<16xi32>
      %add3A_403 = arith.addi %add3A_402, %add3A_383 : vector<16xi32>
      %gather3A_404 = tpu.vector_load_idx %arg18[%add3A_403] : memref<512xf32, #tpu.memory_space<vmem>>[vector<16xi32>], vector<16xf32>,
      %add3A_405 = arith.constant 480 : i32
      %add3A_406 = vector.broadcast %add3A_405 : i32 to vector<16xi32>
      %add3A_407 = arith.addi %add3A_406, %add3A_383 : vector<16xi32>
      %gather3A_408 = tpu.vector_load_idx %arg13[%add3A_407] : memref<512xf32, #tpu.memory_space<vmem>>[vector<16xi32>], vector<16xf32>,
      %add3A_409 = arith.constant 480 : i32
      %add3A_410 = vector.broadcast %add3A_409 : i32 to vector<16xi32>
      %add3A_411 = arith.addi %add3A_410, %add3A_383 : vector<16xi32>
      %gather3A_412 = tpu.vector_load_idx %arg14[%add3A_411] : memref<512xf32, #tpu.memory_space<vmem>>[vector<16xi32>], vector<16xf32>,
      %add3A_413 = arith.addf %add3A_397, %gather3A : vector<16xf32>
      %add3A_414 = arith.addf %add3A_413, %gather3A_404 : vector<16xf32>
      %sub3A = arith.subf %add3A_414, %gather3A_408 : vector<16xf32>
      %mul3A_415 = arith.mulf %sub3A, %sub3A : vector<16xf32>
      %mul3A_416 = arith.mulf %mul3A_415, %gather3A_412 : vector<16xf32>
      %add3A_417 = arith.addf %scan3A_379, %mul3A_416 : vector<16xf32>
      scf.yield %add3A_417 : vector<16xf32>
    }
    %scan3A_376 = arith.constant 2 : i32
    %swap3A = arith.constant 0 : index
    %swap3A_377 = tpu.vector_load %arg19[%swap3A] {strides = array<i32>} : memref<16xf32, #tpu.memory_space<vmem>>, vector<16xf32>,
    tpu.vector_store %arg19[%swap3A], %scan3A_375 {strides = array<i32>} : memref<16xf32, #tpu.memory_space<vmem>>, vector<16xf32>,
    "tpu.region"() ({
      %run_scoped3A = tpu.sem_alloc : memref<!tpu.dma_semaphore, #tpu.memory_space<semaphore_mem>>
      %dma_start3A_378 = arith.constant 0 : i32
      %dma_start3A_379 = tpu.memref_slice %arg10[%add3A, %dma_start3A_378] : memref<32x16xf32, #tpu.memory_space<hbm>> -> memref<1x16xf32, #tpu.memory_space<hbm>>
      %dma_start3A_380 = tpu.memref_squeeze %dma_start3A_379 : memref<1x16xf32, #tpu.memory_space<hbm>> -> memref<16xf32, #tpu.memory_space<hbm>>
      %dma_start3A_381 = arith.constant 0 : i32
      %dma_start3A_382 = tpu.memref_slice %arg10[%add3A, %dma_start3A_381] : memref<32x16xf32, #tpu.memory_space<hbm>> -> memref<1x16xf32, #tpu.memory_space<hbm>>
      %dma_start3A_383 = tpu.memref_squeeze %dma_start3A_382 : memref<1x16xf32, #tpu.memory_space<hbm>> -> memref<16xf32, #tpu.memory_space<hbm>>
      tpu.enqueue_dma source(%arg19 : memref<16xf32, #tpu.memory_space<vmem>>) target(%dma_start3A_383 : memref<16xf32, #tpu.memory_space<hbm>>) target_semaphore(%run_scoped3A : memref<!tpu.dma_semaphore, #tpu.memory_space<semaphore_mem>>)
      %dma_wait3A_384 = arith.constant 0 : i32
      %dma_wait3A_385 = tpu.memref_slice %arg10[%add3A, %dma_wait3A_384] : memref<32x16xf32, #tpu.memory_space<hbm>> -> memref<1x16xf32, #tpu.memory_space<hbm>>
      %dma_wait3A_386 = tpu.memref_squeeze %dma_wait3A_385 : memref<1x16xf32, #tpu.memory_space<hbm>> -> memref<16xf32, #tpu.memory_space<hbm>>
      %dma_wait3A_387 = arith.constant 0 : i32
      %dma_wait3A_388 = tpu.memref_slice %arg10[%add3A, %dma_wait3A_387] : memref<32x16xf32, #tpu.memory_space<hbm>> -> memref<1x16xf32, #tpu.memory_space<hbm>>
      %dma_wait3A_389 = tpu.memref_squeeze %dma_wait3A_388 : memref<1x16xf32, #tpu.memory_space<hbm>> -> memref<16xf32, #tpu.memory_space<hbm>>
      tpu.wait_dma2 semaphore(%run_scoped3A : memref<!tpu.dma_semaphore, #tpu.memory_space<semaphore_mem>>) src(%arg19 : memref<16xf32, #tpu.memory_space<vmem>>) dst(%dma_wait3A_389 : memref<16xf32, #tpu.memory_space<hbm>>)
      tpu.yield
    }) : () -> ()
    return
  }
}

</mosaic_0001>

<sc_bundles>
// kernel: kernel.3.cloned.1.call-start
scs
__scs_entry_jumppad:
0x0: {  	(pc) =	sbr.rel $0x88, $3  }
0x1: {  	(tag) =	ssettag $0x0;
	lr =	simm.s32 $0x1  }
0x2: {  	[smem:$0x3F99] =	sst lr;
	_ =	strace $0xD0000000  }
0x3: {  	_ = 	snop  }
0x4: {  	_ = 	snop  }
0x5: {  	_ = 	snop  }
0x6: {  	_ = 	snop  }
0x7: {  	_ = 	snop  }
__scs_overlays_trampoline_lowered:
0x8: {  	[smem:$0x3FA8] =	sst s0  }
0x9: {  	[smem:$0x3FA9] =	sst s1  }
0xa: {  	[smem:$0x3FAA] =	sst s2  }
0xb: {  	[smem:$0x3FAB] =	sst s3  }
0xc: {  	[smem:$0x3FAC] =	sst s4  }
0xd: {  	[smem:$0x3FAD] =	sst s5  }
0xe: {  	[smem:$0x3FAE] =	sst s6  }
0xf: {  	[smem:$0x3FAF] =	sst s7  }
0x10: {  	[smem:$0x3FB0] =	sst s8  }
0x11: {  	[smem:$0x3FB1] =	sst s9;
	s0 =	simm.s32 @!p0 $0x0  }
0x12: {  	s1 =	sld [smem:$0x3F97];
	s0 =	simm.s32 @p0 $0x1  }
0x13: {  	[smem:$0x3FB2] =	sst s0;
	s0 =	simm.s32 @!p1 $0x0  }
0x14: {  	s2 =	sld [smem:$0x3F96];
	s0 =	simm.s32 @p1 $0x1  }
0x15: {  	[smem:$0x3FB3] =	sst s0;
	s0 =	simm.s32 @!p2 $0x0  }
0x16: {  	s3 =	sld [smem:$0x3FDB];
	s0 =	simm.s32 @p2 $0x1  }
0x17: {  	s4 =	simm.s32 $0x1BF5;
	[smem:$0x3FB5] =	sst s0  }
0x18: {  	s0 =	sld [smem:$0x3F98];
	_ =	swait.ge [sflag:s4], $0x0  }
0x19: {  	s7 =	sld [smem:$0x3F99]  }
0x1a: {  	s8 =	sadd.s32 $0xFFFFE003, lr  }
0x1b: {  	s9 =	sadd.s32 $0xFFFFFEF7, lr;
	s5 =	simm.s32 $0xFFFFFFFF;
	p2 =	slt.u32 s8, $0xFFFFF086  }
0x1c: {  	p1 =	slt.u32 s9, $0xF7A;
	s5 =	simm.s32 @!p2 $0x0  }
0x1d: {  	s5 =	simm.s32 @p1 $0x1;
	p0 =	seq.s32 s7, s2  }
0x1e: {  	s7 =	smul.u32 @!p0 $0xF7A, s2;
	p2 =	seq.s32 @!p0 s5, $0x0  }
0x1f: {  	s9 =	smul.u32 $0xF7A, s1;
	s8 =	simm.s32 @!p0 $0x1BF5;
	p2 =	por !p2, p0  }
0x20: {  	[sflag:s8] =	ssyncset.s32 @!p0 $0xFFFFF086;
	s6 =	sadd.s32 @!p0 s3, s7;
	s7 =	simm.s32 @!p0 $0x108  }
0x21: {  	s3 =	sadd.s32 s3, s9;
	s6 =	sadd.s32 @!p0 $0x88, s6;
	s7 =	simm.s32 @p2 $0x1082  }
0x22: {  	[simem:s7], [sflag:s8] =	dma.local @!p0 [hbm:s6], $0xF7A  }
0x23: {  	s9 =	sor.u32 $0xD0000000, s2;
	s6 =	simm.s32 $0x108;
	_ =	swait.ge @!p0 [sflag:s8], $0x0  }
0x24: {  	s3 =	sadd.s32 $0x88, s3;
	s6 =	simm.s32 @!p1 $0x1082;
	[sflag:s4] =	ssyncset.s32 $0xFFFFF086  }
0x25: {  	[simem:s6], [sflag:s4] =	dma.local [hbm:s3], $0xF7A  }
0x26: {  	[smem:$0x3F99] =	sst s1;
	(tag) =	ssettag s2;
	_ =	strace s9  }
0x27: {  	s1 =	sld [smem:$0x3FA9]  }
0x28: {  	s2 =	sld [smem:$0x3FAA]  }
0x29: {  	s4 =	sld [smem:$0x3FAC]  }
0x2a: {  	p0 =	seq.s32 s5, $0x0;
	s5 =	sld [smem:$0x3FAD]  }
0x2b: {  	s6 =	sld [smem:$0x3FAE]  }
0x2c: {  	s7 =	sld [smem:$0x3FAF]  }
0x2d: {  	s3 =	simm.s32 $0x108;
	s8 =	sld [smem:$0x3FB0]  }
0x2e: {  	s3 =	simm.s32 @!p0 $0x1082;
	s9 =	sld [smem:$0x3FB1]  }
0x2f: {  	lr =	sadd.s32 s0, s3;
	s0 =	sld [smem:$0x3FA8]  }
0x30: {  	s3 =	sld [smem:$0x3FAB]  }
0x31: {  	[smem:$0x3FB4] =	sst s10  }
0x32: {  	s10 =	sld [smem:$0x3FB2];
	_ =	sdelay $0x3  }
0x33: {  	p0 =	seq.s32 s10, $0x1;
	s10 =	sld [smem:$0x3FB4];
	_ =	sdelay $0x3  }
0x34: {  	[smem:$0x3FB4] =	sst s10  }
0x35: {  	s10 =	sld [smem:$0x3FB3];
	_ =	sdelay $0x3  }
0x36: {  	p1 =	seq.s32 s10, $0x1;
	s10 =	sld [smem:$0x3FB4];
	_ =	sdelay $0x3  }
0x37: {  	[smem:$0x3FB4] =	sst s10  }
0x38: {  	s10 =	sld [smem:$0x3FB5]  }
0x39: {  	_ = 	snop;
	(pc) =	sbr.ind lr, $3  }
0x3a: {  	_ = 	snop  }
0x3b: {  	_ = 	snop  }
0x3c: {  	p2 =	seq.s32 s10, $0x1;
	s10 =	sld [smem:$0x3FB4]  }
0x3d: {  	_ =	shalt  }
0x3e: {  	_ =	shalt  }
0x3f: {  	_ =	shalt  }
0x40: {  	_ =	shalt  }
0x41: {  	_ =	shalt  }
0x42: {  	_ =	shalt  }
0x43: {  	_ =	shalt  }
0x44: {  	_ =	shalt  }
0x45: {  	_ =	shalt  }
0x46: {  	_ =	shalt  }
0x47: {  	_ =	shalt  }
0x48: {  	_ =	shalt  }
0x49: {  	_ =	shalt  }
0x4a: {  	_ =	shalt  }
0x4b: {  	_ =	shalt  }
0x4c: {  	_ =	shalt  }
0x4d: {  	_ =	shalt  }
0x4e: {  	_ =	shalt  }
0x4f: {  	_ =	shalt  }
0x50: {  	_ =	shalt  }
0x51: {  	_ =	shalt  }
0x52: {  	_ =	shalt  }
0x53: {  	_ =	shalt  }
0x54: {  	_ =	shalt  }
0x55: {  	_ =	shalt  }
0x56: {  	_ =	shalt  }
0x57: {  	_ =	shalt  }
0x58: {  	_ =	shalt  }
0x59: {  	_ =	shalt  }
0x5a: {  	_ =	shalt  }
0x5b: {  	_ =	shalt  }
0x5c: {  	_ =	shalt  }
0x5d: {  	_ =	shalt  }
0x5e: {  	_ =	shalt  }
0x5f: {  	_ =	shalt  }
0x60: {  	_ =	shalt  }
0x61: {  	_ =	shalt  }
0x62: {  	_ =	shalt  }
0x63: {  	_ =	shalt  }
0x64: {  	_ =	shalt  }
0x65: {  	_ =	shalt  }
0x66: {  	_ =	shalt  }
0x67: {  	_ =	shalt  }
0x68: {  	_ =	shalt  }
0x69: {  	_ =	shalt  }
0x6a: {  	_ =	shalt  }
0x6b: {  	_ =	shalt  }
0x6c: {  	_ =	shalt  }
0x6d: {  	_ =	shalt  }
0x6e: {  	_ =	shalt  }
0x6f: {  	_ =	shalt  }
0x70: {  	_ =	shalt  }
0x71: {  	_ =	shalt  }
0x72: {  	_ =	shalt  }
0x73: {  	_ =	shalt  }
0x74: {  	_ =	shalt  }
0x75: {  	_ =	shalt  }
0x76: {  	_ =	shalt  }
0x77: {  	_ =	shalt  }
0x78: {  	_ =	shalt  }
0x79: {  	_ =	shalt  }
0x7a: {  	_ =	shalt  }
0x7b: {  	_ =	shalt  }
0x7c: {  	_ =	shalt  }
0x7d: {  	_ =	shalt  }
0x7e: {  	_ =	shalt  }
0x7f: {  	_ =	shalt  }
0x80: {  	_ =	shalt  }
0x81: {  	_ =	shalt  }
0x82: {  	_ =	shalt  }
0x83: {  	_ =	shalt  }
0x84: {  	_ =	shalt  }
0x85: {  	_ =	shalt  }
0x86: {  	_ =	shalt  }
0x87: {  	_ =	shalt  }
.Lfunc_end0:
.L_simem_size_0:
called_computation_lowered:
.L_overlay_start_0:
0x88: {  	s2 =	sld [smem:$0x3FD9]  }
0x89: {  	s3 =	sld [smem:$0x3FFE];
	_ =	sdelay $0x1  }
0x8a: {  	s1 =	srdreg.scid  }
0x8b: {  	s0 =	sand.u32 $0x1, s1  }
0x8c: {  	s17 =	sshll.u32 s0, $0xA;
	s2 =	sadd.s32 s3, s2  }
0x8d: {  	s2 =	sadd.s32 s2, s17  }
0x8e: {  	[smem:$0x3FC0] =	sst s2  }
0x8f: {  	_ = 	snop  }
0x90: {  	s2 =	sld [smem:$0x3FC9]  }
0x91: {  	s18 =	sld [smem:$0x3FC8]  }
0x92: {  	s4 =	sld [smem:$0x3FC7]  }
0x93: {  	s5 =	sld [smem:$0x3FC6]  }
0x94: {  	s6 =	sld [smem:$0x3FC5]  }
0x95: {  	s7 =	sld [smem:$0x3FC4];
	(tm) =	ssettm $0x1  }
0x96: {  	s8 =	sld [smem:$0x3FFB];
	_ =	sdelay $0x3  }
0x97: {  	_ =	strace s8  }
0x98: {  	s8 =	sld [smem:$0x3FFC];
	_ =	sdelay $0x3  }
0x99: {  	_ =	strace s8  }
0x9a: {  	s8 =	sld [smem:$0x3FFD];
	_ =	sdelay $0x3  }
0x9b: {  	_ =	strace s8  }
0x9c: {  	_ =	strace $0x8FFFFFFF  }
0x9d: {  	s19 =	sld [smem:$0x3FDB];
	_ =	sdelay $0x1  }
0x9e: {  	s9 =	simm.s32 $_scs_section_size  }
0x9f: {  	s10 =	simm.s32 $_size__tile_overlayer_lowered;
	s11 =	simm.s32 $_tile_overlayer_lowered  }
0xa0: {  	s22 =	simm.s32 $0x1BFF;
	s21 =	sshll.u32 s11, $0x1;
	s8 =	sadd.s32 s9, s19  }
0xa1: {  	s12 =	simm.s32 $0x0;
	s20 =	sshll.u32 s10, $0x1;
	s10 =	sadd.s32 s21, s8  }
0xa2: {  	[timem:s12], [sflag:s22] =	dma.local [hbm:s10], s20  }
0xa3: {  	_ =	swait.ge [sflag:s22], s20  }
0xa4: {  	s9 =	ssub.s32 $0x0, s20;
	[sflag:s22] =	ssyncset.done $0x0  }
0xa5: {  	[sflag:s22] =	ssyncadd.s32 s9;
	_ =	sdelay $0x1  }
0xa6: {  	s23 =	simm.s32 $0x1B8B  }
0xa7: {  	_ =	swait.ge [sflag:s23], $0x1  }
0xa8: {  	[sflag:s23] =	ssyncset.done $0x0  }
0xa9: {  	s25 =	simm.s32 $0x1B8E;
	s24 =	sld [smem:$0x3FFE];
	[sflag:s23] =	ssyncadd.s32 $0xFFFFFFFF  }
0xaa: {  	s26 =	simm.s32 $execute0_lowered;
	[smem:$0x3FD2] =	sst s25  }
0xab: {  	s10 =	sshll.u32 s26, $0x1;
	_ =	strace $0x80000046;
	[dreg:$0x1] =	wrdreg $0xFFFFFFFF  }
0xac: {  	s28 =	simm.s32 $_size_execute0_lowered;
	s8 =	sadd.s32 s8, s10;
	[dreg:$0x0] =	wrdreg $0x0  }
0xad: {  	s10 =	sshll.u32 s28, $0x1;
	[dreg:$0x2] =	wrdreg s8  }
0xae: {  	[dreg:$0x3] =	wrdreg s10  }
0xaf: {  	[dreg:$0x4] =	wrdreg $0xC0  }
0xb0: {  	_ =	task [dreg:s12], $0x5FFFF  }
0xb1: {  	[dreg:$0x1] =	wrdreg $0xFFFFFFFF  }
0xb2: {  	[dreg:$0x0] =	wrdreg $0x60  }
0xb3: {  	[dreg:$0x2] =	wrdreg s2  }
0xb4: {  	[dreg:$0x3] =	wrdreg s18  }
0xb5: {  	[dreg:$0x4] =	wrdreg s4  }
0xb6: {  	[dreg:$0x5] =	wrdreg s5  }
0xb7: {  	[dreg:$0x6] =	wrdreg s6  }
0xb8: {  	[dreg:$0x7] =	wrdreg s7  }
0xb9: {  	[dreg:$0x8] =	wrdreg s24  }
0xba: {  	[dreg:$0x9] =	wrdreg $0x9  }
0xbb: {  	_ =	task.clear_ibuf [dreg:s12], $0xAFFFF;
	_ =	strace $0x90000046  }
0xbc: {  	s29 =	simm.s32 $0x9;
	_ =	strace $0x80000048  }
0xbd: {  	_ =	swait.ge [sflag:s29], $0x1  }
0xbe: {  	[sflag:s29] =	ssyncadd.s32 $0xFFFFFFFF  }
0xbf: {  	_ =	strace $0x90000048  }
0xc0: {  	_ =	sfence  }
0xc1: {  	s30 =	sld [smem:$0x0];
	_ =	sdelay $0x2  }
0xc2: {  	s31 =	sshll.u32 s1, $0xD;
	s1 =	sshrl.u32 s1, $0x2  }
0xc3: {  	s3 =	sand.u32 $0x4000, s31;
	s1 =	sadd.s32 s1, s30  }
0xc4: {  	s0 =	sor.u32 s3, s0;
	s1 =	sshll.u32 s1, $0x11  }
0xc5: {  	s0 =	sor.u32 s1, s0  }
0xc6: {  	s0 =	sadd.s32 $0x8F2B, s0  }
0xc7: {  	[sflag:s0] =	ssyncadd.remote.s32 $0x1  }
0xc8: {  	_ =	sfence.sel $0xFFFF  }
0xc9: {  	[dreg:$0x0] =	wrdreg $0xFFFFFFFF;
	(pc) =	sbr.abs _section_cstart, $3  }
0xca: {  	[dreg:$0x1] =	wrdreg $0xFFFFFFFF  }
0xcb: {  	_ =	task.clear_ibuf [dreg:s12], $0x2FFFF;
	_ =	strace $0x9FFFFFFF  }
0xcc: {  	(tm) =	ssettm $0x7FFFFFFF  }
0xcd: {  	_ =	shalt  }
tec
execute0_lowered:
.L_overlay_start_1:
0x0: {  	(tag) =	ssettag $0x1  }
0x1: {  	s0 =	rddreg [dreg:$0x0]  }
0x2: {  	s3 =	rddreg [dreg:$0x1]  }
0x3: {  	s7 =	rddreg [dreg:$0x2]  }
0x4: {  	s8 =	rddreg [dreg:$0x3]  }
0x5: {  	s1 =	rddreg [dreg:$0x4]  }
0x6: {  	s2 =	rddreg [dreg:$0x5]  }
0x7: {  	s4 =	rddreg [dreg:$0x6];
	s5 =	simm.s32 $0x0  }
0x8: {  	s6 =	srdreg.scid;
	s9 =	stileid.u32;
	s14 =	simm.s32 $0x400  }
0x9: {  	s15 =	simm.s32 $0x600;
	s16 =	simm.s32 $0x4;
	s17 =	simm.s32 $0x80  }
0xa: {  	s18 =	simm.s32 $0x18800;
	s19 =	simm.s32 $0x18A00;
	s28 =	simm.s32 $0x60  }
0xb: {  	s30 =	simm.s32 $0x800;
	s22 =	simm.s32 $0x4800;
	s21 =	simm.s32 $0x8800  }
0xc: {  	[smem:$0x7FF] =	sst s5;
	s6 =	sand.u32 $0x1, s6;
	s9 =	sshll.u32 s9, $0x1  }
0xd: {  	s23 =	simm.s32 $0x1;
	_ =	strace $0x80000047;
	s9 =	sor.u32 s6, s9  }
0xe: {  	s10 =	ssub.s32 $0x2, s6;
	s6 =	sadd.s32 $0x3200, s4;
	s11 =	sshll.u32 s9, $0x4  }
0xf: {  	s12 =	sshrl.u32 s10, $0x1;
	s9 =	sshll.u32 s9, $0x6;
	s11 =	sadd.s32 s11, s4  }
0x10: {  	s10 =	ssub.s32 s10, s12;
	s0 =	sadd.s32 s0, s9;
	s24 =	sadd.s32 s3, s9  }
0x11: {  	s25 =	sadd.s32 s7, s9;
	s26 =	sadd.s32 s8, s9;
	[dreg:$0x8] =	wrdreg s0  }
0x12: {  	v0 =	vlaneseq.u32;
	s3 =	simm.s32 $0x20;
	s7 =	simm.s32 $0x14800;
	[dreg:$0x9] =	wrdreg s24  }
0x13: {  	v1 =	vadd.s32 $0x1, v0;
	s8 =	simm.s32 $0x2;
	s9 =	simm.s32 $0x3;
	[dreg:$0xa] =	wrdreg s25  }
0x14: {  	v2 =	vadd.s32 $0x2, v0;
	v3 =	vadd.s32 $0x3, v0;
	v4 =	vadd.s32 $0x4, v0;
	[dreg:$0xb] =	wrdreg s26;
	s29 =	sadd.s32 $0x6400, s11;
	s31 =	smax.u32 s10, $0x1  }
0x15: {  	v5 =	vadd.s32 $0x5, v0;
	v6 =	vadd.s32 $0x6, v0;
	v7 =	vadd.s32 $0x7, v0;
	s0 =	simm.s32 $0xC800;
	s26 =	simm.s32 $0x10800;
	[dreg:$0xc] =	wrdreg s29  }
0x16: {  	v8 =	vmul.u32 $0x80, v0;
	v9 =	vor.u32 $0x80, v0;
	v10 =	vor.u32 $0x100, v0;
	s10 =	simm.s32 $0x0;
	s25 =	simm.s32 $0x200;
	[dreg:$0xd] =	wrdreg s31  }
.LBB2_1:
0x17: {  	s11 =	rddreg [dreg:$0x8]  }
0x18: {  	[tilespmem:s5], [sflag:$0x4] =	stream.linear.gather [hbm4b:s11+s5], $0x200, $0x38;
	[tilespmem:$0x18C80] =	vst v63  }
0x19: {  	s13 =	rddreg [dreg:$0x9]  }
0x1a: {  	[tilespmem:s25], [sflag:$0x4] =	stream.linear.gather [hbm4b:s13+s5], $0x200, $0x38;
	[tilespmem:$0x18C80] =	vst v63  }
0x1b: {  	s20 =	rddreg [dreg:$0xa]  }
0x1c: {  	[tilespmem:s14], [sflag:$0x4] =	stream.linear.gather [hbm4b:s20+s5], $0x200, $0x38;
	[tilespmem:$0x18C80] =	vst v63  }
0x1d: {  	s24 =	rddreg [dreg:$0xb]  }
0x1e: {  	[tilespmem:s15], [sflag:$0x4] =	stream.linear.gather [hbm4b:s24+s5], $0x200, $0x38;
	[tilespmem:$0x18C80] =	vst v63  }
0x1f: {  	_ =	swait.ge [sflag:s16], $0x200  }
0x20: {  	[sflag:s16] =	ssyncset.done $0x0  }
0x21: {  	[sflag:s16] =	ssyncadd.s32 $0xFFFFFE00  }
0x22: {  	_ =	swait.ge [sflag:s16], $0x200  }
0x23: {  	[sflag:s16] =	ssyncset.done $0x0  }
0x24: {  	[sflag:s16] =	ssyncadd.s32 $0xFFFFFE00  }
0x25: {  	_ =	swait.ge [sflag:s16], $0x200  }
0x26: {  	[sflag:s16] =	ssyncset.done $0x0  }
0x27: {  	[sflag:s16] =	ssyncadd.s32 $0xFFFFFE00  }
0x28: {  	_ =	swait.ge [sflag:s16], $0x200  }
0x29: {  	[sflag:s16] =	ssyncset.done $0x0  }
0x2a: {  	[sflag:s16] =	ssyncadd.s32 $0xFFFFFE00  }
0x2b: {  	[tilespmem:s18], [sflag:$0x4] =	stream.indirect.gather [hbm4b:s4+s17], $0x1, s5, s17, $0xb8;
	[tilespmem:$0x18C80] =	vst v63  }
0x2c: {  	_ = 	snop  }
0x2d: {  	[tilespmem:s19], [sflag:$0x4] =	stream.indirect.gather [hbm4b:s6+s17], $0x1, s25, s17, $0xb8;
	[tilespmem:$0x18C80] =	vst v63  }
0x2e: {  	s29 =	simm.s32 $0x18880  }
0x2f: {  	[tilespmem:s29], [sflag:$0x4] =	stream.indirect.gather [hbm4b:s4+s17], $0x1, s17, s17, $0xb8;
	[tilespmem:$0x18C80] =	vst v63  }
0x30: {  	s12 =	simm.s32 $0x18A80;
	s11 =	simm.s32 $0x280  }
0x31: {  	[tilespmem:s12], [sflag:$0x4] =	stream.indirect.gather [hbm4b:s6+s17], $0x1, s11, s17, $0xb8;
	[tilespmem:$0x18C80] =	vst v63  }
0x32: {  	s29 =	simm.s32 $0x18900;
	s12 =	simm.s32 $0x100  }
0x33: {  	[tilespmem:s29], [sflag:$0x4] =	stream.indirect.gather [hbm4b:s4+s17], $0x1, s12, s17, $0xb8;
	[tilespmem:$0x18C80] =	vst v63  }
0x34: {  	s31 =	simm.s32 $0x18B00;
	s29 =	simm.s32 $0x300  }
0x35: {  	[tilespmem:s31], [sflag:$0x4] =	stream.indirect.gather [hbm4b:s6+s17], $0x1, s29, s17, $0xb8;
	[tilespmem:$0x18C80] =	vst v63  }
0x36: {  	s20 =	simm.s32 $0x18980;
	s31 =	simm.s32 $0x180  }
0x37: {  	[tilespmem:s20], [sflag:$0x4] =	stream.indirect.gather [hbm4b:s4+s28], $0x1, s31, s28, $0xb8;
	[tilespmem:$0x18C80] =	vst v63  }
0x38: {  	s24 =	simm.s32 $0x18B80;
	s20 =	simm.s32 $0x380  }
0x39: {  	[tilespmem:s24], [sflag:$0x4] =	stream.indirect.gather [hbm4b:s6+s28], $0x1, s20, s28, $0xb8;
	[tilespmem:$0x18C80] =	vst v63  }
0x3a: {  	s13 =	simm.s32 $0x189E0;
	s24 =	simm.s32 $0x1E0  }
0x3b: {  	[tilespmem:s13], [sflag:$0x4] =	stream.indirect.gather [hbm4b:s4+s3], $0x1, s24, s3, $0xb8;
	[tilespmem:$0x18C80] =	vst v63  }
0x3c: {  	s28 =	simm.s32 $0x18BE0;
	s13 =	simm.s32 $0x3E0  }
0x3d: {  	[tilespmem:s28], [sflag:$0x4] =	stream.indirect.gather [hbm4b:s6+s3], $0x1, s13, s3, $0xb8;
	[tilespmem:$0x18C80] =	vst v63  }
0x3e: {  	_ = 	snop  }
0x3f: {  	[tilespmem:s30], [sflag:$0x1] =	stream.indirect.gather [hbm4b:s1+s17], $0x80, s5, s17, $0xb8;
	[tilespmem:$0x18C80] =	vst v63  }
0x40: {  	_ = 	snop  }
0x41: {  	[tilespmem:s0], [sflag:$0x1] =	stream.indirect.gather [hbm4b:s2+s17], $0x80, s25, s17, $0xb8;
	[tilespmem:$0x18C80] =	vst v63  }
0x42: {  	_ = 	snop  }
0x43: {  	[tilespmem:s22], [sflag:$0x2] =	stream.indirect.gather [hbm4b:s1+s17], $0x80, s17, s17, $0xb8;
	[tilespmem:$0x18C80] =	vst v63  }
0x44: {  	_ = 	snop  }
0x45: {  	[tilespmem:s26], [sflag:$0x2] =	stream.indirect.gather [hbm4b:s2+s17], $0x80, s11, s17, $0xb8;
	[tilespmem:$0x18C80] =	vst v63  }
0x46: {  	_ = 	snop  }
0x47: {  	[tilespmem:s21], [sflag:$0x3] =	stream.indirect.gather [hbm4b:s1+s17], $0x80, s12, s17, $0xb8;
	[tilespmem:$0x18C80] =	vst v63  }
0x48: {  	_ = 	snop  }
0x49: {  	[tilespmem:s7], [sflag:$0x3] =	stream.indirect.gather [hbm4b:s2+s17], $0x80, s29, s17, $0xb8;
	[tilespmem:$0x18C80] =	vst v63  }
0x4a: {  	_ =	swait.ge [sflag:s16], $0x80  }
0x4b: {  	[sflag:s16] =	ssyncset.done $0x0  }
0x4c: {  	[sflag:s16] =	ssyncadd.s32 $0xFFFFFF80  }
0x4d: {  	_ =	swait.ge [sflag:s16], $0x80  }
0x4e: {  	[sflag:s16] =	ssyncset.done $0x0  }
0x4f: {  	[sflag:s16] =	ssyncadd.s32 $0xFFFFFF80  }
0x50: {  	_ =	swait.ge [sflag:s16], $0x80  }
0x51: {  	[sflag:s16] =	ssyncset.done $0x0  }
0x52: {  	[sflag:s16] =	ssyncadd.s32 $0xFFFFFF80  }
0x53: {  	_ =	swait.ge [sflag:s16], $0x80  }
0x54: {  	[sflag:s16] =	ssyncset.done $0x0  }
0x55: {  	[sflag:s16] =	ssyncadd.s32 $0xFFFFFF80  }
0x56: {  	_ =	swait.ge [sflag:s16], $0x80  }
0x57: {  	[sflag:s16] =	ssyncset.done $0x0  }
0x58: {  	[sflag:s16] =	ssyncadd.s32 $0xFFFFFF80  }
0x59: {  	_ =	swait.ge [sflag:s16], $0x80  }
0x5a: {  	[sflag:s16] =	ssyncset.done $0x0  }
0x5b: {  	[sflag:s16] =	ssyncadd.s32 $0xFFFFFF80  }
0x5c: {  	_ =	swait.ge [sflag:s16], $0x60  }
0x5d: {  	[sflag:s16] =	ssyncset.done $0x0  }
0x5e: {  	[sflag:s16] =	ssyncadd.s32 $0xFFFFFFA0  }
0x5f: {  	_ =	swait.ge [sflag:s16], $0x60  }
0x60: {  	[sflag:s16] =	ssyncset.done $0x0  }
0x61: {  	[sflag:s16] =	ssyncadd.s32 $0xFFFFFFA0  }
0x62: {  	_ =	swait.ge [sflag:s16], $0x20  }
0x63: {  	[sflag:s16] =	ssyncset.done $0x0  }
0x64: {  	[sflag:s16] =	ssyncadd.s32 $0xFFFFFFE0  }
0x65: {  	_ =	swait.ge [sflag:s16], $0x20  }
0x66: {  	[sflag:s16] =	ssyncset.done $0x0  }
0x67: {  	[sflag:s16] =	ssyncadd.s32 $0xFFFFFFE0  }
0x68: {  	_ =	swait.ge [sflag:s23], $0x4000  }
0x69: {  	[sflag:s23] =	ssyncset.done $0x0  }
0x6a: {  	[sflag:s23] =	ssyncadd.s32 $0xFFFFC000  }
0x6b: {  	_ =	swait.ge [sflag:s23], $0x4000  }
0x6c: {  	[sflag:s23] =	ssyncset.done $0x0  }
0x6d: {  	v11 =	vimm.f32 $0.0e+00;
	s11 =	simm.s32 $0x0;
	[sflag:s23] =	ssyncadd.s32 $0xFFFFC000  }
.LBB2_2:
0x6e: {  	s29 =	sshll.u32 s11, $0x4;
	s12 =	simm.s32 $0x0  }
0x6f: {  	v12 =	vor.u32 s29, v0;
	v14 =	vadd.s32 s12, v4  }
0x70: {  	v13 =	vshll.u32 v12, $0x7;
	v14 =	vand.u32 $0x7F, v14  }
0x71: {  	v15 =	vadd.s32 s12, v5;
	v14 =	vor.u32 v13, v14  }
0x72: {  	v15 =	vand.u32 $0x7F, v15  }
0x73: {  	v16 =	vadd.s32 s12, v6;
	v15 =	vor.u32 v13, v15  }
0x74: {  	v16 =	vand.u32 $0x7F, v16  }
0x75: {  	v17 =	vadd.s32 s12, v0;
	v19 =	vor.u32 v13, v16  }
0x76: {  	v16 =	vand.u32 $0x7F, v17;
	v23 =	vld.idx.msk [tilespmem:v14+s30+$0x0], $0xffff  }
0x77: {  	v17 =	vadd.s32 s12, v1;
	v20 =	vor.u32 v13, v16;
	v14 =	vld.idx.msk [tilespmem:v14+s0+$0x0], $0xffff  }
0x78: {  	v17 =	vand.u32 $0x7F, v17;
	v16 =	vld.idx.msk [tilespmem:v15+s30+$0x0], $0xffff  }
0x79: {  	v21 =	vadd.s32 s12, v2;
	v28 =	vor.u32 v13, v17;
	v18 =	vld.idx.msk [tilespmem:v15+s0+$0x0], $0xffff  }
0x7a: {  	v21 =	vand.u32 $0x7F, v21;
	v15 =	vld.idx.msk [tilespmem:v19+s30+$0x0], $0xffff  }
0x7b: {  	v24 =	vadd.s32 s12, v7;
	v22 =	vadd.s32 s12, v3;
	v27 =	vor.u32 v13, v21;
	v17 =	vld.idx.msk [tilespmem:v19+s0+$0x0], $0xffff  }
0x7c: {  	v21 =	vimm.f32 $0.0e+00;
	v19 =	vand.u32 $0x7F, v22;
	v22 =	vimm.f32 $0.0e+00;
	v25 =	vld.idx.msk [tilespmem:v20+s30+$0x0], $0xffff  }
0x7d: {  	v29 =	vor.u32 v13, v19;
	v19 =	vimm.f32 $0.0e+00;
	v26 =	vld.idx.msk [tilespmem:v20+s0+$0x0], $0xffff;
	v20 =	vimm.f32 $0.0e+00  }
.LBB2_3:
0x7e: {  	s12 =	sadd.s32 $0x8, s12;
	v30 =	vld.idx.msk [tilespmem:v28+s30+$0x0], $0xffff;
	v24 =	vand.u32 $0x7F, v24  }
0x7f: {  	v31 =	vadd.s32 s12, v4;
	p0 =	slt.u32 s12, $0x78;
	v32 =	vld.idx.msk [tilespmem:v28+s0+$0x0], $0xffff;
	v28 =	vor.u32 v13, v24  }
0x80: {  	v24 =	vand.u32 $0x7F, v31;
	v31 =	vld.idx.msk [tilespmem:v27+s30+$0x0], $0xffff  }
0x81: {  	v33 =	vor.u32 v13, v24;
	v24 =	vadd.s32 s12, v5;
	v34 =	vld.idx.msk [tilespmem:v27+s0+$0x0], $0xffff  }
0x82: {  	v24 =	vand.u32 $0x7F, v24;
	v35 =	vld.idx.msk [tilespmem:v29+s30+$0x0], $0xffff  }
0x83: {  	v27 =	vadd.s32 s12, v6;
	v36 =	vor.u32 v13, v24;
	v24 =	vadd.s32 s12, v7;
	v29 =	vld.idx.msk [tilespmem:v29+s0+$0x0], $0xffff  }
0x84: {  	v37 =	vadd.s32 s12, v0;
	v38 =	vadd.s32 s12, v1;
	v27 =	vand.u32 $0x7F, v27;
	v39 =	vld.idx.msk [tilespmem:v28+s30+$0x0], $0xffff  }
0x85: {  	v40 =	vadd.s32 s12, v2;
	v41 =	vadd.s32 s12, v3;
	v42 =	vor.u32 v13, v27;
	v43 =	vld.idx.msk [tilespmem:v28+s0+$0x0], $0xffff  }
0x86: {  	v27 =	vand.u32 $0x7F, v37;
	v37 =	vand.u32 $0x7F, v40;
	v28 =	vand.u32 $0x7F, v38;
	v38 =	vld.idx.msk [tilespmem:v33+s30+$0x0], $0xffff  }
0x87: {  	v23 =	vmul.f32 v14, v23;
	v40 =	vor.u32 v13, v27;
	v14 =	vld.idx.msk [tilespmem:v33+s0+$0x0], $0xffff;
	v33 =	vmul.f32 v18, v16  }
0x88: {  	v25 =	vmul.f32 v26, v25;
	v26 =	vmul.f32 v32, v30;
	v28 =	vor.u32 v13, v28;
	v16 =	vld.idx.msk [tilespmem:v36+s30+$0x0], $0xffff  }
.Ltmp0:
0x89: {  	v27 =	vor.u32 v13, v37;
	v30 =	vmul.f32 v34, v31;
	v29 =	vmul.f32 v29, v35;
	v18 =	vld.idx.msk [tilespmem:v36+s0+$0x0], $0xffff;
	(pc) =	sbr.rel @p0 .LBB2_3-.Ltmp0, $4  }
0x8a: {  	v19 =	vadd.f32 v25, v19;
	v22 =	vadd.f32 v26, v22;
	v31 =	vmul.f32 v17, v15;
	v15 =	vld.idx.msk [tilespmem:v42+s30+$0x0], $0xffff  }
0x8b: {  	v20 =	vadd.f32 v30, v20;
	v21 =	vadd.f32 v29, v21;
	v30 =	vmul.f32 v43, v39;
	v17 =	vld.idx.msk [tilespmem:v42+s0+$0x0], $0xffff  }
0x8c: {  	v19 =	vadd.f32 v23, v19;
	v22 =	vadd.f32 v33, v22;
	v29 =	vand.u32 $0x7F, v41;
	v23 =	vmovc v38;
	v25 =	vld.idx.msk [tilespmem:v40+s30+$0x0], $0xffff  }
0x8d: {  	v20 =	vadd.f32 v31, v20;
	v29 =	vor.u32 v13, v29;
	v21 =	vadd.f32 v30, v21;
	v26 =	vld.idx.msk [tilespmem:v40+s0+$0x0], $0xffff  }
0x8e: {  	_ =	sdelay $0x3  }
0x8f: {  	v30 =	vld.idx.msk [tilespmem:v28+s30+$0x0], $0xffff;
	v24 =	vand.u32 $0x7F, v24  }
0x90: {  	v50 =	vld.idx.msk [tilespmem:v28+s0+$0x0], $0xffff;
	v13 =	vor.u32 v13, v24  }
0x91: {  	v51 =	vld.idx.msk [tilespmem:v27+s30+$0x0], $0xffff  }
0x92: {  	v52 =	vld.idx.msk [tilespmem:v27+s0+$0x0], $0xffff  }
0x93: {  	v31 =	vld.idx.msk [tilespmem:v29+s30+$0x0], $0xffff  }
0x94: {  	v53 =	vld.idx.msk [tilespmem:v29+s0+$0x0], $0xffff  }
0x95: {  	v32 =	vld.idx.msk [tilespmem:v13+s30+$0x0], $0xffff  }
0x96: {  	v13 =	vld.idx.msk [tilespmem:v13+s0+$0x0], $0xffff  }
0x97: {  	v14 =	vmul.f32 v14, v23;
	v16 =	vmul.f32 v18, v16  }
0x98: {  	v54 =	vmul.f32 v26, v25;
	v55 =	vmul.f32 v50, v30  }
0x99: {  	v24 =	vmul.f32 v52, v51;
	v56 =	vmul.f32 v53, v31  }
0x9a: {  	v15 =	vmul.f32 v17, v15;
	v18 =	vadd.f32 v54, v19;
	v57 =	vadd.f32 v55, v22  }
0x9b: {  	v58 =	vadd.f32 v24, v20;
	v59 =	vadd.f32 v56, v21;
	v13 =	vmul.f32 v13, v32  }
0x9c: {  	v14 =	vadd.f32 v14, v18;
	v16 =	vadd.f32 v16, v57  }
0x9d: {  	v15 =	vadd.f32 v15, v58;
	v13 =	vadd.f32 v13, v59  }
0x9e: {  	v60 =	vld.idx.msk [tilespmem:v12+s18+$0x0], $0xffff  }
0x9f: {  	v14 =	vadd.f32 v16, v14;
	v13 =	vadd.f32 v13, v15  }
0xa0: {  	v61 =	vld.idx.msk [tilespmem:v12+s19+$0x0], $0xffff  }
0xa1: {  	v13 =	vadd.f32 v13, v14  }
0xa2: {  	v62 =	vld.idx.msk [tilespmem:v12+s14+$0x0], $0xffff  }
0xa3: {  	v13 =	vadd.f32 v60, v13;
	_ =	sdelay $0x1  }
0xa4: {  	v13 =	vadd.f32 v61, v13  }
0xa5: {  	v63 =	vld.idx.msk [tilespmem:v12+s15+$0x0], $0xffff  }
0xa6: {  	s11 =	sadd.s32 $0x1, s11;
	v13 =	vsub.f32 v13, v62  }
0xa7: {  	p0 =	sne.s32 s11, $0x8  }
.Ltmp1:
0xa8: {  	v13 =	vmul.f32 v13, v13;
	(pc) =	sbr.rel @p0 .LBB2_2-.Ltmp1, $3  }
0xa9: {  	_ = 	snop  }
0xaa: {  	v12 =	vmul.f32 v13, v63;
	_ =	sdelay $0x1  }
0xab: {  	v11 =	vadd.f32 v12, v11  }
0xac: {  	s28 =	simm.s32 $0x60  }
0xad: {  	[tilespmem:s30], [sflag:$0x1] =	stream.indirect.gather [hbm4b:s1+s28], $0x80, s31, s28, $0xb8;
	[tilespmem:$0x18C80] =	vst v63  }
0xae: {  	_ = 	snop  }
0xaf: {  	[tilespmem:s0], [sflag:$0x1] =	stream.indirect.gather [hbm4b:s2+s28], $0x80, s20, s28, $0xb8;
	[tilespmem:$0x18C80] =	vst v63  }
0xb0: {  	_ =	swait.ge [sflag:s8], $0x4000  }
0xb1: {  	[sflag:s8] =	ssyncset.done $0x0  }
0xb2: {  	[sflag:s8] =	ssyncadd.s32 $0xFFFFC000  }
0xb3: {  	_ =	swait.ge [sflag:s8], $0x4000  }
0xb4: {  	[sflag:s8] =	ssyncset.done $0x0  }
0xb5: {  	s11 =	simm.s32 $0x0;
	[sflag:s8] =	ssyncadd.s32 $0xFFFFC000  }
.LBB2_6:
0xb6: {  	s12 =	sshll.u32 s11, $0x4  }
0xb7: {  	v12 =	vmov s12;
	s12 =	simm.s32 $0x0  }
0xb8: {  	v13 =	vshll.u32 v12, $0x7;
	v15 =	vadd.s32 s12, v5  }
0xb9: {  	v13 =	vor.u32 v8, v13;
	v15 =	vand.u32 $0x7F, v15  }
0xba: {  	v14 =	vadd.s32 s12, v4;
	v17 =	vor.u32 v13, v15  }
0xbb: {  	v14 =	vand.u32 $0x7F, v14  }
0xbc: {  	v14 =	vor.u32 v13, v14;
	v15 =	vadd.s32 s12, v6  }
0xbd: {  	v15 =	vand.u32 $0x7F, v15  }
0xbe: {  	v16 =	vadd.s32 s12, v0;
	v20 =	vor.u32 v13, v15  }
0xbf: {  	v15 =	vand.u32 $0x7F, v16;
	v16 =	vld.idx.msk [tilespmem:v17+s22+$0x0], $0xffff  }
0xc0: {  	v21 =	vor.u32 v13, v15;
	v19 =	vld.idx.msk [tilespmem:v17+s26+$0x0], $0xffff;
	v17 =	vadd.s32 s12, v1  }
0xc1: {  	v23 =	vld.idx.msk [tilespmem:v14+s22+$0x0], $0xffff;
	v26 =	vand.u32 $0x7F, v17  }
0xc2: {  	v22 =	vadd.s32 s12, v2;
	v15 =	vld.idx.msk [tilespmem:v14+s26+$0x0], $0xffff;
	v28 =	vor.u32 v13, v26  }
0xc3: {  	v22 =	vand.u32 $0x7F, v22;
	v14 =	vld.idx.msk [tilespmem:v20+s22+$0x0], $0xffff  }
0xc4: {  	v18 =	vimm.f32 $0.0e+00;
	v25 =	vadd.s32 s12, v3;
	v27 =	vor.u32 v13, v22;
	v17 =	vld.idx.msk [tilespmem:v20+s26+$0x0], $0xffff  }
0xc5: {  	v24 =	vadd.s32 s12, v7;
	v22 =	vimm.f32 $0.0e+00;
	v20 =	vand.u32 $0x7F, v25;
	v25 =	vld.idx.msk [tilespmem:v21+s22+$0x0], $0xffff  }
0xc6: {  	v29 =	vor.u32 v13, v20;
	v26 =	vld.idx.msk [tilespmem:v21+s26+$0x0], $0xffff;
	v20 =	vimm.f32 $0.0e+00;
	v21 =	vimm.f32 $0.0e+00  }
.LBB2_7:
0xc7: {  	s12 =	sadd.s32 $0x8, s12;
	v30 =	vld.idx.msk [tilespmem:v28+s22+$0x0], $0xffff;
	v24 =	vand.u32 $0x7F, v24  }
0xc8: {  	v31 =	vadd.s32 s12, v4;
	p0 =	slt.u32 s12, $0x78;
	v32 =	vld.idx.msk [tilespmem:v28+s26+$0x0], $0xffff;
	v28 =	vor.u32 v13, v24  }
0xc9: {  	v24 =	vand.u32 $0x7F, v31;
	v31 =	vld.idx.msk [tilespmem:v27+s22+$0x0], $0xffff  }
0xca: {  	v33 =	vor.u32 v13, v24;
	v24 =	vadd.s32 s12, v5;
	v34 =	vld.idx.msk [tilespmem:v27+s26+$0x0], $0xffff  }
0xcb: {  	v24 =	vand.u32 $0x7F, v24;
	v35 =	vld.idx.msk [tilespmem:v29+s22+$0x0], $0xffff  }
0xcc: {  	v27 =	vadd.s32 s12, v6;
	v36 =	vor.u32 v13, v24;
	v24 =	vadd.s32 s12, v7;
	v29 =	vld.idx.msk [tilespmem:v29+s26+$0x0], $0xffff  }
0xcd: {  	v37 =	vadd.s32 s12, v0;
	v38 =	vadd.s32 s12, v1;
	v27 =	vand.u32 $0x7F, v27;
	v39 =	vld.idx.msk [tilespmem:v28+s22+$0x0], $0xffff  }
0xce: {  	v40 =	vadd.s32 s12, v2;
	v41 =	vadd.s32 s12, v3;
	v42 =	vor.u32 v13, v27;
	v43 =	vld.idx.msk [tilespmem:v28+s26+$0x0], $0xffff  }
0xcf: {  	v27 =	vand.u32 $0x7F, v37;
	v37 =	vand.u32 $0x7F, v40;
	v28 =	vand.u32 $0x7F, v38;
	v38 =	vld.idx.msk [tilespmem:v33+s22+$0x0], $0xffff  }
0xd0: {  	v23 =	vmul.f32 v15, v23;
	v40 =	vor.u32 v13, v27;
	v15 =	vld.idx.msk [tilespmem:v33+s26+$0x0], $0xffff;
	v33 =	vmul.f32 v19, v16  }
0xd1: {  	v25 =	vmul.f32 v26, v25;
	v26 =	vmul.f32 v32, v30;
	v28 =	vor.u32 v13, v28;
	v16 =	vld.idx.msk [tilespmem:v36+s22+$0x0], $0xffff  }
.Ltmp2:
0xd2: {  	v27 =	vor.u32 v13, v37;
	v30 =	vmul.f32 v34, v31;
	v29 =	vmul.f32 v29, v35;
	v19 =	vld.idx.msk [tilespmem:v36+s26+$0x0], $0xffff;
	(pc) =	sbr.rel @p0 .LBB2_7-.Ltmp2, $4  }
0xd3: {  	v18 =	vadd.f32 v25, v18;
	v22 =	vadd.f32 v26, v22;
	v31 =	vmul.f32 v17, v14;
	v14 =	vld.idx.msk [tilespmem:v42+s22+$0x0], $0xffff  }
0xd4: {  	v20 =	vadd.f32 v30, v20;
	v21 =	vadd.f32 v29, v21;
	v30 =	vmul.f32 v43, v39;
	v17 =	vld.idx.msk [tilespmem:v42+s26+$0x0], $0xffff  }
0xd5: {  	v18 =	vadd.f32 v23, v18;
	v22 =	vadd.f32 v33, v22;
	v29 =	vand.u32 $0x7F, v41;
	v23 =	vmovc v38;
	v25 =	vld.idx.msk [tilespmem:v40+s22+$0x0], $0xffff  }
0xd6: {  	v20 =	vadd.f32 v31, v20;
	v29 =	vor.u32 v13, v29;
	v21 =	vadd.f32 v30, v21;
	v26 =	vld.idx.msk [tilespmem:v40+s26+$0x0], $0xffff  }
0xd7: {  	_ =	sdelay $0x3  }
0xd8: {  	v30 =	vld.idx.msk [tilespmem:v28+s22+$0x0], $0xffff;
	v24 =	vand.u32 $0x7F, v24  }
0xd9: {  	v51 =	vld.idx.msk [tilespmem:v28+s26+$0x0], $0xffff;
	v13 =	vor.u32 v13, v24  }
0xda: {  	v52 =	vld.idx.msk [tilespmem:v27+s22+$0x0], $0xffff  }
0xdb: {  	v53 =	vld.idx.msk [tilespmem:v27+s26+$0x0], $0xffff  }
0xdc: {  	v31 =	vld.idx.msk [tilespmem:v29+s22+$0x0], $0xffff  }
0xdd: {  	v54 =	vld.idx.msk [tilespmem:v29+s26+$0x0], $0xffff  }
0xde: {  	v32 =	vld.idx.msk [tilespmem:v13+s22+$0x0], $0xffff  }
0xdf: {  	v13 =	vld.idx.msk [tilespmem:v13+s26+$0x0], $0xffff  }
0xe0: {  	v15 =	vmul.f32 v15, v23;
	v16 =	vmul.f32 v19, v16  }
0xe1: {  	v55 =	vmul.f32 v26, v25;
	v56 =	vmul.f32 v51, v30  }
0xe2: {  	v12 =	vor.u32 v9, v12;
	v24 =	vmul.f32 v53, v52;
	v57 =	vmul.f32 v54, v31  }
0xe3: {  	v14 =	vmul.f32 v17, v14;
	v18 =	vadd.f32 v55, v18;
	v58 =	vadd.f32 v56, v22  }
0xe4: {  	v59 =	vadd.f32 v24, v20;
	v60 =	vadd.f32 v57, v21;
	v13 =	vmul.f32 v13, v32  }
0xe5: {  	v15 =	vadd.f32 v15, v18;
	v16 =	vadd.f32 v16, v58  }
0xe6: {  	v14 =	vadd.f32 v14, v59;
	v13 =	vadd.f32 v13, v60  }
0xe7: {  	v61 =	vld.idx.msk [tilespmem:v12+s18+$0x0], $0xffff  }
0xe8: {  	v15 =	vadd.f32 v16, v15;
	v13 =	vadd.f32 v13, v14  }
0xe9: {  	v62 =	vld.idx.msk [tilespmem:v12+s19+$0x0], $0xffff  }
0xea: {  	v13 =	vadd.f32 v13, v15  }
0xeb: {  	v63 =	vld.idx.msk [tilespmem:v12+s14+$0x0], $0xffff  }
0xec: {  	v13 =	vadd.f32 v61, v13;
	_ =	sdelay $0x1  }
0xed: {  	v13 =	vadd.f32 v62, v13  }
0xee: {  	v12 =	vld.idx.msk [tilespmem:v12+s15+$0x0], $0xffff  }
0xef: {  	s11 =	sadd.s32 $0x1, s11;
	v13 =	vsub.f32 v13, v63  }
0xf0: {  	p0 =	sne.s32 s11, $0x8  }
.Ltmp3:
0xf1: {  	v13 =	vmul.f32 v13, v13;
	(pc) =	sbr.rel @p0 .LBB2_6-.Ltmp3, $3  }
0xf2: {  	_ = 	snop  }
0xf3: {  	v12 =	vmul.f32 v13, v12;
	_ =	sdelay $0x1  }
0xf4: {  	v11 =	vadd.f32 v12, v11  }
0xf5: {  	[tilespmem:s22], [sflag:$0x2] =	stream.indirect.gather [hbm4b:s1+s3], $0x80, s24, s3, $0xb8;
	[tilespmem:$0x18C80] =	vst v63  }
0xf6: {  	_ = 	snop  }
0xf7: {  	[tilespmem:s26], [sflag:$0x2] =	stream.indirect.gather [hbm4b:s2+s3], $0x80, s13, s3, $0xb8;
	[tilespmem:$0x18C80] =	vst v63  }
0xf8: {  	_ =	swait.ge [sflag:s9], $0x4000  }
0xf9: {  	[sflag:s9] =	ssyncset.done $0x0  }
0xfa: {  	[sflag:s9] =	ssyncadd.s32 $0xFFFFC000  }
0xfb: {  	_ =	swait.ge [sflag:s9], $0x4000  }
0xfc: {  	[sflag:s9] =	ssyncset.done $0x0  }
0xfd: {  	s11 =	simm.s32 $0x0;
	[sflag:s9] =	ssyncadd.s32 $0xFFFFC000  }
.LBB2_10:
0xfe: {  	s12 =	sshll.u32 s11, $0x4  }
0xff: {  	v12 =	vmov s12;
	s12 =	simm.s32 $0x0  }
0x100: {  	v13 =	vshll.u32 v12, $0x7;
	v15 =	vadd.s32 s12, v5  }
0x101: {  	v13 =	vor.u32 v8, v13;
	v15 =	vand.u32 $0x7F, v15  }
0x102: {  	v14 =	vadd.s32 s12, v4;
	v17 =	vor.u32 v13, v15  }
0x103: {  	v14 =	vand.u32 $0x7F, v14  }
0x104: {  	v14 =	vor.u32 v13, v14;
	v15 =	vadd.s32 s12, v6  }
0x105: {  	v15 =	vand.u32 $0x7F, v15  }
0x106: {  	v16 =	vadd.s32 s12, v0;
	v20 =	vor.u32 v13, v15  }
0x107: {  	v15 =	vand.u32 $0x7F, v16;
	v16 =	vld.idx.msk [tilespmem:v17+s21+$0x0], $0xffff  }
0x108: {  	v21 =	vor.u32 v13, v15;
	v19 =	vld.idx.msk [tilespmem:v17+s7+$0x0], $0xffff;
	v17 =	vadd.s32 s12, v1  }
0x109: {  	v23 =	vld.idx.msk [tilespmem:v14+s21+$0x0], $0xffff;
	v26 =	vand.u32 $0x7F, v17  }
0x10a: {  	v22 =	vadd.s32 s12, v2;
	v15 =	vld.idx.msk [tilespmem:v14+s7+$0x0], $0xffff;
	v28 =	vor.u32 v13, v26  }
0x10b: {  	v22 =	vand.u32 $0x7F, v22;
	v14 =	vld.idx.msk [tilespmem:v20+s21+$0x0], $0xffff  }
0x10c: {  	v18 =	vimm.f32 $0.0e+00;
	v25 =	vadd.s32 s12, v3;
	v27 =	vor.u32 v13, v22;
	v17 =	vld.idx.msk [tilespmem:v20+s7+$0x0], $0xffff  }
0x10d: {  	v24 =	vadd.s32 s12, v7;
	v22 =	vimm.f32 $0.0e+00;
	v20 =	vand.u32 $0x7F, v25;
	v25 =	vld.idx.msk [tilespmem:v21+s21+$0x0], $0xffff  }
0x10e: {  	v29 =	vor.u32 v13, v20;
	v26 =	vld.idx.msk [tilespmem:v21+s7+$0x0], $0xffff;
	v20 =	vimm.f32 $0.0e+00;
	v21 =	vimm.f32 $0.0e+00  }
.LBB2_11:
0x10f: {  	s12 =	sadd.s32 $0x8, s12;
	v30 =	vld.idx.msk [tilespmem:v28+s21+$0x0], $0xffff;
	v24 =	vand.u32 $0x7F, v24  }
0x110: {  	v31 =	vadd.s32 s12, v4;
	p0 =	slt.u32 s12, $0x78;
	v32 =	vld.idx.msk [tilespmem:v28+s7+$0x0], $0xffff;
	v28 =	vor.u32 v13, v24  }
0x111: {  	v24 =	vand.u32 $0x7F, v31;
	v31 =	vld.idx.msk [tilespmem:v27+s21+$0x0], $0xffff  }
0x112: {  	v33 =	vor.u32 v13, v24;
	v24 =	vadd.s32 s12, v5;
	v34 =	vld.idx.msk [tilespmem:v27+s7+$0x0], $0xffff  }
0x113: {  	v24 =	vand.u32 $0x7F, v24;
	v35 =	vld.idx.msk [tilespmem:v29+s21+$0x0], $0xffff  }
0x114: {  	v27 =	vadd.s32 s12, v6;
	v36 =	vor.u32 v13, v24;
	v24 =	vadd.s32 s12, v7;
	v29 =	vld.idx.msk [tilespmem:v29+s7+$0x0], $0xffff  }
0x115: {  	v37 =	vadd.s32 s12, v0;
	v38 =	vadd.s32 s12, v1;
	v27 =	vand.u32 $0x7F, v27;
	v39 =	vld.idx.msk [tilespmem:v28+s21+$0x0], $0xffff  }
0x116: {  	v40 =	vadd.s32 s12, v2;
	v41 =	vadd.s32 s12, v3;
	v42 =	vor.u32 v13, v27;
	v43 =	vld.idx.msk [tilespmem:v28+s7+$0x0], $0xffff  }
0x117: {  	v27 =	vand.u32 $0x7F, v37;
	v37 =	vand.u32 $0x7F, v40;
	v28 =	vand.u32 $0x7F, v38;
	v38 =	vld.idx.msk [tilespmem:v33+s21+$0x0], $0xffff  }
0x118: {  	v23 =	vmul.f32 v15, v23;
	v40 =	vor.u32 v13, v27;
	v15 =	vld.idx.msk [tilespmem:v33+s7+$0x0], $0xffff;
	v33 =	vmul.f32 v19, v16  }
0x119: {  	v25 =	vmul.f32 v26, v25;
	v26 =	vmul.f32 v32, v30;
	v28 =	vor.u32 v13, v28;
	v16 =	vld.idx.msk [tilespmem:v36+s21+$0x0], $0xffff  }
.Ltmp4:
0x11a: {  	v27 =	vor.u32 v13, v37;
	v30 =	vmul.f32 v34, v31;
	v29 =	vmul.f32 v29, v35;
	v19 =	vld.idx.msk [tilespmem:v36+s7+$0x0], $0xffff;
	(pc) =	sbr.rel @p0 .LBB2_11-.Ltmp4, $4  }
0x11b: {  	v18 =	vadd.f32 v25, v18;
	v22 =	vadd.f32 v26, v22;
	v31 =	vmul.f32 v17, v14;
	v14 =	vld.idx.msk [tilespmem:v42+s21+$0x0], $0xffff  }
0x11c: {  	v20 =	vadd.f32 v30, v20;
	v21 =	vadd.f32 v29, v21;
	v30 =	vmul.f32 v43, v39;
	v17 =	vld.idx.msk [tilespmem:v42+s7+$0x0], $0xffff  }
0x11d: {  	v18 =	vadd.f32 v23, v18;
	v22 =	vadd.f32 v33, v22;
	v29 =	vand.u32 $0x7F, v41;
	v23 =	vmovc v38;
	v25 =	vld.idx.msk [tilespmem:v40+s21+$0x0], $0xffff  }
0x11e: {  	v20 =	vadd.f32 v31, v20;
	v29 =	vor.u32 v13, v29;
	v21 =	vadd.f32 v30, v21;
	v26 =	vld.idx.msk [tilespmem:v40+s7+$0x0], $0xffff  }
0x11f: {  	_ =	sdelay $0x3  }
0x120: {  	v30 =	vld.idx.msk [tilespmem:v28+s21+$0x0], $0xffff;
	v24 =	vand.u32 $0x7F, v24  }
0x121: {  	v51 =	vld.idx.msk [tilespmem:v28+s7+$0x0], $0xffff;
	v13 =	vor.u32 v13, v24  }
0x122: {  	v52 =	vld.idx.msk [tilespmem:v27+s21+$0x0], $0xffff  }
0x123: {  	v53 =	vld.idx.msk [tilespmem:v27+s7+$0x0], $0xffff  }
0x124: {  	v31 =	vld.idx.msk [tilespmem:v29+s21+$0x0], $0xffff  }
0x125: {  	v54 =	vld.idx.msk [tilespmem:v29+s7+$0x0], $0xffff  }
0x126: {  	v32 =	vld.idx.msk [tilespmem:v13+s21+$0x0], $0xffff  }
0x127: {  	v13 =	vld.idx.msk [tilespmem:v13+s7+$0x0], $0xffff  }
0x128: {  	v15 =	vmul.f32 v15, v23;
	v16 =	vmul.f32 v19, v16  }
0x129: {  	v55 =	vmul.f32 v26, v25;
	v56 =	vmul.f32 v51, v30  }
0x12a: {  	v12 =	vor.u32 v10, v12;
	v24 =	vmul.f32 v53, v52;
	v57 =	vmul.f32 v54, v31  }
0x12b: {  	v14 =	vmul.f32 v17, v14;
	v18 =	vadd.f32 v55, v18;
	v58 =	vadd.f32 v56, v22  }
0x12c: {  	v59 =	vadd.f32 v24, v20;
	v60 =	vadd.f32 v57, v21;
	v13 =	vmul.f32 v13, v32  }
0x12d: {  	v15 =	vadd.f32 v15, v18;
	v16 =	vadd.f32 v16, v58  }
0x12e: {  	v14 =	vadd.f32 v14, v59;
	v13 =	vadd.f32 v13, v60  }
0x12f: {  	v61 =	vld.idx.msk [tilespmem:v12+s18+$0x0], $0xffff  }
0x130: {  	v15 =	vadd.f32 v16, v15;
	v13 =	vadd.f32 v13, v14  }
0x131: {  	v62 =	vld.idx.msk [tilespmem:v12+s19+$0x0], $0xffff  }
0x132: {  	v13 =	vadd.f32 v13, v15  }
0x133: {  	v63 =	vld.idx.msk [tilespmem:v12+s14+$0x0], $0xffff  }
0x134: {  	v13 =	vadd.f32 v61, v13;
	_ =	sdelay $0x1  }
0x135: {  	v13 =	vadd.f32 v62, v13  }
0x136: {  	v12 =	vld.idx.msk [tilespmem:v12+s15+$0x0], $0xffff  }
0x137: {  	s11 =	sadd.s32 $0x1, s11;
	v13 =	vsub.f32 v13, v63  }
0x138: {  	p0 =	sne.s32 s11, $0x8  }
.Ltmp5:
0x139: {  	v13 =	vmul.f32 v13, v13;
	(pc) =	sbr.rel @p0 .LBB2_10-.Ltmp5, $3  }
0x13a: {  	_ = 	snop  }
0x13b: {  	v12 =	vmul.f32 v13, v12;
	_ =	sdelay $0x1  }
0x13c: {  	v11 =	vadd.f32 v12, v11  }
0x13d: {  	_ =	swait.ge [sflag:s23], $0x3000  }
0x13e: {  	[sflag:s23] =	ssyncset.done $0x0  }
0x13f: {  	[sflag:s23] =	ssyncadd.s32 $0xFFFFD000  }
0x140: {  	_ =	swait.ge [sflag:s23], $0x3000  }
0x141: {  	[sflag:s23] =	ssyncset.done $0x0  }
0x142: {  	s11 =	simm.s32 $0x0;
	[sflag:s23] =	ssyncadd.s32 $0xFFFFD000  }
.LBB2_14:
0x143: {  	s12 =	sshll.u32 s11, $0x4  }
0x144: {  	v12 =	vmov s12;
	s12 =	simm.s32 $0x0  }
0x145: {  	v13 =	vshll.u32 v12, $0x7;
	v15 =	vadd.s32 s12, v5  }
0x146: {  	v13 =	vor.u32 v8, v13;
	v15 =	vand.u32 $0x7F, v15  }
0x147: {  	v14 =	vadd.s32 s12, v4;
	v17 =	vor.u32 v13, v15  }
0x148: {  	v14 =	vand.u32 $0x7F, v14  }
0x149: {  	v14 =	vor.u32 v13, v14;
	v15 =	vadd.s32 s12, v6  }
0x14a: {  	v15 =	vand.u32 $0x7F, v15  }
0x14b: {  	v16 =	vadd.s32 s12, v0;
	v20 =	vor.u32 v13, v15  }
0x14c: {  	v15 =	vand.u32 $0x7F, v16;
	v16 =	vld.idx.msk [tilespmem:v17+s30+$0x0], $0xffff  }
0x14d: {  	v21 =	vor.u32 v13, v15;
	v19 =	vld.idx.msk [tilespmem:v17+s0+$0x0], $0xffff;
	v17 =	vadd.s32 s12, v1  }
0x14e: {  	v23 =	vld.idx.msk [tilespmem:v14+s30+$0x0], $0xffff;
	v26 =	vand.u32 $0x7F, v17  }
0x14f: {  	v22 =	vadd.s32 s12, v2;
	v15 =	vld.idx.msk [tilespmem:v14+s0+$0x0], $0xffff;
	v28 =	vor.u32 v13, v26  }
0x150: {  	v22 =	vand.u32 $0x7F, v22;
	v14 =	vld.idx.msk [tilespmem:v20+s30+$0x0], $0xffff  }
0x151: {  	v18 =	vimm.f32 $0.0e+00;
	v25 =	vadd.s32 s12, v3;
	v27 =	vor.u32 v13, v22;
	v17 =	vld.idx.msk [tilespmem:v20+s0+$0x0], $0xffff  }
0x152: {  	v24 =	vadd.s32 s12, v7;
	v22 =	vimm.f32 $0.0e+00;
	v20 =	vand.u32 $0x7F, v25;
	v25 =	vld.idx.msk [tilespmem:v21+s30+$0x0], $0xffff  }
0x153: {  	v29 =	vor.u32 v13, v20;
	v26 =	vld.idx.msk [tilespmem:v21+s0+$0x0], $0xffff;
	v20 =	vimm.f32 $0.0e+00;
	v21 =	vimm.f32 $0.0e+00  }
.LBB2_15:
0x154: {  	s12 =	sadd.s32 $0x8, s12;
	v30 =	vld.idx.msk [tilespmem:v28+s30+$0x0], $0xffff;
	v24 =	vand.u32 $0x7F, v24  }
0x155: {  	v31 =	vadd.s32 s12, v4;
	p0 =	slt.u32 s12, $0x78;
	v32 =	vld.idx.msk [tilespmem:v28+s0+$0x0], $0xffff;
	v28 =	vor.u32 v13, v24  }
0x156: {  	v24 =	vand.u32 $0x7F, v31;
	v31 =	vld.idx.msk [tilespmem:v27+s30+$0x0], $0xffff  }
0x157: {  	v33 =	vor.u32 v13, v24;
	v24 =	vadd.s32 s12, v5;
	v34 =	vld.idx.msk [tilespmem:v27+s0+$0x0], $0xffff  }
0x158: {  	v24 =	vand.u32 $0x7F, v24;
	v35 =	vld.idx.msk [tilespmem:v29+s30+$0x0], $0xffff  }
0x159: {  	v27 =	vadd.s32 s12, v6;
	v36 =	vor.u32 v13, v24;
	v24 =	vadd.s32 s12, v7;
	v29 =	vld.idx.msk [tilespmem:v29+s0+$0x0], $0xffff  }
0x15a: {  	v37 =	vadd.s32 s12, v0;
	v38 =	vadd.s32 s12, v1;
	v27 =	vand.u32 $0x7F, v27;
	v39 =	vld.idx.msk [tilespmem:v28+s30+$0x0], $0xffff  }
0x15b: {  	v40 =	vadd.s32 s12, v2;
	v41 =	vadd.s32 s12, v3;
	v42 =	vor.u32 v13, v27;
	v43 =	vld.idx.msk [tilespmem:v28+s0+$0x0], $0xffff  }
0x15c: {  	v27 =	vand.u32 $0x7F, v37;
	v37 =	vand.u32 $0x7F, v40;
	v28 =	vand.u32 $0x7F, v38;
	v38 =	vld.idx.msk [tilespmem:v33+s30+$0x0], $0xffff  }
0x15d: {  	v23 =	vmul.f32 v15, v23;
	v40 =	vor.u32 v13, v27;
	v15 =	vld.idx.msk [tilespmem:v33+s0+$0x0], $0xffff;
	v33 =	vmul.f32 v19, v16  }
0x15e: {  	v25 =	vmul.f32 v26, v25;
	v26 =	vmul.f32 v32, v30;
	v28 =	vor.u32 v13, v28;
	v16 =	vld.idx.msk [tilespmem:v36+s30+$0x0], $0xffff  }
.Ltmp6:
0x15f: {  	v27 =	vor.u32 v13, v37;
	v30 =	vmul.f32 v34, v31;
	v29 =	vmul.f32 v29, v35;
	v19 =	vld.idx.msk [tilespmem:v36+s0+$0x0], $0xffff;
	(pc) =	sbr.rel @p0 .LBB2_15-.Ltmp6, $4  }
0x160: {  	v18 =	vadd.f32 v25, v18;
	v22 =	vadd.f32 v26, v22;
	v31 =	vmul.f32 v17, v14;
	v14 =	vld.idx.msk [tilespmem:v42+s30+$0x0], $0xffff  }
0x161: {  	v20 =	vadd.f32 v30, v20;
	v21 =	vadd.f32 v29, v21;
	v30 =	vmul.f32 v43, v39;
	v17 =	vld.idx.msk [tilespmem:v42+s0+$0x0], $0xffff  }
0x162: {  	v18 =	vadd.f32 v23, v18;
	v22 =	vadd.f32 v33, v22;
	v29 =	vand.u32 $0x7F, v41;
	v23 =	vmovc v38;
	v25 =	vld.idx.msk [tilespmem:v40+s30+$0x0], $0xffff  }
0x163: {  	v20 =	vadd.f32 v31, v20;
	v29 =	vor.u32 v13, v29;
	v21 =	vadd.f32 v30, v21;
	v26 =	vld.idx.msk [tilespmem:v40+s0+$0x0], $0xffff  }
0x164: {  	_ =	sdelay $0x3  }
0x165: {  	v30 =	vld.idx.msk [tilespmem:v28+s30+$0x0], $0xffff;
	v24 =	vand.u32 $0x7F, v24  }
0x166: {  	v50 =	vld.idx.msk [tilespmem:v28+s0+$0x0], $0xffff;
	v13 =	vor.u32 v13, v24  }
0x167: {  	v51 =	vld.idx.msk [tilespmem:v27+s30+$0x0], $0xffff  }
0x168: {  	v52 =	vld.idx.msk [tilespmem:v27+s0+$0x0], $0xffff  }
0x169: {  	v31 =	vld.idx.msk [tilespmem:v29+s30+$0x0], $0xffff  }
0x16a: {  	v53 =	vld.idx.msk [tilespmem:v29+s0+$0x0], $0xffff  }
0x16b: {  	v32 =	vld.idx.msk [tilespmem:v13+s30+$0x0], $0xffff  }
0x16c: {  	v13 =	vld.idx.msk [tilespmem:v13+s0+$0x0], $0xffff  }
0x16d: {  	v15 =	vmul.f32 v15, v23;
	v16 =	vmul.f32 v19, v16  }
0x16e: {  	v56 =	vor.u32 $0x180, v0;
	v54 =	vmul.f32 v26, v25;
	v55 =	vmul.f32 v50, v30  }
0x16f: {  	v12 =	vor.u32 v56, v12;
	v24 =	vmul.f32 v52, v51;
	v57 =	vmul.f32 v53, v31  }
0x170: {  	v14 =	vmul.f32 v17, v14;
	v18 =	vadd.f32 v54, v18;
	v58 =	vadd.f32 v55, v22  }
0x171: {  	v59 =	vadd.f32 v24, v20;
	v60 =	vadd.f32 v57, v21;
	v13 =	vmul.f32 v13, v32  }
0x172: {  	v15 =	vadd.f32 v15, v18;
	v16 =	vadd.f32 v16, v58  }
0x173: {  	v14 =	vadd.f32 v14, v59;
	v13 =	vadd.f32 v13, v60  }
0x174: {  	v61 =	vld.idx.msk [tilespmem:v12+s18+$0x0], $0xffff  }
0x175: {  	v15 =	vadd.f32 v16, v15;
	v13 =	vadd.f32 v13, v14  }
0x176: {  	v62 =	vld.idx.msk [tilespmem:v12+s19+$0x0], $0xffff  }
0x177: {  	v13 =	vadd.f32 v13, v15  }
0x178: {  	v63 =	vld.idx.msk [tilespmem:v12+s14+$0x0], $0xffff  }
0x179: {  	v13 =	vadd.f32 v61, v13;
	_ =	sdelay $0x1  }
0x17a: {  	v13 =	vadd.f32 v62, v13  }
0x17b: {  	v12 =	vld.idx.msk [tilespmem:v12+s15+$0x0], $0xffff  }
0x17c: {  	s11 =	sadd.s32 $0x1, s11;
	v13 =	vsub.f32 v13, v63  }
0x17d: {  	p0 =	sne.s32 s11, $0x6  }
.Ltmp7:
0x17e: {  	v13 =	vmul.f32 v13, v13;
	(pc) =	sbr.rel @p0 .LBB2_14-.Ltmp7, $3  }
0x17f: {  	_ = 	snop  }
0x180: {  	v12 =	vmul.f32 v13, v12;
	_ =	sdelay $0x1  }
0x181: {  	v11 =	vadd.f32 v12, v11  }
0x182: {  	_ =	swait.ge [sflag:s8], $0x1000  }
0x183: {  	[sflag:s8] =	ssyncset.done $0x0  }
0x184: {  	[sflag:s8] =	ssyncadd.s32 $0xFFFFF000  }
0x185: {  	_ =	swait.ge [sflag:s8], $0x1000  }
0x186: {  	[sflag:s8] =	ssyncset.done $0x0  }
0x187: {  	s11 =	simm.s32 $0x0;
	p1 =	por $0x1, $0x1;
	[sflag:s8] =	ssyncadd.s32 $0xFFFFF000  }
.LBB2_18:
0x188: {  	v12 =	vmov s11;
	s11 =	simm.s32 $0x0  }
0x189: {  	v13 =	vshll.u32 v12, $0x7;
	v15 =	vadd.s32 s11, v5  }
0x18a: {  	v13 =	vor.u32 v8, v13;
	v15 =	vand.u32 $0x7F, v15  }
0x18b: {  	v14 =	vadd.s32 s11, v4;
	v17 =	vor.u32 v13, v15  }
0x18c: {  	v14 =	vand.u32 $0x7F, v14  }
0x18d: {  	v14 =	vor.u32 v13, v14;
	v15 =	vadd.s32 s11, v6  }
0x18e: {  	v15 =	vand.u32 $0x7F, v15  }
0x18f: {  	v16 =	vadd.s32 s11, v0;
	v20 =	vor.u32 v13, v15  }
0x190: {  	v15 =	vand.u32 $0x7F, v16;
	v16 =	vld.idx.msk [tilespmem:v17+s22+$0x0], $0xffff  }
0x191: {  	v21 =	vor.u32 v13, v15;
	v19 =	vld.idx.msk [tilespmem:v17+s26+$0x0], $0xffff;
	v17 =	vadd.s32 s11, v1  }
0x192: {  	v23 =	vld.idx.msk [tilespmem:v14+s22+$0x0], $0xffff;
	v26 =	vand.u32 $0x7F, v17  }
0x193: {  	v22 =	vadd.s32 s11, v2;
	v15 =	vld.idx.msk [tilespmem:v14+s26+$0x0], $0xffff;
	v28 =	vor.u32 v13, v26  }
0x194: {  	v22 =	vand.u32 $0x7F, v22;
	v14 =	vld.idx.msk [tilespmem:v20+s22+$0x0], $0xffff  }
0x195: {  	v18 =	vimm.f32 $0.0e+00;
	v25 =	vadd.s32 s11, v3;
	v27 =	vor.u32 v13, v22;
	v17 =	vld.idx.msk [tilespmem:v20+s26+$0x0], $0xffff  }
0x196: {  	v24 =	vadd.s32 s11, v7;
	v22 =	vimm.f32 $0.0e+00;
	v20 =	vand.u32 $0x7F, v25;
	v25 =	vld.idx.msk [tilespmem:v21+s22+$0x0], $0xffff  }
0x197: {  	p0 =	por p1, p1;
	v29 =	vor.u32 v13, v20;
	v26 =	vld.idx.msk [tilespmem:v21+s26+$0x0], $0xffff;
	v20 =	vimm.f32 $0.0e+00;
	v21 =	vimm.f32 $0.0e+00  }
.LBB2_19:
0x198: {  	s11 =	sadd.s32 $0x8, s11;
	v30 =	vld.idx.msk [tilespmem:v28+s22+$0x0], $0xffff;
	v24 =	vand.u32 $0x7F, v24  }
0x199: {  	v31 =	vadd.s32 s11, v4;
	p1 =	slt.u32 s11, $0x78;
	v32 =	vld.idx.msk [tilespmem:v28+s26+$0x0], $0xffff;
	v28 =	vor.u32 v13, v24  }
0x19a: {  	v24 =	vand.u32 $0x7F, v31;
	v31 =	vld.idx.msk [tilespmem:v27+s22+$0x0], $0xffff  }
0x19b: {  	v33 =	vor.u32 v13, v24;
	v24 =	vadd.s32 s11, v5;
	v34 =	vld.idx.msk [tilespmem:v27+s26+$0x0], $0xffff  }
0x19c: {  	v24 =	vand.u32 $0x7F, v24;
	v35 =	vld.idx.msk [tilespmem:v29+s22+$0x0], $0xffff  }
0x19d: {  	v27 =	vadd.s32 s11, v6;
	v36 =	vor.u32 v13, v24;
	v24 =	vadd.s32 s11, v7;
	v29 =	vld.idx.msk [tilespmem:v29+s26+$0x0], $0xffff  }
0x19e: {  	v37 =	vadd.s32 s11, v0;
	v38 =	vadd.s32 s11, v1;
	v27 =	vand.u32 $0x7F, v27;
	v39 =	vld.idx.msk [tilespmem:v28+s22+$0x0], $0xffff  }
0x19f: {  	v40 =	vadd.s32 s11, v2;
	v41 =	vadd.s32 s11, v3;
	v42 =	vor.u32 v13, v27;
	v43 =	vld.idx.msk [tilespmem:v28+s26+$0x0], $0xffff  }
0x1a0: {  	v27 =	vand.u32 $0x7F, v37;
	v37 =	vand.u32 $0x7F, v40;
	v28 =	vand.u32 $0x7F, v38;
	v38 =	vld.idx.msk [tilespmem:v33+s22+$0x0], $0xffff  }
0x1a1: {  	v23 =	vmul.f32 v15, v23;
	v40 =	vor.u32 v13, v27;
	v15 =	vld.idx.msk [tilespmem:v33+s26+$0x0], $0xffff;
	v33 =	vmul.f32 v19, v16  }
0x1a2: {  	v25 =	vmul.f32 v26, v25;
	v26 =	vmul.f32 v32, v30;
	v28 =	vor.u32 v13, v28;
	v16 =	vld.idx.msk [tilespmem:v36+s22+$0x0], $0xffff  }
.Ltmp8:
0x1a3: {  	v27 =	vor.u32 v13, v37;
	v30 =	vmul.f32 v34, v31;
	v29 =	vmul.f32 v29, v35;
	v19 =	vld.idx.msk [tilespmem:v36+s26+$0x0], $0xffff;
	(pc) =	sbr.rel @p1 .LBB2_19-.Ltmp8, $4  }
0x1a4: {  	v18 =	vadd.f32 v25, v18;
	v22 =	vadd.f32 v26, v22;
	v31 =	vmul.f32 v17, v14;
	v14 =	vld.idx.msk [tilespmem:v42+s22+$0x0], $0xffff  }
0x1a5: {  	v20 =	vadd.f32 v30, v20;
	v21 =	vadd.f32 v29, v21;
	v30 =	vmul.f32 v43, v39;
	v17 =	vld.idx.msk [tilespmem:v42+s26+$0x0], $0xffff  }
0x1a6: {  	v18 =	vadd.f32 v23, v18;
	v22 =	vadd.f32 v33, v22;
	v29 =	vand.u32 $0x7F, v41;
	v23 =	vmovc v38;
	v25 =	vld.idx.msk [tilespmem:v40+s22+$0x0], $0xffff  }
0x1a7: {  	v20 =	vadd.f32 v31, v20;
	v29 =	vor.u32 v13, v29;
	v21 =	vadd.f32 v30, v21;
	v26 =	vld.idx.msk [tilespmem:v40+s26+$0x0], $0xffff  }
0x1a8: {  	_ =	sdelay $0x3  }
0x1a9: {  	v30 =	vld.idx.msk [tilespmem:v28+s22+$0x0], $0xffff;
	v24 =	vand.u32 $0x7F, v24  }
0x1aa: {  	v50 =	vld.idx.msk [tilespmem:v28+s26+$0x0], $0xffff;
	v13 =	vor.u32 v13, v24  }
0x1ab: {  	v51 =	vld.idx.msk [tilespmem:v27+s22+$0x0], $0xffff  }
0x1ac: {  	v52 =	vld.idx.msk [tilespmem:v27+s26+$0x0], $0xffff  }
0x1ad: {  	v31 =	vld.idx.msk [tilespmem:v29+s22+$0x0], $0xffff  }
0x1ae: {  	v53 =	vld.idx.msk [tilespmem:v29+s26+$0x0], $0xffff  }
0x1af: {  	v32 =	vld.idx.msk [tilespmem:v13+s22+$0x0], $0xffff  }
0x1b0: {  	v13 =	vld.idx.msk [tilespmem:v13+s26+$0x0], $0xffff  }
0x1b1: {  	v15 =	vmul.f32 v15, v23;
	v16 =	vmul.f32 v19, v16  }
0x1b2: {  	v56 =	vor.u32 $0x1E0, v0;
	v54 =	vmul.f32 v26, v25;
	v55 =	vmul.f32 v50, v30  }
0x1b3: {  	v12 =	vor.u32 v56, v12;
	v24 =	vmul.f32 v52, v51;
	v57 =	vmul.f32 v53, v31  }
0x1b4: {  	v14 =	vmul.f32 v17, v14;
	v18 =	vadd.f32 v54, v18;
	v58 =	vadd.f32 v55, v22  }
0x1b5: {  	v59 =	vadd.f32 v24, v20;
	v60 =	vadd.f32 v57, v21;
	v13 =	vmul.f32 v13, v32  }
0x1b6: {  	v15 =	vadd.f32 v15, v18;
	v16 =	vadd.f32 v16, v58  }
0x1b7: {  	v14 =	vadd.f32 v14, v59;
	v13 =	vadd.f32 v13, v60  }
0x1b8: {  	v61 =	vld.idx.msk [tilespmem:v12+s18+$0x0], $0xffff  }
0x1b9: {  	v15 =	vadd.f32 v16, v15;
	v13 =	vadd.f32 v13, v14  }
0x1ba: {  	v62 =	vld.idx.msk [tilespmem:v12+s19+$0x0], $0xffff  }
0x1bb: {  	v13 =	vadd.f32 v13, v15  }
0x1bc: {  	v63 =	vld.idx.msk [tilespmem:v12+s14+$0x0], $0xffff  }
0x1bd: {  	v13 =	vadd.f32 v61, v13;
	_ =	sdelay $0x1  }
0x1be: {  	v13 =	vadd.f32 v62, v13  }
0x1bf: {  	v12 =	vld.idx.msk [tilespmem:v12+s15+$0x0], $0xffff  }
0x1c0: {  	v13 =	vsub.f32 v13, v63;
	_ =	sdelay $0x1  }
.Ltmp9:
0x1c1: {  	v13 =	vmul.f32 v13, v13;
	(pc) =	sbr.rel @p0 .LBB2_18-.Ltmp9, $3  }
0x1c2: {  	_ = 	snop  }
0x1c3: {  	v12 =	vmul.f32 v13, v12;
	_ =	sdelay $0x1  }
0x1c4: {  	s11 =	simm.s32 $0x10;
	p1 =	por $0x0, $0x0;
	v11 =	vadd.f32 v12, v11  }
0x1c5: {  	_ = 	snop  }
0x1c6: {  	s11 =	rddreg [dreg:$0xc];
	s12 =	simm.s32 $0x18C00;
	s29 =	simm.s32 $0x5;
	[tilespmem:$0x18C00] =	vst v11  }
0x1c7: {  	[hbm4b:s11+s5] =	stream.linear.scatter [tilespmem:s12], [sflag:$0x5], $0x80, $0x38;
	[tilespmem:$0x18C80] =	vst v63  }
0x1c8: {  	_ =	swait.ge [sflag:s29], $0x80  }
0x1c9: {  	s10 =	sadd.s32 $0x1, s10;
	s31 =	rddreg [dreg:$0xd]  }
0x1ca: {  	p0 =	sne.s32 s10, s31  }
.Ltmp10:
0x1cb: {  	_ = 	snop;
	(pc) =	sbr.rel @p0 .LBB2_1-.Ltmp10, $3  }
0x1cc: {  	_ =	sdelay $0x1  }
0x1cd: {  	[sflag:s29] =	ssyncset.done $0x0  }
0x1ce: {  	[sflag:s29] =	ssyncadd.s32 $0xFFFFFF80  }
0x1cf: {  	_ =	sfence.sel $0x180000  }
0x1d0: {  	[bflag:$0x0] =	sbarrier.arrive $0xFFFF  }
0x1d1: {  	_ =	strace $0x90000047  }
0x1d2: {  	s0 =	stileid.u32;
	[bflag:$0x2] =	sbarrier.arrive $0xFFFF  }
0x1d3: {  	p0 =	sne.s32 s0, $0x0;
	s0 =	rddreg [dreg:$0x7]  }
0x1d4: {  	s0 =	sadd.s32 @!p0 $0x100000, s0  }
0x1d5: {  	[sflag:s0] =	ssyncadd.tile.s32 @!p0 $0x1;
	_ =	shalt  }
.Lfunc_end2:
_tile_overlayer_lowered:
.L_overlay_start_2:
0x1d6: {  	(tag) =	ssettag $0x2  }
0x1d7: {  	s0 =	rddreg [dreg:$0x0];
	s2 =	stileid.u32  }
0x1d8: {  	s1 =	rddreg [dreg:$0x1];
	p0 =	sne.s32 s2, $0x0  }
0x1d9: {  	s3 =	rddreg [dreg:$0x2];
	[bflag:$0x3] =	sbarrier.arrive $0xFFFF;
	s2 =	simm.s32 @!p0 $0x1C05  }
0x1da: {  	[timem:s3], [sflag:s2] =	dma.local @!p0 [hbm:s0], s1  }
0x1db: {  	s0 =	simm.s32 @!p0 $0x5  }
0x1dc: {  	_ =	swait.ge @!p0 [sflag:s0], s1  }
0x1dd: {  	s1 =	ssub.s32 @!p0 $0x0, s1;
	[sflag:s0] =	ssyncset.done @!p0 $0x0  }
0x1de: {  	[sflag:s0] =	ssyncadd.s32 @!p0 s1  }
0x1df: {  	[bflag:$0x3] =	sbarrier.arrive $0xFFFF  }
0x1e0: {  	_ =	shalt  }

</sc_bundles>
